<compile_context>
chip_gen: v7x
topology: tpu7x:2x2x1
jax: 0.10.2.dev20260603
libtpu: 0.0.44.dev20260713+nightly
codegen_flags: <defaults>
</compile_context>

<pallas_src>
import jax
import jax.numpy as jnp
from jax import lax
from jax.experimental import pallas as pl
from jax.experimental.pallas import tpu as pltpu
from jax.experimental.pallas import tpu_sc as plsc

NFEATURES = 1_000_000
SIZE_HA = 32
BATCH = 16384
NFIELDS = 100

_INFO = plsc.get_sparse_core_info()
NC = _INFO.num_cores
NS = _INFO.num_subcores
NW = NC * NS
B_PER_W = BATCH // NW
CHUNK = 16
NCHUNKS = B_PER_W // CHUNK
HALF = 16


def _sc_body(phi_hbm, table_hbm, bias_hbm, out_hbm,
             idx0, idx1, rows0, rows1, out0, out1, bias_v,
             sem0, sem1, osem0, osem1):
    wid = lax.axis_index("s") * NC + lax.axis_index("c")
    base0 = wid * B_PER_W

    pltpu.sync_copy(bias_hbm, bias_v)
    b0 = bias_v[pl.ds(0, HALF)]
    b1 = bias_v[pl.ds(HALF, HALF)]

    def issue(g, idx_v, rows_v, sem):
        pltpu.sync_copy(phi_hbm.at[pl.ds(base0 + g * CHUNK, CHUNK)], idx_v)
        for c in range(CHUNK):
            pltpu.async_copy(
                table_hbm.at[idx_v.at[c]],
                rows_v.at[pl.ds(c * NFIELDS, NFIELDS)],
                sem,
            )

    def drain(rows_v, sem):
        pltpu.make_async_copy(
            table_hbm.at[pl.ds(0, CHUNK * NFIELDS)], rows_v, sem
        ).wait()

    def reduce_chunk(g, rows_v, out_v, osem):
        def per_row(c, _):
            rbase = c * NFIELDS

            def per_field(f, accs):
                p0a, p0b, p1a, p1b, p2a, p2b, p3a, p3b = accs
                r = rbase + f * 4
                p0a = p0a + rows_v[r, pl.ds(0, HALF)]
                p0b = p0b + rows_v[r, pl.ds(HALF, HALF)]
                p1a = p1a + rows_v[r + 1, pl.ds(0, HALF)]
                p1b = p1b + rows_v[r + 1, pl.ds(HALF, HALF)]
                p2a = p2a + rows_v[r + 2, pl.ds(0, HALF)]
                p2b = p2b + rows_v[r + 2, pl.ds(HALF, HALF)]
                p3a = p3a + rows_v[r + 3, pl.ds(0, HALF)]
                p3b = p3b + rows_v[r + 3, pl.ds(HALF, HALF)]
                return p0a, p0b, p1a, p1b, p2a, p2b, p3a, p3b

            z = jnp.zeros((HALF,), jnp.float32)
            accs = lax.fori_loop(0, NFIELDS // 4, per_field, (z,) * 8)
            s0 = (accs[0] + accs[2]) + (accs[4] + accs[6]) + b0
            s1 = (accs[1] + accs[3]) + (accs[5] + accs[7]) + b1
            e0 = jnp.exp(s0 + s0)
            e1 = jnp.exp(s1 + s1)
            out_v[c, pl.ds(0, HALF)] = (e0 - 1.0) / (e0 + 1.0)
            out_v[c, pl.ds(HALF, HALF)] = (e1 - 1.0) / (e1 + 1.0)
            return 0

        lax.fori_loop(0, CHUNK, per_row, 0)
        pltpu.async_copy(out_v, out_hbm.at[pl.ds(base0 + g * CHUNK, CHUNK)],
                         osem)

    def drain_out(out_v, osem):
        pltpu.make_async_copy(out_v, out_hbm.at[pl.ds(0, CHUNK)], osem).wait()

    issue(0, idx0, rows0, sem0)

    def pair_body(t, _):
        g0 = 2 * t
        issue(g0 + 1, idx1, rows1, sem1)
        drain(rows0, sem0)
        reduce_chunk(g0, rows0, out0, osem0)

        @pl.when(t + 1 < NCHUNKS // 2)
        def _():
            issue(g0 + 2, idx0, rows0, sem0)

        drain(rows1, sem1)
        reduce_chunk(g0 + 1, rows1, out1, osem1)
        drain_out(out0, osem0)
        drain_out(out1, osem1)
        return 0

    lax.fori_loop(0, NCHUNKS // 2, pair_body, 0)



NROWS = NFEATURES + 1
TPAD_ROWS = 1_000_008
T1D_LEN = TPAD_ROWS * SIZE_HA
TCOLS = 512
NFULL = NROWS // TCOLS
TAIL = NROWS - NFULL * TCOLS
NSTEPS = NFULL


SWROW = TCOLS + HALF
SWOFF = HALF
SWLEN = HALF * SWROW * 2 + HALF
NDIAG = TCOLS + HALF
OUTOFF = 512
OUTLEN = OUTOFF + TCOLS * SIZE_HA + OUTOFF - 32


def _transpose_body(tt_hbm, tail_hbm, t1d_hbm, in0, in1, out0, out1, sw,
                    tail_v, isem0, isem1, osem0, osem1):
    wid = lax.axis_index("s") * NC + lax.axis_index("c")
    gdiag = lax.iota(jnp.int32, HALF) * (SWROW + 1)
    sdiag = lax.iota(jnp.int32, HALF) * (SIZE_HA + 1)

    def issue_in(k, in_v, sem):
        pltpu.async_copy(tt_hbm.at[:, pl.ds(k * TCOLS, TCOLS)], in_v, sem)

    def transpose(in_v, out_v):
        def per_c(c, _):
            @plsc.parallel_loop(0, TCOLS // HALF, unroll=8)
            def _copy(j):
                sw[pl.ds(c * SWROW + SWOFF + j * HALF, HALF)] = (
                    in_v[c, pl.ds(j * HALF, HALF)])

            return 0

        lax.fori_loop(0, SIZE_HA, per_c, 0)

        def per_q(q, carry):
            g0, g1, g2, g3, s0, s1, s2, s3 = carry
            for gi, si in ((g0, s0), (g1, s1), (g2, s2), (g3, s3)):
                v_lo = plsc.load_gather(sw, [gi])
                v_hi = plsc.load_gather(sw, [gi + HALF * SWROW])
                plsc.store_scatter(out_v, [si], v_lo)
                plsc.store_scatter(out_v, [si + HALF], v_hi)
            return (g0 + 4, g1 + 4, g2 + 4, g3 + 4,
                    s0 + 4 * SIZE_HA, s1 + 4 * SIZE_HA, s2 + 4 * SIZE_HA,
                    s3 + 4 * SIZE_HA)

        lax.fori_loop(
            0, NDIAG // 4, per_q,
            (gdiag, gdiag + 1, gdiag + 2, gdiag + 3,
             sdiag, sdiag + SIZE_HA, sdiag + 2 * SIZE_HA,
             sdiag + 3 * SIZE_HA),
            unroll=2)

    def handle(i, in_v, out_v, isem, osem):
        k = wid + i * NW
        pltpu.make_async_copy(tt_hbm.at[:, pl.ds(0, TCOLS)], in_v,
                              isem).wait()
        transpose(in_v, out_v)
        pltpu.async_copy(out_v.at[pl.ds(OUTOFF, TCOLS * SIZE_HA)],
                         t1d_hbm.at[pl.ds(k * TCOLS * SIZE_HA,
                                          TCOLS * SIZE_HA)],
                         osem)
        pltpu.make_async_copy(out_v.at[pl.ds(OUTOFF, TCOLS * SIZE_HA)],
                              t1d_hbm.at[pl.ds(0, TCOLS * SIZE_HA)],
                              osem).wait()

    @pl.when(wid == 0)
    def _():
        pltpu.sync_copy(tail_hbm, tail_v)
        pltpu.sync_copy(tail_v, t1d_hbm.at[pl.ds(NFULL * TCOLS * SIZE_HA,
                                                 TAIL * SIZE_HA)])

    my_steps = (NSTEPS - 1 - wid) // NW + 1
    issue_in(wid, in0, isem0)
    MAXSTEPS = -(-NSTEPS // NW)

    def pair_body(t, _):
        i0 = 2 * t
        i1 = i0 + 1

        @pl.when(i1 < my_steps)
        def _():
            issue_in(wid + i1 * NW, in1, isem1)

        @pl.when(i0 < my_steps)
        def _():
            handle(i0, in0, out0, isem0, osem0)

        @pl.when(i0 + 2 < my_steps)
        def _():
            issue_in(wid + (i0 + 2) * NW, in0, isem0)

        @pl.when(i1 < my_steps)
        def _():
            handle(i1, in1, out1, isem1, osem1)

        return 0

    lax.fori_loop(0, (MAXSTEPS + 1) // 2, pair_body, 0)


@jax.jit
def _hmodel_sc(phi_a, table, bias):
    mesh = plsc.VectorSubcoreMesh(core_axis_name="c", subcore_axis_name="s")
    tail = jnp.ravel(lax.slice(table, (NFULL * TCOLS, 0), (NROWS, SIZE_HA)))
    t1d = pl.kernel(
        _transpose_body,
        out_type=jax.ShapeDtypeStruct((T1D_LEN,), jnp.float32),
        mesh=mesh,
        compiler_params=pltpu.CompilerParams(use_tc_tiling_on_sc=True,
                                             needs_layout_passes=False),
        scratch_types=[
            pltpu.VMEM((SIZE_HA, TCOLS), jnp.float32),
            pltpu.VMEM((SIZE_HA, TCOLS), jnp.float32),
            pltpu.VMEM((OUTLEN,), jnp.float32),
            pltpu.VMEM((OUTLEN,), jnp.float32),
            pltpu.VMEM((SWLEN,), jnp.float32),
            pltpu.VMEM((TAIL * SIZE_HA,), jnp.float32),
            pltpu.SemaphoreType.DMA,
            pltpu.SemaphoreType.DMA,
            pltpu.SemaphoreType.DMA,
            pltpu.SemaphoreType.DMA,
        ],
    )(table.T, tail)
    t2 = t1d.reshape(TPAD_ROWS, SIZE_HA)
    return pl.kernel(
        _sc_body,
        out_type=jax.ShapeDtypeStruct((BATCH, SIZE_HA), jnp.float32),
        mesh=mesh,
        compiler_params=pltpu.CompilerParams(use_tc_tiling_on_sc=False),
        scratch_types=[
            pltpu.VMEM((CHUNK, NFIELDS), jnp.int32),
            pltpu.VMEM((CHUNK, NFIELDS), jnp.int32),
            pltpu.VMEM((CHUNK * NFIELDS, SIZE_HA), jnp.float32),
            pltpu.VMEM((CHUNK * NFIELDS, SIZE_HA), jnp.float32),
            pltpu.VMEM((CHUNK, SIZE_HA), jnp.float32),
            pltpu.VMEM((CHUNK, SIZE_HA), jnp.float32),
            pltpu.VMEM((SIZE_HA,), jnp.float32),
            pltpu.SemaphoreType.DMA,
            pltpu.SemaphoreType.DMA,
            pltpu.SemaphoreType.DMA,
            pltpu.SemaphoreType.DMA,
        ],
    )(phi_a, t2, bias)


def kernel(phi_a, table, bias):
    return _hmodel_sc(phi_a.astype(jnp.int32), table, bias)

# --- scband reference (transcript-rebuilt; emitter-appended) ---
"""Pipeline reference for scband-hmodel-49091476193752 (READ-ONLY COPY).

The authoritative reference and input builder live on the scoring server;
editing this copy changes nothing except your own understanding.
"""

import jax, jax.numpy as jnp
import numpy as np

NFEATURES = 1000000
SIZE_HA = 32
BATCH = 16384
NFIELDS = 100

def setup_inputs(seed: int = 0) -> dict:
    key = jax.random.key(seed)
    k1, k2, k3 = jax.random.split(key, 3)
    phi_a = jax.random.randint(k1, (BATCH, NFIELDS), 0, NFEATURES + 1, dtype=jnp.int64)
    # Embedding table (nfeatures+1, size_ha); padding_idx=0 row is zeroed at init by torch
    table = jax.random.normal(k2, (NFEATURES + 1, SIZE_HA), dtype=jnp.float32)
    table = table.at[0].set(0.0)
    bias = jax.random.normal(k3, (SIZE_HA,), dtype=jnp.float32)
    return {"phi_a": phi_a, "table": table, "bias": bias}

def reference(phi_a, table, bias):
    # Enforce padding_idx=0 semantics (row 0 contributes zeros)
    table = table.at[0].set(0.0)
    ft_embed = jnp.take(table, phi_a, axis=0)            # [B, F, D] gather
    sum_embed = jnp.sum(ft_embed, axis=1)                # [B, D]
    out = jnp.tanh(sum_embed + bias[None, :])            # broadcast bias over batch
    return out

if __name__ == "__main__":
    import jax
    _d = setup_inputs()
    print(jax.jit(kernel)(*tuple(_d.values())))

</pallas_src>

<mosaic_0001>
#map = affine_map<(d0, d1) -> (0, 0)>
#map1 = affine_map<(d0, d1) -> (0)>
module attributes {stable_mosaic.version = 14 : i64} {
  func.func @_sc_body(%arg0: i32, %arg1: i32, %arg2: memref<16384x100xi32, #tpu.memory_space<hbm>>, %arg3: memref<1000008x32xf32, #tpu.memory_space<hbm>>, %arg4: memref<32xf32, #tpu.memory_space<hbm>>, %arg5: memref<16384x32xf32, #tpu.memory_space<hbm>>, %arg6: memref<16x100xi32, #tpu.memory_space<vmem>>, %arg7: memref<16x100xi32, #tpu.memory_space<vmem>>, %arg8: memref<1600x32xf32, #tpu.memory_space<vmem>>, %arg9: memref<1600x32xf32, #tpu.memory_space<vmem>>, %arg10: memref<16x32xf32, #tpu.memory_space<vmem>>, %arg11: memref<16x32xf32, #tpu.memory_space<vmem>>, %arg12: memref<32xf32, #tpu.memory_space<vmem>>, %arg13: memref<!tpu.dma_semaphore, #tpu.memory_space<semaphore_mem>>, %arg14: memref<!tpu.dma_semaphore, #tpu.memory_space<semaphore_mem>>, %arg15: memref<!tpu.dma_semaphore, #tpu.memory_space<semaphore_mem>>, %arg16: memref<!tpu.dma_semaphore, #tpu.memory_space<semaphore_mem>>) attributes {dimension_semantics = [#tpu.dimension_semantics<core_parallel>, #tpu.dimension_semantics<subcore_parallel>], iteration_bounds = array<i64: 2, 16>, scalar_prefetch = 0 : i64, scratch_operands = 11 : i64, tpu.core_type = #tpu.core_type<sc_vector_subcore>, window_params = [{transform_indices = #map}, {transform_indices = #map}, {transform_indices = #map1}, {transform_indices = #map}]} {
    %mul3A = arith.constant 2 : i32
    %mul3A_0 = arith.muli %arg1, %mul3A : i32
    %add3A = arith.addi %mul3A_0, %arg0 : i32
    %mul3A_1 = arith.constant 512 : i32
    %mul3A_2 = arith.muli %add3A, %mul3A_1 : i32
    "tpu.region"() ({
      %run_scoped3A = tpu.sem_alloc : memref<!tpu.dma_semaphore, #tpu.memory_space<semaphore_mem>>
      tpu.enqueue_dma source(%arg4 : memref<32xf32, #tpu.memory_space<hbm>>) target(%arg12 : memref<32xf32, #tpu.memory_space<vmem>>) target_semaphore(%run_scoped3A : memref<!tpu.dma_semaphore, #tpu.memory_space<semaphore_mem>>)
      tpu.wait_dma2 semaphore(%run_scoped3A : memref<!tpu.dma_semaphore, #tpu.memory_space<semaphore_mem>>) src(%arg4 : memref<32xf32, #tpu.memory_space<hbm>>) dst(%arg12 : memref<32xf32, #tpu.memory_space<vmem>>)
      tpu.yield
    }) : () -> ()
    %get3A = arith.constant 0 : index
    %get3A_3 = tpu.vector_load %arg12[%get3A] {strides = array<i32>} : memref<32xf32, #tpu.memory_space<vmem>>, vector<16xf32>,
    %get3A_4 = vector.shape_cast %get3A_3 : vector<16xf32> to vector<16xf32>
    %get3A_5 = arith.constant 16 : index
    %get3A_6 = tpu.vector_load %arg12[%get3A_5] {strides = array<i32>} : memref<32xf32, #tpu.memory_space<vmem>>, vector<16xf32>,
    %get3A_7 = vector.shape_cast %get3A_6 : vector<16xf32> to vector<16xf32>
    %add3A_8 = arith.constant 0 : i32
    %add3A_9 = arith.addi %mul3A_2, %add3A_8 : i32
    "tpu.region"() ({
      %run_scoped3A = tpu.sem_alloc : memref<!tpu.dma_semaphore, #tpu.memory_space<semaphore_mem>>
      %dma_start3A_175 = arith.constant 0 : i32
      %dma_start3A_176 = tpu.memref_slice %arg2[%add3A_9, %dma_start3A_175] : memref<16384x100xi32, #tpu.memory_space<hbm>> -> memref<16x100xi32, #tpu.memory_space<hbm>>
      %dma_start3A_177 = arith.constant 0 : i32
      %dma_start3A_178 = tpu.memref_slice %arg2[%add3A_9, %dma_start3A_177] : memref<16384x100xi32, #tpu.memory_space<hbm>> -> memref<16x100xi32, #tpu.memory_space<hbm>>
      tpu.enqueue_dma source(%dma_start3A_178 : memref<16x100xi32, #tpu.memory_space<hbm>>) target(%arg6 : memref<16x100xi32, #tpu.memory_space<vmem>>) target_semaphore(%run_scoped3A : memref<!tpu.dma_semaphore, #tpu.memory_space<semaphore_mem>>)
      %dma_wait3A = arith.constant 0 : i32
      %dma_wait3A_179 = tpu.memref_slice %arg2[%add3A_9, %dma_wait3A] : memref<16384x100xi32, #tpu.memory_space<hbm>> -> memref<16x100xi32, #tpu.memory_space<hbm>>
      %dma_wait3A_180 = arith.constant 0 : i32
      %dma_wait3A_181 = tpu.memref_slice %arg2[%add3A_9, %dma_wait3A_180] : memref<16384x100xi32, #tpu.memory_space<hbm>> -> memref<16x100xi32, #tpu.memory_space<hbm>>
      tpu.wait_dma2 semaphore(%run_scoped3A : memref<!tpu.dma_semaphore, #tpu.memory_space<semaphore_mem>>) src(%dma_wait3A_181 : memref<16x100xi32, #tpu.memory_space<hbm>>) dst(%arg6 : memref<16x100xi32, #tpu.memory_space<vmem>>)
      tpu.yield
    }) : () -> ()
    %dma_start3A = arith.constant 0 : i32
    %dma_start3A_10 = arith.constant 0 : i32
    %dma_start3A_11 = arith.constant 0 : i32
    %dma_start3A_12 = tpu.memref_slice %arg8[%dma_start3A_10, %dma_start3A_11] : memref<1600x32xf32, #tpu.memory_space<vmem>> -> memref<100x32xf32, #tpu.memory_space<vmem>>
    %dma_start3A_13 = arith.constant 0 : i32
    %dma_start3A_14 = tpu.memref_slice %arg6[%dma_start3A, %dma_start3A_13] : memref<16x100xi32, #tpu.memory_space<vmem>> -> memref<1x100xi32, #tpu.memory_space<vmem>>
    %dma_start3A_15 = tpu.memref_squeeze %dma_start3A_14 : memref<1x100xi32, #tpu.memory_space<vmem>> -> memref<100xi32, #tpu.memory_space<vmem>>
    %dma_start3A_16 = arith.constant 0 : i32
    %dma_start3A_17 = arith.constant 0 : i32
    %dma_start3A_18 = tpu.memref_slice %arg3[%dma_start3A_16, %dma_start3A_17] : memref<1000008x32xf32, #tpu.memory_space<hbm>> -> memref<1000008x32xf32, #tpu.memory_space<hbm>>
    tpu.enqueue_indirect_dma source(%dma_start3A_18 : memref<1000008x32xf32, #tpu.memory_space<hbm>>) target(%dma_start3A_12 : memref<100x32xf32, #tpu.memory_space<vmem>>) offsets(%dma_start3A_15 : memref<100xi32, #tpu.memory_space<vmem>>) semaphore(%arg13 : memref<!tpu.dma_semaphore, #tpu.memory_space<semaphore_mem>>)
    %dma_start3A_19 = arith.constant 1 : i32
    %dma_start3A_20 = arith.constant 100 : i32
    %dma_start3A_21 = arith.constant 0 : i32
    %dma_start3A_22 = tpu.memref_slice %arg8[%dma_start3A_20, %dma_start3A_21] : memref<1600x32xf32, #tpu.memory_space<vmem>> -> memref<100x32xf32, #tpu.memory_space<vmem>>
    %dma_start3A_23 = arith.constant 0 : i32
    %dma_start3A_24 = tpu.memref_slice %arg6[%dma_start3A_19, %dma_start3A_23] : memref<16x100xi32, #tpu.memory_space<vmem>> -> memref<1x100xi32, #tpu.memory_space<vmem>>
    %dma_start3A_25 = tpu.memref_squeeze %dma_start3A_24 : memref<1x100xi32, #tpu.memory_space<vmem>> -> memref<100xi32, #tpu.memory_space<vmem>>
    %dma_start3A_26 = arith.constant 0 : i32
    %dma_start3A_27 = arith.constant 0 : i32
    %dma_start3A_28 = tpu.memref_slice %arg3[%dma_start3A_26, %dma_start3A_27] : memref<1000008x32xf32, #tpu.memory_space<hbm>> -> memref<1000008x32xf32, #tpu.memory_space<hbm>>
    tpu.enqueue_indirect_dma source(%dma_start3A_28 : memref<1000008x32xf32, #tpu.memory_space<hbm>>) target(%dma_start3A_22 : memref<100x32xf32, #tpu.memory_space<vmem>>) offsets(%dma_start3A_25 : memref<100xi32, #tpu.memory_space<vmem>>) semaphore(%arg13 : memref<!tpu.dma_semaphore, #tpu.memory_space<semaphore_mem>>)
    %dma_start3A_29 = arith.constant 2 : i32
    %dma_start3A_30 = arith.constant 200 : i32
    %dma_start3A_31 = arith.constant 0 : i32
    %dma_start3A_32 = tpu.memref_slice %arg8[%dma_start3A_30, %dma_start3A_31] : memref<1600x32xf32, #tpu.memory_space<vmem>> -> memref<100x32xf32, #tpu.memory_space<vmem>>
    %dma_start3A_33 = arith.constant 0 : i32
    %dma_start3A_34 = tpu.memref_slice %arg6[%dma_start3A_29, %dma_start3A_33] : memref<16x100xi32, #tpu.memory_space<vmem>> -> memref<1x100xi32, #tpu.memory_space<vmem>>
    %dma_start3A_35 = tpu.memref_squeeze %dma_start3A_34 : memref<1x100xi32, #tpu.memory_space<vmem>> -> memref<100xi32, #tpu.memory_space<vmem>>
    %dma_start3A_36 = arith.constant 0 : i32
    %dma_start3A_37 = arith.constant 0 : i32
    %dma_start3A_38 = tpu.memref_slice %arg3[%dma_start3A_36, %dma_start3A_37] : memref<1000008x32xf32, #tpu.memory_space<hbm>> -> memref<1000008x32xf32, #tpu.memory_space<hbm>>
    tpu.enqueue_indirect_dma source(%dma_start3A_38 : memref<1000008x32xf32, #tpu.memory_space<hbm>>) target(%dma_start3A_32 : memref<100x32xf32, #tpu.memory_space<vmem>>) offsets(%dma_start3A_35 : memref<100xi32, #tpu.memory_space<vmem>>) semaphore(%arg13 : memref<!tpu.dma_semaphore, #tpu.memory_space<semaphore_mem>>)
    %dma_start3A_39 = arith.constant 3 : i32
    %dma_start3A_40 = arith.constant 300 : i32
    %dma_start3A_41 = arith.constant 0 : i32
    %dma_start3A_42 = tpu.memref_slice %arg8[%dma_start3A_40, %dma_start3A_41] : memref<1600x32xf32, #tpu.memory_space<vmem>> -> memref<100x32xf32, #tpu.memory_space<vmem>>
    %dma_start3A_43 = arith.constant 0 : i32
    %dma_start3A_44 = tpu.memref_slice %arg6[%dma_start3A_39, %dma_start3A_43] : memref<16x100xi32, #tpu.memory_space<vmem>> -> memref<1x100xi32, #tpu.memory_space<vmem>>
    %dma_start3A_45 = tpu.memref_squeeze %dma_start3A_44 : memref<1x100xi32, #tpu.memory_space<vmem>> -> memref<100xi32, #tpu.memory_space<vmem>>
    %dma_start3A_46 = arith.constant 0 : i32
    %dma_start3A_47 = arith.constant 0 : i32
    %dma_start3A_48 = tpu.memref_slice %arg3[%dma_start3A_46, %dma_start3A_47] : memref<1000008x32xf32, #tpu.memory_space<hbm>> -> memref<1000008x32xf32, #tpu.memory_space<hbm>>
    tpu.enqueue_indirect_dma source(%dma_start3A_48 : memref<1000008x32xf32, #tpu.memory_space<hbm>>) target(%dma_start3A_42 : memref<100x32xf32, #tpu.memory_space<vmem>>) offsets(%dma_start3A_45 : memref<100xi32, #tpu.memory_space<vmem>>) semaphore(%arg13 : memref<!tpu.dma_semaphore, #tpu.memory_space<semaphore_mem>>)
    %dma_start3A_49 = arith.constant 4 : i32
    %dma_start3A_50 = arith.constant 400 : i32
    %dma_start3A_51 = arith.constant 0 : i32
    %dma_start3A_52 = tpu.memref_slice %arg8[%dma_start3A_50, %dma_start3A_51] : memref<1600x32xf32, #tpu.memory_space<vmem>> -> memref<100x32xf32, #tpu.memory_space<vmem>>
    %dma_start3A_53 = arith.constant 0 : i32
    %dma_start3A_54 = tpu.memref_slice %arg6[%dma_start3A_49, %dma_start3A_53] : memref<16x100xi32, #tpu.memory_space<vmem>> -> memref<1x100xi32, #tpu.memory_space<vmem>>
    %dma_start3A_55 = tpu.memref_squeeze %dma_start3A_54 : memref<1x100xi32, #tpu.memory_space<vmem>> -> memref<100xi32, #tpu.memory_space<vmem>>
    %dma_start3A_56 = arith.constant 0 : i32
    %dma_start3A_57 = arith.constant 0 : i32
    %dma_start3A_58 = tpu.memref_slice %arg3[%dma_start3A_56, %dma_start3A_57] : memref<1000008x32xf32, #tpu.memory_space<hbm>> -> memref<1000008x32xf32, #tpu.memory_space<hbm>>
    tpu.enqueue_indirect_dma source(%dma_start3A_58 : memref<1000008x32xf32, #tpu.memory_space<hbm>>) target(%dma_start3A_52 : memref<100x32xf32, #tpu.memory_space<vmem>>) offsets(%dma_start3A_55 : memref<100xi32, #tpu.memory_space<vmem>>) semaphore(%arg13 : memref<!tpu.dma_semaphore, #tpu.memory_space<semaphore_mem>>)
    %dma_start3A_59 = arith.constant 5 : i32
    %dma_start3A_60 = arith.constant 500 : i32
    %dma_start3A_61 = arith.constant 0 : i32
    %dma_start3A_62 = tpu.memref_slice %arg8[%dma_start3A_60, %dma_start3A_61] : memref<1600x32xf32, #tpu.memory_space<vmem>> -> memref<100x32xf32, #tpu.memory_space<vmem>>
    %dma_start3A_63 = arith.constant 0 : i32
    %dma_start3A_64 = tpu.memref_slice %arg6[%dma_start3A_59, %dma_start3A_63] : memref<16x100xi32, #tpu.memory_space<vmem>> -> memref<1x100xi32, #tpu.memory_space<vmem>>
    %dma_start3A_65 = tpu.memref_squeeze %dma_start3A_64 : memref<1x100xi32, #tpu.memory_space<vmem>> -> memref<100xi32, #tpu.memory_space<vmem>>
    %dma_start3A_66 = arith.constant 0 : i32
    %dma_start3A_67 = arith.constant 0 : i32
    %dma_start3A_68 = tpu.memref_slice %arg3[%dma_start3A_66, %dma_start3A_67] : memref<1000008x32xf32, #tpu.memory_space<hbm>> -> memref<1000008x32xf32, #tpu.memory_space<hbm>>
    tpu.enqueue_indirect_dma source(%dma_start3A_68 : memref<1000008x32xf32, #tpu.memory_space<hbm>>) target(%dma_start3A_62 : memref<100x32xf32, #tpu.memory_space<vmem>>) offsets(%dma_start3A_65 : memref<100xi32, #tpu.memory_space<vmem>>) semaphore(%arg13 : memref<!tpu.dma_semaphore, #tpu.memory_space<semaphore_mem>>)
    %dma_start3A_69 = arith.constant 6 : i32
    %dma_start3A_70 = arith.constant 600 : i32
    %dma_start3A_71 = arith.constant 0 : i32
    %dma_start3A_72 = tpu.memref_slice %arg8[%dma_start3A_70, %dma_start3A_71] : memref<1600x32xf32, #tpu.memory_space<vmem>> -> memref<100x32xf32, #tpu.memory_space<vmem>>
    %dma_start3A_73 = arith.constant 0 : i32
    %dma_start3A_74 = tpu.memref_slice %arg6[%dma_start3A_69, %dma_start3A_73] : memref<16x100xi32, #tpu.memory_space<vmem>> -> memref<1x100xi32, #tpu.memory_space<vmem>>
    %dma_start3A_75 = tpu.memref_squeeze %dma_start3A_74 : memref<1x100xi32, #tpu.memory_space<vmem>> -> memref<100xi32, #tpu.memory_space<vmem>>
    %dma_start3A_76 = arith.constant 0 : i32
    %dma_start3A_77 = arith.constant 0 : i32
    %dma_start3A_78 = tpu.memref_slice %arg3[%dma_start3A_76, %dma_start3A_77] : memref<1000008x32xf32, #tpu.memory_space<hbm>> -> memref<1000008x32xf32, #tpu.memory_space<hbm>>
    tpu.enqueue_indirect_dma source(%dma_start3A_78 : memref<1000008x32xf32, #tpu.memory_space<hbm>>) target(%dma_start3A_72 : memref<100x32xf32, #tpu.memory_space<vmem>>) offsets(%dma_start3A_75 : memref<100xi32, #tpu.memory_space<vmem>>) semaphore(%arg13 : memref<!tpu.dma_semaphore, #tpu.memory_space<semaphore_mem>>)
    %dma_start3A_79 = arith.constant 7 : i32
    %dma_start3A_80 = arith.constant 700 : i32
    %dma_start3A_81 = arith.constant 0 : i32
    %dma_start3A_82 = tpu.memref_slice %arg8[%dma_start3A_80, %dma_start3A_81] : memref<1600x32xf32, #tpu.memory_space<vmem>> -> memref<100x32xf32, #tpu.memory_space<vmem>>
    %dma_start3A_83 = arith.constant 0 : i32
    %dma_start3A_84 = tpu.memref_slice %arg6[%dma_start3A_79, %dma_start3A_83] : memref<16x100xi32, #tpu.memory_space<vmem>> -> memref<1x100xi32, #tpu.memory_space<vmem>>
    %dma_start3A_85 = tpu.memref_squeeze %dma_start3A_84 : memref<1x100xi32, #tpu.memory_space<vmem>> -> memref<100xi32, #tpu.memory_space<vmem>>
    %dma_start3A_86 = arith.constant 0 : i32
    %dma_start3A_87 = arith.constant 0 : i32
    %dma_start3A_88 = tpu.memref_slice %arg3[%dma_start3A_86, %dma_start3A_87] : memref<1000008x32xf32, #tpu.memory_space<hbm>> -> memref<1000008x32xf32, #tpu.memory_space<hbm>>
    tpu.enqueue_indirect_dma source(%dma_start3A_88 : memref<1000008x32xf32, #tpu.memory_space<hbm>>) target(%dma_start3A_82 : memref<100x32xf32, #tpu.memory_space<vmem>>) offsets(%dma_start3A_85 : memref<100xi32, #tpu.memory_space<vmem>>) semaphore(%arg13 : memref<!tpu.dma_semaphore, #tpu.memory_space<semaphore_mem>>)
    %dma_start3A_89 = arith.constant 8 : i32
    %dma_start3A_90 = arith.constant 800 : i32
    %dma_start3A_91 = arith.constant 0 : i32
    %dma_start3A_92 = tpu.memref_slice %arg8[%dma_start3A_90, %dma_start3A_91] : memref<1600x32xf32, #tpu.memory_space<vmem>> -> memref<100x32xf32, #tpu.memory_space<vmem>>
    %dma_start3A_93 = arith.constant 0 : i32
    %dma_start3A_94 = tpu.memref_slice %arg6[%dma_start3A_89, %dma_start3A_93] : memref<16x100xi32, #tpu.memory_space<vmem>> -> memref<1x100xi32, #tpu.memory_space<vmem>>
    %dma_start3A_95 = tpu.memref_squeeze %dma_start3A_94 : memref<1x100xi32, #tpu.memory_space<vmem>> -> memref<100xi32, #tpu.memory_space<vmem>>
    %dma_start3A_96 = arith.constant 0 : i32
    %dma_start3A_97 = arith.constant 0 : i32
    %dma_start3A_98 = tpu.memref_slice %arg3[%dma_start3A_96, %dma_start3A_97] : memref<1000008x32xf32, #tpu.memory_space<hbm>> -> memref<1000008x32xf32, #tpu.memory_space<hbm>>
    tpu.enqueue_indirect_dma source(%dma_start3A_98 : memref<1000008x32xf32, #tpu.memory_space<hbm>>) target(%dma_start3A_92 : memref<100x32xf32, #tpu.memory_space<vmem>>) offsets(%dma_start3A_95 : memref<100xi32, #tpu.memory_space<vmem>>) semaphore(%arg13 : memref<!tpu.dma_semaphore, #tpu.memory_space<semaphore_mem>>)
    %dma_start3A_99 = arith.constant 9 : i32
    %dma_start3A_100 = arith.constant 900 : i32
    %dma_start3A_101 = arith.constant 0 : i32
    %dma_start3A_102 = tpu.memref_slice %arg8[%dma_start3A_100, %dma_start3A_101] : memref<1600x32xf32, #tpu.memory_space<vmem>> -> memref<100x32xf32, #tpu.memory_space<vmem>>
    %dma_start3A_103 = arith.constant 0 : i32
    %dma_start3A_104 = tpu.memref_slice %arg6[%dma_start3A_99, %dma_start3A_103] : memref<16x100xi32, #tpu.memory_space<vmem>> -> memref<1x100xi32, #tpu.memory_space<vmem>>
    %dma_start3A_105 = tpu.memref_squeeze %dma_start3A_104 : memref<1x100xi32, #tpu.memory_space<vmem>> -> memref<100xi32, #tpu.memory_space<vmem>>
    %dma_start3A_106 = arith.constant 0 : i32
    %dma_start3A_107 = arith.constant 0 : i32
    %dma_start3A_108 = tpu.memref_slice %arg3[%dma_start3A_106, %dma_start3A_107] : memref<1000008x32xf32, #tpu.memory_space<hbm>> -> memref<1000008x32xf32, #tpu.memory_space<hbm>>
    tpu.enqueue_indirect_dma source(%dma_start3A_108 : memref<1000008x32xf32, #tpu.memory_space<hbm>>) target(%dma_start3A_102 : memref<100x32xf32, #tpu.memory_space<vmem>>) offsets(%dma_start3A_105 : memref<100xi32, #tpu.memory_space<vmem>>) semaphore(%arg13 : memref<!tpu.dma_semaphore, #tpu.memory_space<semaphore_mem>>)
    %dma_start3A_109 = arith.constant 10 : i32
    %dma_start3A_110 = arith.constant 1000 : i32
    %dma_start3A_111 = arith.constant 0 : i32
    %dma_start3A_112 = tpu.memref_slice %arg8[%dma_start3A_110, %dma_start3A_111] : memref<1600x32xf32, #tpu.memory_space<vmem>> -> memref<100x32xf32, #tpu.memory_space<vmem>>
    %dma_start3A_113 = arith.constant 0 : i32
    %dma_start3A_114 = tpu.memref_slice %arg6[%dma_start3A_109, %dma_start3A_113] : memref<16x100xi32, #tpu.memory_space<vmem>> -> memref<1x100xi32, #tpu.memory_space<vmem>>
    %dma_start3A_115 = tpu.memref_squeeze %dma_start3A_114 : memref<1x100xi32, #tpu.memory_space<vmem>> -> memref<100xi32, #tpu.memory_space<vmem>>
    %dma_start3A_116 = arith.constant 0 : i32
    %dma_start3A_117 = arith.constant 0 : i32
    %dma_start3A_118 = tpu.memref_slice %arg3[%dma_start3A_116, %dma_start3A_117] : memref<1000008x32xf32, #tpu.memory_space<hbm>> -> memref<1000008x32xf32, #tpu.memory_space<hbm>>
    tpu.enqueue_indirect_dma source(%dma_start3A_118 : memref<1000008x32xf32, #tpu.memory_space<hbm>>) target(%dma_start3A_112 : memref<100x32xf32, #tpu.memory_space<vmem>>) offsets(%dma_start3A_115 : memref<100xi32, #tpu.memory_space<vmem>>) semaphore(%arg13 : memref<!tpu.dma_semaphore, #tpu.memory_space<semaphore_mem>>)
    %dma_start3A_119 = arith.constant 11 : i32
    %dma_start3A_120 = arith.constant 1100 : i32
    %dma_start3A_121 = arith.constant 0 : i32
    %dma_start3A_122 = tpu.memref_slice %arg8[%dma_start3A_120, %dma_start3A_121] : memref<1600x32xf32, #tpu.memory_space<vmem>> -> memref<100x32xf32, #tpu.memory_space<vmem>>
    %dma_start3A_123 = arith.constant 0 : i32
    %dma_start3A_124 = tpu.memref_slice %arg6[%dma_start3A_119, %dma_start3A_123] : memref<16x100xi32, #tpu.memory_space<vmem>> -> memref<1x100xi32, #tpu.memory_space<vmem>>
    %dma_start3A_125 = tpu.memref_squeeze %dma_start3A_124 : memref<1x100xi32, #tpu.memory_space<vmem>> -> memref<100xi32, #tpu.memory_space<vmem>>
    %dma_start3A_126 = arith.constant 0 : i32
    %dma_start3A_127 = arith.constant 0 : i32
    %dma_start3A_128 = tpu.memref_slice %arg3[%dma_start3A_126, %dma_start3A_127] : memref<1000008x32xf32, #tpu.memory_space<hbm>> -> memref<1000008x32xf32, #tpu.memory_space<hbm>>
    tpu.enqueue_indirect_dma source(%dma_start3A_128 : memref<1000008x32xf32, #tpu.memory_space<hbm>>) target(%dma_start3A_122 : memref<100x32xf32, #tpu.memory_space<vmem>>) offsets(%dma_start3A_125 : memref<100xi32, #tpu.memory_space<vmem>>) semaphore(%arg13 : memref<!tpu.dma_semaphore, #tpu.memory_space<semaphore_mem>>)
    %dma_start3A_129 = arith.constant 12 : i32
    %dma_start3A_130 = arith.constant 1200 : i32
    %dma_start3A_131 = arith.constant 0 : i32
    %dma_start3A_132 = tpu.memref_slice %arg8[%dma_start3A_130, %dma_start3A_131] : memref<1600x32xf32, #tpu.memory_space<vmem>> -> memref<100x32xf32, #tpu.memory_space<vmem>>
    %dma_start3A_133 = arith.constant 0 : i32
    %dma_start3A_134 = tpu.memref_slice %arg6[%dma_start3A_129, %dma_start3A_133] : memref<16x100xi32, #tpu.memory_space<vmem>> -> memref<1x100xi32, #tpu.memory_space<vmem>>
    %dma_start3A_135 = tpu.memref_squeeze %dma_start3A_134 : memref<1x100xi32, #tpu.memory_space<vmem>> -> memref<100xi32, #tpu.memory_space<vmem>>
    %dma_start3A_136 = arith.constant 0 : i32
    %dma_start3A_137 = arith.constant 0 : i32
    %dma_start3A_138 = tpu.memref_slice %arg3[%dma_start3A_136, %dma_start3A_137] : memref<1000008x32xf32, #tpu.memory_space<hbm>> -> memref<1000008x32xf32, #tpu.memory_space<hbm>>
    tpu.enqueue_indirect_dma source(%dma_start3A_138 : memref<1000008x32xf32, #tpu.memory_space<hbm>>) target(%dma_start3A_132 : memref<100x32xf32, #tpu.memory_space<vmem>>) offsets(%dma_start3A_135 : memref<100xi32, #tpu.memory_space<vmem>>) semaphore(%arg13 : memref<!tpu.dma_semaphore, #tpu.memory_space<semaphore_mem>>)
    %dma_start3A_139 = arith.constant 13 : i32
    %dma_start3A_140 = arith.constant 1300 : i32
    %dma_start3A_141 = arith.constant 0 : i32
    %dma_start3A_142 = tpu.memref_slice %arg8[%dma_start3A_140, %dma_start3A_141] : memref<1600x32xf32, #tpu.memory_space<vmem>> -> memref<100x32xf32, #tpu.memory_space<vmem>>
    %dma_start3A_143 = arith.constant 0 : i32
    %dma_start3A_144 = tpu.memref_slice %arg6[%dma_start3A_139, %dma_start3A_143] : memref<16x100xi32, #tpu.memory_space<vmem>> -> memref<1x100xi32, #tpu.memory_space<vmem>>
    %dma_start3A_145 = tpu.memref_squeeze %dma_start3A_144 : memref<1x100xi32, #tpu.memory_space<vmem>> -> memref<100xi32, #tpu.memory_space<vmem>>
    %dma_start3A_146 = arith.constant 0 : i32
    %dma_start3A_147 = arith.constant 0 : i32
    %dma_start3A_148 = tpu.memref_slice %arg3[%dma_start3A_146, %dma_start3A_147] : memref<1000008x32xf32, #tpu.memory_space<hbm>> -> memref<1000008x32xf32, #tpu.memory_space<hbm>>
    tpu.enqueue_indirect_dma source(%dma_start3A_148 : memref<1000008x32xf32, #tpu.memory_space<hbm>>) target(%dma_start3A_142 : memref<100x32xf32, #tpu.memory_space<vmem>>) offsets(%dma_start3A_145 : memref<100xi32, #tpu.memory_space<vmem>>) semaphore(%arg13 : memref<!tpu.dma_semaphore, #tpu.memory_space<semaphore_mem>>)
    %dma_start3A_149 = arith.constant 14 : i32
    %dma_start3A_150 = arith.constant 1400 : i32
    %dma_start3A_151 = arith.constant 0 : i32
    %dma_start3A_152 = tpu.memref_slice %arg8[%dma_start3A_150, %dma_start3A_151] : memref<1600x32xf32, #tpu.memory_space<vmem>> -> memref<100x32xf32, #tpu.memory_space<vmem>>
    %dma_start3A_153 = arith.constant 0 : i32
    %dma_start3A_154 = tpu.memref_slice %arg6[%dma_start3A_149, %dma_start3A_153] : memref<16x100xi32, #tpu.memory_space<vmem>> -> memref<1x100xi32, #tpu.memory_space<vmem>>
    %dma_start3A_155 = tpu.memref_squeeze %dma_start3A_154 : memref<1x100xi32, #tpu.memory_space<vmem>> -> memref<100xi32, #tpu.memory_space<vmem>>
    %dma_start3A_156 = arith.constant 0 : i32
    %dma_start3A_157 = arith.constant 0 : i32
    %dma_start3A_158 = tpu.memref_slice %arg3[%dma_start3A_156, %dma_start3A_157] : memref<1000008x32xf32, #tpu.memory_space<hbm>> -> memref<1000008x32xf32, #tpu.memory_space<hbm>>
    tpu.enqueue_indirect_dma source(%dma_start3A_158 : memref<1000008x32xf32, #tpu.memory_space<hbm>>) target(%dma_start3A_152 : memref<100x32xf32, #tpu.memory_space<vmem>>) offsets(%dma_start3A_155 : memref<100xi32, #tpu.memory_space<vmem>>) semaphore(%arg13 : memref<!tpu.dma_semaphore, #tpu.memory_space<semaphore_mem>>)
    %dma_start3A_159 = arith.constant 15 : i32
    %dma_start3A_160 = arith.constant 1500 : i32
    %dma_start3A_161 = arith.constant 0 : i32
    %dma_start3A_162 = tpu.memref_slice %arg8[%dma_start3A_160, %dma_start3A_161] : memref<1600x32xf32, #tpu.memory_space<vmem>> -> memref<100x32xf32, #tpu.memory_space<vmem>>
    %dma_start3A_163 = arith.constant 0 : i32
    %dma_start3A_164 = tpu.memref_slice %arg6[%dma_start3A_159, %dma_start3A_163] : memref<16x100xi32, #tpu.memory_space<vmem>> -> memref<1x100xi32, #tpu.memory_space<vmem>>
    %dma_start3A_165 = tpu.memref_squeeze %dma_start3A_164 : memref<1x100xi32, #tpu.memory_space<vmem>> -> memref<100xi32, #tpu.memory_space<vmem>>
    %dma_start3A_166 = arith.constant 0 : i32
    %dma_start3A_167 = arith.constant 0 : i32
    %dma_start3A_168 = tpu.memref_slice %arg3[%dma_start3A_166, %dma_start3A_167] : memref<1000008x32xf32, #tpu.memory_space<hbm>> -> memref<1000008x32xf32, #tpu.memory_space<hbm>>
    tpu.enqueue_indirect_dma source(%dma_start3A_168 : memref<1000008x32xf32, #tpu.memory_space<hbm>>) target(%dma_start3A_162 : memref<100x32xf32, #tpu.memory_space<vmem>>) offsets(%dma_start3A_165 : memref<100xi32, #tpu.memory_space<vmem>>) semaphore(%arg13 : memref<!tpu.dma_semaphore, #tpu.memory_space<semaphore_mem>>)
    %scan3A = arith.constant 0 : i32
    %scan3A_169 = arith.constant 0 : i32
    %scan3A_170 = arith.constant 16 : i32
    %scan3A_171 = arith.addi %scan3A_169, %scan3A_170 : i32
    %scan3A_172 = arith.constant 1 : i32
    %scan3A_173 = scf.for %scan3A_175 = %scan3A_169 to %scan3A_171 step %scan3A_172 iter_args(%scan3A_176 = %scan3A) -> (i32)  : i32 {
      %mul3A_177 = arith.constant 2 : i32
      %mul3A_178 = arith.muli %mul3A_177, %scan3A_175 : i32
      %add3A_179 = arith.constant 1 : i32
      %add3A_180 = arith.addi %mul3A_178, %add3A_179 : i32
      %mul3A_181 = arith.constant 16 : i32
      %mul3A_182 = arith.muli %add3A_180, %mul3A_181 : i32
      %add3A_183 = arith.addi %mul3A_2, %mul3A_182 : i32
      "tpu.region"() ({
        %run_scoped3A = tpu.sem_alloc : memref<!tpu.dma_semaphore, #tpu.memory_space<semaphore_mem>>
        %dma_start3A_402 = arith.constant 0 : i32
        %dma_start3A_403 = tpu.memref_slice %arg2[%add3A_183, %dma_start3A_402] : memref<16384x100xi32, #tpu.memory_space<hbm>> -> memref<16x100xi32, #tpu.memory_space<hbm>>
        %dma_start3A_404 = arith.constant 0 : i32
        %dma_start3A_405 = tpu.memref_slice %arg2[%add3A_183, %dma_start3A_404] : memref<16384x100xi32, #tpu.memory_space<hbm>> -> memref<16x100xi32, #tpu.memory_space<hbm>>
        tpu.enqueue_dma source(%dma_start3A_405 : memref<16x100xi32, #tpu.memory_space<hbm>>) target(%arg7 : memref<16x100xi32, #tpu.memory_space<vmem>>) target_semaphore(%run_scoped3A : memref<!tpu.dma_semaphore, #tpu.memory_space<semaphore_mem>>)
        %dma_wait3A_406 = arith.constant 0 : i32
        %dma_wait3A_407 = tpu.memref_slice %arg2[%add3A_183, %dma_wait3A_406] : memref<16384x100xi32, #tpu.memory_space<hbm>> -> memref<16x100xi32, #tpu.memory_space<hbm>>
        %dma_wait3A_408 = arith.constant 0 : i32
        %dma_wait3A_409 = tpu.memref_slice %arg2[%add3A_183, %dma_wait3A_408] : memref<16384x100xi32, #tpu.memory_space<hbm>> -> memref<16x100xi32, #tpu.memory_space<hbm>>
        tpu.wait_dma2 semaphore(%run_scoped3A : memref<!tpu.dma_semaphore, #tpu.memory_space<semaphore_mem>>) src(%dma_wait3A_409 : memref<16x100xi32, #tpu.memory_space<hbm>>) dst(%arg7 : memref<16x100xi32, #tpu.memory_space<vmem>>)
        tpu.yield
      }) : () -> ()
      %dma_start3A_184 = arith.constant 0 : i32
      %dma_start3A_185 = arith.constant 0 : i32
      %dma_start3A_186 = arith.constant 0 : i32
      %dma_start3A_187 = tpu.memref_slice %arg9[%dma_start3A_185, %dma_start3A_186] : memref<1600x32xf32, #tpu.memory_space<vmem>> -> memref<100x32xf32, #tpu.memory_space<vmem>>
      %dma_start3A_188 = arith.constant 0 : i32
      %dma_start3A_189 = tpu.memref_slice %arg7[%dma_start3A_184, %dma_start3A_188] : memref<16x100xi32, #tpu.memory_space<vmem>> -> memref<1x100xi32, #tpu.memory_space<vmem>>
      %dma_start3A_190 = tpu.memref_squeeze %dma_start3A_189 : memref<1x100xi32, #tpu.memory_space<vmem>> -> memref<100xi32, #tpu.memory_space<vmem>>
      %dma_start3A_191 = arith.constant 0 : i32
      %dma_start3A_192 = arith.constant 0 : i32
      %dma_start3A_193 = tpu.memref_slice %arg3[%dma_start3A_191, %dma_start3A_192] : memref<1000008x32xf32, #tpu.memory_space<hbm>> -> memref<1000008x32xf32, #tpu.memory_space<hbm>>
      tpu.enqueue_indirect_dma source(%dma_start3A_193 : memref<1000008x32xf32, #tpu.memory_space<hbm>>) target(%dma_start3A_187 : memref<100x32xf32, #tpu.memory_space<vmem>>) offsets(%dma_start3A_190 : memref<100xi32, #tpu.memory_space<vmem>>) semaphore(%arg14 : memref<!tpu.dma_semaphore, #tpu.memory_space<semaphore_mem>>)
      %dma_start3A_194 = arith.constant 1 : i32
      %dma_start3A_195 = arith.constant 100 : i32
      %dma_start3A_196 = arith.constant 0 : i32
      %dma_start3A_197 = tpu.memref_slice %arg9[%dma_start3A_195, %dma_start3A_196] : memref<1600x32xf32, #tpu.memory_space<vmem>> -> memref<100x32xf32, #tpu.memory_space<vmem>>
      %dma_start3A_198 = arith.constant 0 : i32
      %dma_start3A_199 = tpu.memref_slice %arg7[%dma_start3A_194, %dma_start3A_198] : memref<16x100xi32, #tpu.memory_space<vmem>> -> memref<1x100xi32, #tpu.memory_space<vmem>>
      %dma_start3A_200 = tpu.memref_squeeze %dma_start3A_199 : memref<1x100xi32, #tpu.memory_space<vmem>> -> memref<100xi32, #tpu.memory_space<vmem>>
      %dma_start3A_201 = arith.constant 0 : i32
      %dma_start3A_202 = arith.constant 0 : i32
      %dma_start3A_203 = tpu.memref_slice %arg3[%dma_start3A_201, %dma_start3A_202] : memref<1000008x32xf32, #tpu.memory_space<hbm>> -> memref<1000008x32xf32, #tpu.memory_space<hbm>>
      tpu.enqueue_indirect_dma source(%dma_start3A_203 : memref<1000008x32xf32, #tpu.memory_space<hbm>>) target(%dma_start3A_197 : memref<100x32xf32, #tpu.memory_space<vmem>>) offsets(%dma_start3A_200 : memref<100xi32, #tpu.memory_space<vmem>>) semaphore(%arg14 : memref<!tpu.dma_semaphore, #tpu.memory_space<semaphore_mem>>)
      %dma_start3A_204 = arith.constant 2 : i32
      %dma_start3A_205 = arith.constant 200 : i32
      %dma_start3A_206 = arith.constant 0 : i32
      %dma_start3A_207 = tpu.memref_slice %arg9[%dma_start3A_205, %dma_start3A_206] : memref<1600x32xf32, #tpu.memory_space<vmem>> -> memref<100x32xf32, #tpu.memory_space<vmem>>
      %dma_start3A_208 = arith.constant 0 : i32
      %dma_start3A_209 = tpu.memref_slice %arg7[%dma_start3A_204, %dma_start3A_208] : memref<16x100xi32, #tpu.memory_space<vmem>> -> memref<1x100xi32, #tpu.memory_space<vmem>>
      %dma_start3A_210 = tpu.memref_squeeze %dma_start3A_209 : memref<1x100xi32, #tpu.memory_space<vmem>> -> memref<100xi32, #tpu.memory_space<vmem>>
      %dma_start3A_211 = arith.constant 0 : i32
      %dma_start3A_212 = arith.constant 0 : i32
      %dma_start3A_213 = tpu.memref_slice %arg3[%dma_start3A_211, %dma_start3A_212] : memref<1000008x32xf32, #tpu.memory_space<hbm>> -> memref<1000008x32xf32, #tpu.memory_space<hbm>>
      tpu.enqueue_indirect_dma source(%dma_start3A_213 : memref<1000008x32xf32, #tpu.memory_space<hbm>>) target(%dma_start3A_207 : memref<100x32xf32, #tpu.memory_space<vmem>>) offsets(%dma_start3A_210 : memref<100xi32, #tpu.memory_space<vmem>>) semaphore(%arg14 : memref<!tpu.dma_semaphore, #tpu.memory_space<semaphore_mem>>)
      %dma_start3A_214 = arith.constant 3 : i32
      %dma_start3A_215 = arith.constant 300 : i32
      %dma_start3A_216 = arith.constant 0 : i32
      %dma_start3A_217 = tpu.memref_slice %arg9[%dma_start3A_215, %dma_start3A_216] : memref<1600x32xf32, #tpu.memory_space<vmem>> -> memref<100x32xf32, #tpu.memory_space<vmem>>
      %dma_start3A_218 = arith.constant 0 : i32
      %dma_start3A_219 = tpu.memref_slice %arg7[%dma_start3A_214, %dma_start3A_218] : memref<16x100xi32, #tpu.memory_space<vmem>> -> memref<1x100xi32, #tpu.memory_space<vmem>>
      %dma_start3A_220 = tpu.memref_squeeze %dma_start3A_219 : memref<1x100xi32, #tpu.memory_space<vmem>> -> memref<100xi32, #tpu.memory_space<vmem>>
      %dma_start3A_221 = arith.constant 0 : i32
      %dma_start3A_222 = arith.constant 0 : i32
      %dma_start3A_223 = tpu.memref_slice %arg3[%dma_start3A_221, %dma_start3A_222] : memref<1000008x32xf32, #tpu.memory_space<hbm>> -> memref<1000008x32xf32, #tpu.memory_space<hbm>>
      tpu.enqueue_indirect_dma source(%dma_start3A_223 : memref<1000008x32xf32, #tpu.memory_space<hbm>>) target(%dma_start3A_217 : memref<100x32xf32, #tpu.memory_space<vmem>>) offsets(%dma_start3A_220 : memref<100xi32, #tpu.memory_space<vmem>>) semaphore(%arg14 : memref<!tpu.dma_semaphore, #tpu.memory_space<semaphore_mem>>)
      %dma_start3A_224 = arith.constant 4 : i32
      %dma_start3A_225 = arith.constant 400 : i32
      %dma_start3A_226 = arith.constant 0 : i32
      %dma_start3A_227 = tpu.memref_slice %arg9[%dma_start3A_225, %dma_start3A_226] : memref<1600x32xf32, #tpu.memory_space<vmem>> -> memref<100x32xf32, #tpu.memory_space<vmem>>
      %dma_start3A_228 = arith.constant 0 : i32
      %dma_start3A_229 = tpu.memref_slice %arg7[%dma_start3A_224, %dma_start3A_228] : memref<16x100xi32, #tpu.memory_space<vmem>> -> memref<1x100xi32, #tpu.memory_space<vmem>>
      %dma_start3A_230 = tpu.memref_squeeze %dma_start3A_229 : memref<1x100xi32, #tpu.memory_space<vmem>> -> memref<100xi32, #tpu.memory_space<vmem>>
      %dma_start3A_231 = arith.constant 0 : i32
      %dma_start3A_232 = arith.constant 0 : i32
      %dma_start3A_233 = tpu.memref_slice %arg3[%dma_start3A_231, %dma_start3A_232] : memref<1000008x32xf32, #tpu.memory_space<hbm>> -> memref<1000008x32xf32, #tpu.memory_space<hbm>>
      tpu.enqueue_indirect_dma source(%dma_start3A_233 : memref<1000008x32xf32, #tpu.memory_space<hbm>>) target(%dma_start3A_227 : memref<100x32xf32, #tpu.memory_space<vmem>>) offsets(%dma_start3A_230 : memref<100xi32, #tpu.memory_space<vmem>>) semaphore(%arg14 : memref<!tpu.dma_semaphore, #tpu.memory_space<semaphore_mem>>)
      %dma_start3A_234 = arith.constant 5 : i32
      %dma_start3A_235 = arith.constant 500 : i32
      %dma_start3A_236 = arith.constant 0 : i32
      %dma_start3A_237 = tpu.memref_slice %arg9[%dma_start3A_235, %dma_start3A_236] : memref<1600x32xf32, #tpu.memory_space<vmem>> -> memref<100x32xf32, #tpu.memory_space<vmem>>
      %dma_start3A_238 = arith.constant 0 : i32
      %dma_start3A_239 = tpu.memref_slice %arg7[%dma_start3A_234, %dma_start3A_238] : memref<16x100xi32, #tpu.memory_space<vmem>> -> memref<1x100xi32, #tpu.memory_space<vmem>>
      %dma_start3A_240 = tpu.memref_squeeze %dma_start3A_239 : memref<1x100xi32, #tpu.memory_space<vmem>> -> memref<100xi32, #tpu.memory_space<vmem>>
      %dma_start3A_241 = arith.constant 0 : i32
      %dma_start3A_242 = arith.constant 0 : i32
      %dma_start3A_243 = tpu.memref_slice %arg3[%dma_start3A_241, %dma_start3A_242] : memref<1000008x32xf32, #tpu.memory_space<hbm>> -> memref<1000008x32xf32, #tpu.memory_space<hbm>>
      tpu.enqueue_indirect_dma source(%dma_start3A_243 : memref<1000008x32xf32, #tpu.memory_space<hbm>>) target(%dma_start3A_237 : memref<100x32xf32, #tpu.memory_space<vmem>>) offsets(%dma_start3A_240 : memref<100xi32, #tpu.memory_space<vmem>>) semaphore(%arg14 : memref<!tpu.dma_semaphore, #tpu.memory_space<semaphore_mem>>)
      %dma_start3A_244 = arith.constant 6 : i32
      %dma_start3A_245 = arith.constant 600 : i32
      %dma_start3A_246 = arith.constant 0 : i32
      %dma_start3A_247 = tpu.memref_slice %arg9[%dma_start3A_245, %dma_start3A_246] : memref<1600x32xf32, #tpu.memory_space<vmem>> -> memref<100x32xf32, #tpu.memory_space<vmem>>
      %dma_start3A_248 = arith.constant 0 : i32
      %dma_start3A_249 = tpu.memref_slice %arg7[%dma_start3A_244, %dma_start3A_248] : memref<16x100xi32, #tpu.memory_space<vmem>> -> memref<1x100xi32, #tpu.memory_space<vmem>>
      %dma_start3A_250 = tpu.memref_squeeze %dma_start3A_249 : memref<1x100xi32, #tpu.memory_space<vmem>> -> memref<100xi32, #tpu.memory_space<vmem>>
      %dma_start3A_251 = arith.constant 0 : i32
      %dma_start3A_252 = arith.constant 0 : i32
      %dma_start3A_253 = tpu.memref_slice %arg3[%dma_start3A_251, %dma_start3A_252] : memref<1000008x32xf32, #tpu.memory_space<hbm>> -> memref<1000008x32xf32, #tpu.memory_space<hbm>>
      tpu.enqueue_indirect_dma source(%dma_start3A_253 : memref<1000008x32xf32, #tpu.memory_space<hbm>>) target(%dma_start3A_247 : memref<100x32xf32, #tpu.memory_space<vmem>>) offsets(%dma_start3A_250 : memref<100xi32, #tpu.memory_space<vmem>>) semaphore(%arg14 : memref<!tpu.dma_semaphore, #tpu.memory_space<semaphore_mem>>)
      %dma_start3A_254 = arith.constant 7 : i32
      %dma_start3A_255 = arith.constant 700 : i32
      %dma_start3A_256 = arith.constant 0 : i32
      %dma_start3A_257 = tpu.memref_slice %arg9[%dma_start3A_255, %dma_start3A_256] : memref<1600x32xf32, #tpu.memory_space<vmem>> -> memref<100x32xf32, #tpu.memory_space<vmem>>
      %dma_start3A_258 = arith.constant 0 : i32
      %dma_start3A_259 = tpu.memref_slice %arg7[%dma_start3A_254, %dma_start3A_258] : memref<16x100xi32, #tpu.memory_space<vmem>> -> memref<1x100xi32, #tpu.memory_space<vmem>>
      %dma_start3A_260 = tpu.memref_squeeze %dma_start3A_259 : memref<1x100xi32, #tpu.memory_space<vmem>> -> memref<100xi32, #tpu.memory_space<vmem>>
      %dma_start3A_261 = arith.constant 0 : i32
      %dma_start3A_262 = arith.constant 0 : i32
      %dma_start3A_263 = tpu.memref_slice %arg3[%dma_start3A_261, %dma_start3A_262] : memref<1000008x32xf32, #tpu.memory_space<hbm>> -> memref<1000008x32xf32, #tpu.memory_space<hbm>>
      tpu.enqueue_indirect_dma source(%dma_start3A_263 : memref<1000008x32xf32, #tpu.memory_space<hbm>>) target(%dma_start3A_257 : memref<100x32xf32, #tpu.memory_space<vmem>>) offsets(%dma_start3A_260 : memref<100xi32, #tpu.memory_space<vmem>>) semaphore(%arg14 : memref<!tpu.dma_semaphore, #tpu.memory_space<semaphore_mem>>)
      %dma_start3A_264 = arith.constant 8 : i32
      %dma_start3A_265 = arith.constant 800 : i32
      %dma_start3A_266 = arith.constant 0 : i32
      %dma_start3A_267 = tpu.memref_slice %arg9[%dma_start3A_265, %dma_start3A_266] : memref<1600x32xf32, #tpu.memory_space<vmem>> -> memref<100x32xf32, #tpu.memory_space<vmem>>
      %dma_start3A_268 = arith.constant 0 : i32
      %dma_start3A_269 = tpu.memref_slice %arg7[%dma_start3A_264, %dma_start3A_268] : memref<16x100xi32, #tpu.memory_space<vmem>> -> memref<1x100xi32, #tpu.memory_space<vmem>>
      %dma_start3A_270 = tpu.memref_squeeze %dma_start3A_269 : memref<1x100xi32, #tpu.memory_space<vmem>> -> memref<100xi32, #tpu.memory_space<vmem>>
      %dma_start3A_271 = arith.constant 0 : i32
      %dma_start3A_272 = arith.constant 0 : i32
      %dma_start3A_273 = tpu.memref_slice %arg3[%dma_start3A_271, %dma_start3A_272] : memref<1000008x32xf32, #tpu.memory_space<hbm>> -> memref<1000008x32xf32, #tpu.memory_space<hbm>>
      tpu.enqueue_indirect_dma source(%dma_start3A_273 : memref<1000008x32xf32, #tpu.memory_space<hbm>>) target(%dma_start3A_267 : memref<100x32xf32, #tpu.memory_space<vmem>>) offsets(%dma_start3A_270 : memref<100xi32, #tpu.memory_space<vmem>>) semaphore(%arg14 : memref<!tpu.dma_semaphore, #tpu.memory_space<semaphore_mem>>)
      %dma_start3A_274 = arith.constant 9 : i32
      %dma_start3A_275 = arith.constant 900 : i32
      %dma_start3A_276 = arith.constant 0 : i32
      %dma_start3A_277 = tpu.memref_slice %arg9[%dma_start3A_275, %dma_start3A_276] : memref<1600x32xf32, #tpu.memory_space<vmem>> -> memref<100x32xf32, #tpu.memory_space<vmem>>
      %dma_start3A_278 = arith.constant 0 : i32
      %dma_start3A_279 = tpu.memref_slice %arg7[%dma_start3A_274, %dma_start3A_278] : memref<16x100xi32, #tpu.memory_space<vmem>> -> memref<1x100xi32, #tpu.memory_space<vmem>>
      %dma_start3A_280 = tpu.memref_squeeze %dma_start3A_279 : memref<1x100xi32, #tpu.memory_space<vmem>> -> memref<100xi32, #tpu.memory_space<vmem>>
      %dma_start3A_281 = arith.constant 0 : i32
      %dma_start3A_282 = arith.constant 0 : i32
      %dma_start3A_283 = tpu.memref_slice %arg3[%dma_start3A_281, %dma_start3A_282] : memref<1000008x32xf32, #tpu.memory_space<hbm>> -> memref<1000008x32xf32, #tpu.memory_space<hbm>>
      tpu.enqueue_indirect_dma source(%dma_start3A_283 : memref<1000008x32xf32, #tpu.memory_space<hbm>>) target(%dma_start3A_277 : memref<100x32xf32, #tpu.memory_space<vmem>>) offsets(%dma_start3A_280 : memref<100xi32, #tpu.memory_space<vmem>>) semaphore(%arg14 : memref<!tpu.dma_semaphore, #tpu.memory_space<semaphore_mem>>)
      %dma_start3A_284 = arith.constant 10 : i32
      %dma_start3A_285 = arith.constant 1000 : i32
      %dma_start3A_286 = arith.constant 0 : i32
      %dma_start3A_287 = tpu.memref_slice %arg9[%dma_start3A_285, %dma_start3A_286] : memref<1600x32xf32, #tpu.memory_space<vmem>> -> memref<100x32xf32, #tpu.memory_space<vmem>>
      %dma_start3A_288 = arith.constant 0 : i32
      %dma_start3A_289 = tpu.memref_slice %arg7[%dma_start3A_284, %dma_start3A_288] : memref<16x100xi32, #tpu.memory_space<vmem>> -> memref<1x100xi32, #tpu.memory_space<vmem>>
      %dma_start3A_290 = tpu.memref_squeeze %dma_start3A_289 : memref<1x100xi32, #tpu.memory_space<vmem>> -> memref<100xi32, #tpu.memory_space<vmem>>
      %dma_start3A_291 = arith.constant 0 : i32
      %dma_start3A_292 = arith.constant 0 : i32
      %dma_start3A_293 = tpu.memref_slice %arg3[%dma_start3A_291, %dma_start3A_292] : memref<1000008x32xf32, #tpu.memory_space<hbm>> -> memref<1000008x32xf32, #tpu.memory_space<hbm>>
      tpu.enqueue_indirect_dma source(%dma_start3A_293 : memref<1000008x32xf32, #tpu.memory_space<hbm>>) target(%dma_start3A_287 : memref<100x32xf32, #tpu.memory_space<vmem>>) offsets(%dma_start3A_290 : memref<100xi32, #tpu.memory_space<vmem>>) semaphore(%arg14 : memref<!tpu.dma_semaphore, #tpu.memory_space<semaphore_mem>>)
      %dma_start3A_294 = arith.constant 11 : i32
      %dma_start3A_295 = arith.constant 1100 : i32
      %dma_start3A_296 = arith.constant 0 : i32
      %dma_start3A_297 = tpu.memref_slice %arg9[%dma_start3A_295, %dma_start3A_296] : memref<1600x32xf32, #tpu.memory_space<vmem>> -> memref<100x32xf32, #tpu.memory_space<vmem>>
      %dma_start3A_298 = arith.constant 0 : i32
      %dma_start3A_299 = tpu.memref_slice %arg7[%dma_start3A_294, %dma_start3A_298] : memref<16x100xi32, #tpu.memory_space<vmem>> -> memref<1x100xi32, #tpu.memory_space<vmem>>
      %dma_start3A_300 = tpu.memref_squeeze %dma_start3A_299 : memref<1x100xi32, #tpu.memory_space<vmem>> -> memref<100xi32, #tpu.memory_space<vmem>>
      %dma_start3A_301 = arith.constant 0 : i32
      %dma_start3A_302 = arith.constant 0 : i32
      %dma_start3A_303 = tpu.memref_slice %arg3[%dma_start3A_301, %dma_start3A_302] : memref<1000008x32xf32, #tpu.memory_space<hbm>> -> memref<1000008x32xf32, #tpu.memory_space<hbm>>
      tpu.enqueue_indirect_dma source(%dma_start3A_303 : memref<1000008x32xf32, #tpu.memory_space<hbm>>) target(%dma_start3A_297 : memref<100x32xf32, #tpu.memory_space<vmem>>) offsets(%dma_start3A_300 : memref<100xi32, #tpu.memory_space<vmem>>) semaphore(%arg14 : memref<!tpu.dma_semaphore, #tpu.memory_space<semaphore_mem>>)
      %dma_start3A_304 = arith.constant 12 : i32
      %dma_start3A_305 = arith.constant 1200 : i32
      %dma_start3A_306 = arith.constant 0 : i32
      %dma_start3A_307 = tpu.memref_slice %arg9[%dma_start3A_305, %dma_start3A_306] : memref<1600x32xf32, #tpu.memory_space<vmem>> -> memref<100x32xf32, #tpu.memory_space<vmem>>
      %dma_start3A_308 = arith.constant 0 : i32
      %dma_start3A_309 = tpu.memref_slice %arg7[%dma_start3A_304, %dma_start3A_308] : memref<16x100xi32, #tpu.memory_space<vmem>> -> memref<1x100xi32, #tpu.memory_space<vmem>>
      %dma_start3A_310 = tpu.memref_squeeze %dma_start3A_309 : memref<1x100xi32, #tpu.memory_space<vmem>> -> memref<100xi32, #tpu.memory_space<vmem>>
      %dma_start3A_311 = arith.constant 0 : i32
      %dma_start3A_312 = arith.constant 0 : i32
      %dma_start3A_313 = tpu.memref_slice %arg3[%dma_start3A_311, %dma_start3A_312] : memref<1000008x32xf32, #tpu.memory_space<hbm>> -> memref<1000008x32xf32, #tpu.memory_space<hbm>>
      tpu.enqueue_indirect_dma source(%dma_start3A_313 : memref<1000008x32xf32, #tpu.memory_space<hbm>>) target(%dma_start3A_307 : memref<100x32xf32, #tpu.memory_space<vmem>>) offsets(%dma_start3A_310 : memref<100xi32, #tpu.memory_space<vmem>>) semaphore(%arg14 : memref<!tpu.dma_semaphore, #tpu.memory_space<semaphore_mem>>)
      %dma_start3A_314 = arith.constant 13 : i32
      %dma_start3A_315 = arith.constant 1300 : i32
      %dma_start3A_316 = arith.constant 0 : i32
      %dma_start3A_317 = tpu.memref_slice %arg9[%dma_start3A_315, %dma_start3A_316] : memref<1600x32xf32, #tpu.memory_space<vmem>> -> memref<100x32xf32, #tpu.memory_space<vmem>>
      %dma_start3A_318 = arith.constant 0 : i32
      %dma_start3A_319 = tpu.memref_slice %arg7[%dma_start3A_314, %dma_start3A_318] : memref<16x100xi32, #tpu.memory_space<vmem>> -> memref<1x100xi32, #tpu.memory_space<vmem>>
      %dma_start3A_320 = tpu.memref_squeeze %dma_start3A_319 : memref<1x100xi32, #tpu.memory_space<vmem>> -> memref<100xi32, #tpu.memory_space<vmem>>
      %dma_start3A_321 = arith.constant 0 : i32
      %dma_start3A_322 = arith.constant 0 : i32
      %dma_start3A_323 = tpu.memref_slice %arg3[%dma_start3A_321, %dma_start3A_322] : memref<1000008x32xf32, #tpu.memory_space<hbm>> -> memref<1000008x32xf32, #tpu.memory_space<hbm>>
      tpu.enqueue_indirect_dma source(%dma_start3A_323 : memref<1000008x32xf32, #tpu.memory_space<hbm>>) target(%dma_start3A_317 : memref<100x32xf32, #tpu.memory_space<vmem>>) offsets(%dma_start3A_320 : memref<100xi32, #tpu.memory_space<vmem>>) semaphore(%arg14 : memref<!tpu.dma_semaphore, #tpu.memory_space<semaphore_mem>>)
      %dma_start3A_324 = arith.constant 14 : i32
      %dma_start3A_325 = arith.constant 1400 : i32
      %dma_start3A_326 = arith.constant 0 : i32
      %dma_start3A_327 = tpu.memref_slice %arg9[%dma_start3A_325, %dma_start3A_326] : memref<1600x32xf32, #tpu.memory_space<vmem>> -> memref<100x32xf32, #tpu.memory_space<vmem>>
      %dma_start3A_328 = arith.constant 0 : i32
      %dma_start3A_329 = tpu.memref_slice %arg7[%dma_start3A_324, %dma_start3A_328] : memref<16x100xi32, #tpu.memory_space<vmem>> -> memref<1x100xi32, #tpu.memory_space<vmem>>
      %dma_start3A_330 = tpu.memref_squeeze %dma_start3A_329 : memref<1x100xi32, #tpu.memory_space<vmem>> -> memref<100xi32, #tpu.memory_space<vmem>>
      %dma_start3A_331 = arith.constant 0 : i32
      %dma_start3A_332 = arith.constant 0 : i32
      %dma_start3A_333 = tpu.memref_slice %arg3[%dma_start3A_331, %dma_start3A_332] : memref<1000008x32xf32, #tpu.memory_space<hbm>> -> memref<1000008x32xf32, #tpu.memory_space<hbm>>
      tpu.enqueue_indirect_dma source(%dma_start3A_333 : memref<1000008x32xf32, #tpu.memory_space<hbm>>) target(%dma_start3A_327 : memref<100x32xf32, #tpu.memory_space<vmem>>) offsets(%dma_start3A_330 : memref<100xi32, #tpu.memory_space<vmem>>) semaphore(%arg14 : memref<!tpu.dma_semaphore, #tpu.memory_space<semaphore_mem>>)
      %dma_start3A_334 = arith.constant 15 : i32
      %dma_start3A_335 = arith.constant 1500 : i32
      %dma_start3A_336 = arith.constant 0 : i32
      %dma_start3A_337 = tpu.memref_slice %arg9[%dma_start3A_335, %dma_start3A_336] : memref<1600x32xf32, #tpu.memory_space<vmem>> -> memref<100x32xf32, #tpu.memory_space<vmem>>
      %dma_start3A_338 = arith.constant 0 : i32
      %dma_start3A_339 = tpu.memref_slice %arg7[%dma_start3A_334, %dma_start3A_338] : memref<16x100xi32, #tpu.memory_space<vmem>> -> memref<1x100xi32, #tpu.memory_space<vmem>>
      %dma_start3A_340 = tpu.memref_squeeze %dma_start3A_339 : memref<1x100xi32, #tpu.memory_space<vmem>> -> memref<100xi32, #tpu.memory_space<vmem>>
      %dma_start3A_341 = arith.constant 0 : i32
      %dma_start3A_342 = arith.constant 0 : i32
      %dma_start3A_343 = tpu.memref_slice %arg3[%dma_start3A_341, %dma_start3A_342] : memref<1000008x32xf32, #tpu.memory_space<hbm>> -> memref<1000008x32xf32, #tpu.memory_space<hbm>>
      tpu.enqueue_indirect_dma source(%dma_start3A_343 : memref<1000008x32xf32, #tpu.memory_space<hbm>>) target(%dma_start3A_337 : memref<100x32xf32, #tpu.memory_space<vmem>>) offsets(%dma_start3A_340 : memref<100xi32, #tpu.memory_space<vmem>>) semaphore(%arg14 : memref<!tpu.dma_semaphore, #tpu.memory_space<semaphore_mem>>)
      %dma_wait3A = arith.constant 0 : i32
      %dma_wait3A_344 = arith.constant 0 : i32
      %dma_wait3A_345 = tpu.memref_slice %arg3[%dma_wait3A, %dma_wait3A_344] : memref<1000008x32xf32, #tpu.memory_space<hbm>> -> memref<1600x32xf32, #tpu.memory_space<hbm>>
      %dma_wait3A_346 = arith.constant 0 : i32
      %dma_wait3A_347 = arith.constant 0 : i32
      %dma_wait3A_348 = tpu.memref_slice %arg3[%dma_wait3A_346, %dma_wait3A_347] : memref<1000008x32xf32, #tpu.memory_space<hbm>> -> memref<1600x32xf32, #tpu.memory_space<hbm>>
      tpu.wait_dma2 semaphore(%arg13 : memref<!tpu.dma_semaphore, #tpu.memory_space<semaphore_mem>>) src(%dma_wait3A_348 : memref<1600x32xf32, #tpu.memory_space<hbm>>) dst(%arg8 : memref<1600x32xf32, #tpu.memory_space<vmem>>)
      %scan3A_349 = arith.constant 0 : i32
      %scan3A_350 = arith.constant 0 : i32
      %scan3A_351 = arith.constant 16 : i32
      %scan3A_352 = arith.addi %scan3A_350, %scan3A_351 : i32
      %scan3A_353 = arith.constant 1 : i32
      %scan3A_354 = scf.for %scan3A_402 = %scan3A_350 to %scan3A_352 step %scan3A_353 iter_args(%scan3A_403 = %scan3A_349) -> (i32)  : i32 {
        %mul3A_404 = arith.constant 100 : i32
        %mul3A_405 = arith.muli %scan3A_402, %mul3A_404 : i32
        %broadcast_in_dim3A = arith.constant 0.000000e+00 : f32
        %broadcast_in_dim3A_406 = vector.broadcast %broadcast_in_dim3A : f32 to vector<16xf32>
        %scan3A_407 = arith.constant 0 : i32
        %scan3A_408 = arith.constant 25 : i32
        %scan3A_409 = arith.addi %scan3A_407, %scan3A_408 : i32
        %scan3A_410 = arith.constant 1 : i32
        %scan3A_411:8 = scf.for %scan3A_446 = %scan3A_407 to %scan3A_409 step %scan3A_410 iter_args(%scan3A_447 = %broadcast_in_dim3A_406, %scan3A_448 = %broadcast_in_dim3A_406, %scan3A_449 = %broadcast_in_dim3A_406, %scan3A_450 = %broadcast_in_dim3A_406, %scan3A_451 = %broadcast_in_dim3A_406, %scan3A_452 = %broadcast_in_dim3A_406, %scan3A_453 = %broadcast_in_dim3A_406, %scan3A_454 = %broadcast_in_dim3A_406) -> (vector<16xf32>, vector<16xf32>, vector<16xf32>, vector<16xf32>, vector<16xf32>, vector<16xf32>, vector<16xf32>, vector<16xf32>)  : i32 {
          %mul3A_455 = arith.constant 4 : i32
          %mul3A_456 = arith.muli %scan3A_446, %mul3A_455 : i32
          %add3A_457 = arith.addi %mul3A_405, %mul3A_456 : i32
          %get3A_458 = arith.index_cast %add3A_457 : i32 to index
          %get3A_459 = arith.constant 0 : index
          %get3A_460 = tpu.vector_load %arg8[%get3A_458, %get3A_459] {strides = array<i32>} : memref<1600x32xf32, #tpu.memory_space<vmem>>, vector<1x16xf32>,
          %get3A_461 = vector.shape_cast %get3A_460 : vector<1x16xf32> to vector<16xf32>
          %add3A_462 = arith.addf %scan3A_447, %get3A_461 : vector<16xf32>
          %get3A_463 = arith.index_cast %add3A_457 : i32 to index
          %get3A_464 = arith.constant 16 : index
          %get3A_465 = tpu.vector_load %arg8[%get3A_463, %get3A_464] {strides = array<i32>} : memref<1600x32xf32, #tpu.memory_space<vmem>>, vector<1x16xf32>,
          %get3A_466 = vector.shape_cast %get3A_465 : vector<1x16xf32> to vector<16xf32>
          %add3A_467 = arith.addf %scan3A_448, %get3A_466 : vector<16xf32>
          %add3A_468 = arith.constant 1 : i32
          %add3A_469 = arith.addi %add3A_457, %add3A_468 : i32
          %get3A_470 = arith.index_cast %add3A_469 : i32 to index
          %get3A_471 = arith.constant 0 : index
          %get3A_472 = tpu.vector_load %arg8[%get3A_470, %get3A_471] {strides = array<i32>} : memref<1600x32xf32, #tpu.memory_space<vmem>>, vector<1x16xf32>,
          %get3A_473 = vector.shape_cast %get3A_472 : vector<1x16xf32> to vector<16xf32>
          %add3A_474 = arith.addf %scan3A_449, %get3A_473 : vector<16xf32>
          %add3A_475 = arith.constant 1 : i32
          %add3A_476 = arith.addi %add3A_457, %add3A_475 : i32
          %get3A_477 = arith.index_cast %add3A_476 : i32 to index
          %get3A_478 = arith.constant 16 : index
          %get3A_479 = tpu.vector_load %arg8[%get3A_477, %get3A_478] {strides = array<i32>} : memref<1600x32xf32, #tpu.memory_space<vmem>>, vector<1x16xf32>,
          %get3A_480 = vector.shape_cast %get3A_479 : vector<1x16xf32> to vector<16xf32>
          %add3A_481 = arith.addf %scan3A_450, %get3A_480 : vector<16xf32>
          %add3A_482 = arith.constant 2 : i32
          %add3A_483 = arith.addi %add3A_457, %add3A_482 : i32
          %get3A_484 = arith.index_cast %add3A_483 : i32 to index
          %get3A_485 = arith.constant 0 : index
          %get3A_486 = tpu.vector_load %arg8[%get3A_484, %get3A_485] {strides = array<i32>} : memref<1600x32xf32, #tpu.memory_space<vmem>>, vector<1x16xf32>,
          %get3A_487 = vector.shape_cast %get3A_486 : vector<1x16xf32> to vector<16xf32>
          %add3A_488 = arith.addf %scan3A_451, %get3A_487 : vector<16xf32>
          %add3A_489 = arith.constant 2 : i32
          %add3A_490 = arith.addi %add3A_457, %add3A_489 : i32
          %get3A_491 = arith.index_cast %add3A_490 : i32 to index
          %get3A_492 = arith.constant 16 : index
          %get3A_493 = tpu.vector_load %arg8[%get3A_491, %get3A_492] {strides = array<i32>} : memref<1600x32xf32, #tpu.memory_space<vmem>>, vector<1x16xf32>,
          %get3A_494 = vector.shape_cast %get3A_493 : vector<1x16xf32> to vector<16xf32>
          %add3A_495 = arith.addf %scan3A_452, %get3A_494 : vector<16xf32>
          %add3A_496 = arith.constant 3 : i32
          %add3A_497 = arith.addi %add3A_457, %add3A_496 : i32
          %get3A_498 = arith.index_cast %add3A_497 : i32 to index
          %get3A_499 = arith.constant 0 : index
          %get3A_500 = tpu.vector_load %arg8[%get3A_498, %get3A_499] {strides = array<i32>} : memref<1600x32xf32, #tpu.memory_space<vmem>>, vector<1x16xf32>,
          %get3A_501 = vector.shape_cast %get3A_500 : vector<1x16xf32> to vector<16xf32>
          %add3A_502 = arith.addf %scan3A_453, %get3A_501 : vector<16xf32>
          %add3A_503 = arith.constant 3 : i32
          %add3A_504 = arith.addi %add3A_457, %add3A_503 : i32
          %get3A_505 = arith.index_cast %add3A_504 : i32 to index
          %get3A_506 = arith.constant 16 : index
          %get3A_507 = tpu.vector_load %arg8[%get3A_505, %get3A_506] {strides = array<i32>} : memref<1600x32xf32, #tpu.memory_space<vmem>>, vector<1x16xf32>,
          %get3A_508 = vector.shape_cast %get3A_507 : vector<1x16xf32> to vector<16xf32>
          %add3A_509 = arith.addf %scan3A_454, %get3A_508 : vector<16xf32>
          scf.yield %add3A_462, %add3A_467, %add3A_474, %add3A_481, %add3A_488, %add3A_495, %add3A_502, %add3A_509 : vector<16xf32>, vector<16xf32>, vector<16xf32>, vector<16xf32>, vector<16xf32>, vector<16xf32>, vector<16xf32>, vector<16xf32>
        }
        %scan3A_412 = arith.constant 25 : i32
        %add3A_413 = arith.addf %scan3A_411#0, %scan3A_411#2 : vector<16xf32>
        %add3A_414 = arith.addf %scan3A_411#4, %scan3A_411#6 : vector<16xf32>
        %add3A_415 = arith.addf %add3A_413, %add3A_414 : vector<16xf32>
        %add3A_416 = arith.addf %add3A_415, %get3A_4 : vector<16xf32>
        %add3A_417 = arith.addf %scan3A_411#1, %scan3A_411#3 : vector<16xf32>
        %add3A_418 = arith.addf %scan3A_411#5, %scan3A_411#7 : vector<16xf32>
        %add3A_419 = arith.addf %add3A_417, %add3A_418 : vector<16xf32>
        %add3A_420 = arith.addf %add3A_419, %get3A_7 : vector<16xf32>
        %add3A_421 = arith.addf %add3A_416, %add3A_416 : vector<16xf32>
        %exp3A = math.exp %add3A_421 : vector<16xf32>
        %add3A_422 = arith.addf %add3A_420, %add3A_420 : vector<16xf32>
        %exp3A_423 = math.exp %add3A_422 : vector<16xf32>
        %sub3A = arith.constant 1.000000e+00 : f32
        %sub3A_424 = vector.broadcast %sub3A : f32 to vector<16xf32>
        %sub3A_425 = arith.subf %exp3A, %sub3A_424 : vector<16xf32>
        %add3A_426 = arith.constant 1.000000e+00 : f32
        %add3A_427 = vector.broadcast %add3A_426 : f32 to vector<16xf32>
        %add3A_428 = arith.addf %exp3A, %add3A_427 : vector<16xf32>
        %div3A = arith.divf %sub3A_425, %add3A_428 : vector<16xf32>
        %swap3A = arith.index_cast %scan3A_402 : i32 to index
        %swap3A_429 = arith.constant 0 : index
        %swap3A_430 = tpu.vector_load %arg10[%swap3A, %swap3A_429] {strides = array<i32>} : memref<16x32xf32, #tpu.memory_space<vmem>>, vector<1x16xf32>,
        %swap3A_431 = vector.shape_cast %swap3A_430 : vector<1x16xf32> to vector<16xf32>
        %swap3A_432 = vector.shape_cast %div3A : vector<16xf32> to vector<1x16xf32>
        tpu.vector_store %arg10[%swap3A, %swap3A_429], %swap3A_432 {strides = array<i32>} : memref<16x32xf32, #tpu.memory_space<vmem>>, vector<1x16xf32>,
        %sub3A_433 = arith.constant 1.000000e+00 : f32
        %sub3A_434 = vector.broadcast %sub3A_433 : f32 to vector<16xf32>
        %sub3A_435 = arith.subf %exp3A_423, %sub3A_434 : vector<16xf32>
        %add3A_436 = arith.constant 1.000000e+00 : f32
        %add3A_437 = vector.broadcast %add3A_436 : f32 to vector<16xf32>
        %add3A_438 = arith.addf %exp3A_423, %add3A_437 : vector<16xf32>
        %div3A_439 = arith.divf %sub3A_435, %add3A_438 : vector<16xf32>
        %swap3A_440 = arith.index_cast %scan3A_402 : i32 to index
        %swap3A_441 = arith.constant 16 : index
        %swap3A_442 = tpu.vector_load %arg10[%swap3A_440, %swap3A_441] {strides = array<i32>} : memref<16x32xf32, #tpu.memory_space<vmem>>, vector<1x16xf32>,
        %swap3A_443 = vector.shape_cast %swap3A_442 : vector<1x16xf32> to vector<16xf32>
        %swap3A_444 = vector.shape_cast %div3A_439 : vector<16xf32> to vector<1x16xf32>
        tpu.vector_store %arg10[%swap3A_440, %swap3A_441], %swap3A_444 {strides = array<i32>} : memref<16x32xf32, #tpu.memory_space<vmem>>, vector<1x16xf32>,
        %scan3A_445 = arith.constant 0 : i32
        scf.yield %scan3A_445 : i32
      }
      %scan3A_355 = arith.constant 16 : i32
      %mul3A_356 = arith.constant 16 : i32
      %mul3A_357 = arith.muli %mul3A_178, %mul3A_356 : i32
      %add3A_358 = arith.addi %mul3A_2, %mul3A_357 : i32
      %dma_start3A_359 = arith.constant 0 : i32
      %dma_start3A_360 = tpu.memref_slice %arg5[%add3A_358, %dma_start3A_359] : memref<16384x32xf32, #tpu.memory_space<hbm>> -> memref<16x32xf32, #tpu.memory_space<hbm>>
      %dma_start3A_361 = arith.constant 0 : i32
      %dma_start3A_362 = tpu.memref_slice %arg5[%add3A_358, %dma_start3A_361] : memref<16384x32xf32, #tpu.memory_space<hbm>> -> memref<16x32xf32, #tpu.memory_space<hbm>>
      tpu.enqueue_dma source(%arg10 : memref<16x32xf32, #tpu.memory_space<vmem>>) target(%dma_start3A_362 : memref<16x32xf32, #tpu.memory_space<hbm>>) target_semaphore(%arg15 : memref<!tpu.dma_semaphore, #tpu.memory_space<semaphore_mem>>)
      %add3A_363 = arith.constant 1 : i32
      %add3A_364 = arith.addi %scan3A_175, %add3A_363 : i32
      %lt3A = arith.constant 16 : i32
      %lt3A_365 = arith.cmpi slt, %add3A_364, %lt3A : i32
      %convert_element_type3A = arith.extui %lt3A_365 : i1 to i32
      %cond3A = arith.constant 0 : i32
      %cond3A_366 = arith.cmpi ne, %convert_element_type3A, %cond3A : i32
      scf.if %cond3A_366 {
        %add3A_402 = arith.constant 2 : i32
        %add3A_403 = arith.addi %mul3A_178, %add3A_402 : i32
        %mul3A_404 = arith.constant 16 : i32
        %mul3A_405 = arith.muli %add3A_403, %mul3A_404 : i32
        %add3A_406 = arith.addi %mul3A_2, %mul3A_405 : i32
        "tpu.region"() ({
          %run_scoped3A = tpu.sem_alloc : memref<!tpu.dma_semaphore, #tpu.memory_space<semaphore_mem>>
          %dma_start3A_567 = arith.constant 0 : i32
          %dma_start3A_568 = tpu.memref_slice %arg2[%add3A_406, %dma_start3A_567] : memref<16384x100xi32, #tpu.memory_space<hbm>> -> memref<16x100xi32, #tpu.memory_space<hbm>>
          %dma_start3A_569 = arith.constant 0 : i32
          %dma_start3A_570 = tpu.memref_slice %arg2[%add3A_406, %dma_start3A_569] : memref<16384x100xi32, #tpu.memory_space<hbm>> -> memref<16x100xi32, #tpu.memory_space<hbm>>
          tpu.enqueue_dma source(%dma_start3A_570 : memref<16x100xi32, #tpu.memory_space<hbm>>) target(%arg6 : memref<16x100xi32, #tpu.memory_space<vmem>>) target_semaphore(%run_scoped3A : memref<!tpu.dma_semaphore, #tpu.memory_space<semaphore_mem>>)
          %dma_wait3A_571 = arith.constant 0 : i32
          %dma_wait3A_572 = tpu.memref_slice %arg2[%add3A_406, %dma_wait3A_571] : memref<16384x100xi32, #tpu.memory_space<hbm>> -> memref<16x100xi32, #tpu.memory_space<hbm>>
          %dma_wait3A_573 = arith.constant 0 : i32
          %dma_wait3A_574 = tpu.memref_slice %arg2[%add3A_406, %dma_wait3A_573] : memref<16384x100xi32, #tpu.memory_space<hbm>> -> memref<16x100xi32, #tpu.memory_space<hbm>>
          tpu.wait_dma2 semaphore(%run_scoped3A : memref<!tpu.dma_semaphore, #tpu.memory_space<semaphore_mem>>) src(%dma_wait3A_574 : memref<16x100xi32, #tpu.memory_space<hbm>>) dst(%arg6 : memref<16x100xi32, #tpu.memory_space<vmem>>)
          tpu.yield
        }) : () -> ()
        %dma_start3A_407 = arith.constant 0 : i32
        %dma_start3A_408 = arith.constant 0 : i32
        %dma_start3A_409 = arith.constant 0 : i32
        %dma_start3A_410 = tpu.memref_slice %arg8[%dma_start3A_408, %dma_start3A_409] : memref<1600x32xf32, #tpu.memory_space<vmem>> -> memref<100x32xf32, #tpu.memory_space<vmem>>
        %dma_start3A_411 = arith.constant 0 : i32
        %dma_start3A_412 = tpu.memref_slice %arg6[%dma_start3A_407, %dma_start3A_411] : memref<16x100xi32, #tpu.memory_space<vmem>> -> memref<1x100xi32, #tpu.memory_space<vmem>>
        %dma_start3A_413 = tpu.memref_squeeze %dma_start3A_412 : memref<1x100xi32, #tpu.memory_space<vmem>> -> memref<100xi32, #tpu.memory_space<vmem>>
        %dma_start3A_414 = arith.constant 0 : i32
        %dma_start3A_415 = arith.constant 0 : i32
        %dma_start3A_416 = tpu.memref_slice %arg3[%dma_start3A_414, %dma_start3A_415] : memref<1000008x32xf32, #tpu.memory_space<hbm>> -> memref<1000008x32xf32, #tpu.memory_space<hbm>>
        tpu.enqueue_indirect_dma source(%dma_start3A_416 : memref<1000008x32xf32, #tpu.memory_space<hbm>>) target(%dma_start3A_410 : memref<100x32xf32, #tpu.memory_space<vmem>>) offsets(%dma_start3A_413 : memref<100xi32, #tpu.memory_space<vmem>>) semaphore(%arg13 : memref<!tpu.dma_semaphore, #tpu.memory_space<semaphore_mem>>)
        %dma_start3A_417 = arith.constant 1 : i32
        %dma_start3A_418 = arith.constant 100 : i32
        %dma_start3A_419 = arith.constant 0 : i32
        %dma_start3A_420 = tpu.memref_slice %arg8[%dma_start3A_418, %dma_start3A_419] : memref<1600x32xf32, #tpu.memory_space<vmem>> -> memref<100x32xf32, #tpu.memory_space<vmem>>
        %dma_start3A_421 = arith.constant 0 : i32
        %dma_start3A_422 = tpu.memref_slice %arg6[%dma_start3A_417, %dma_start3A_421] : memref<16x100xi32, #tpu.memory_space<vmem>> -> memref<1x100xi32, #tpu.memory_space<vmem>>
        %dma_start3A_423 = tpu.memref_squeeze %dma_start3A_422 : memref<1x100xi32, #tpu.memory_space<vmem>> -> memref<100xi32, #tpu.memory_space<vmem>>
        %dma_start3A_424 = arith.constant 0 : i32
        %dma_start3A_425 = arith.constant 0 : i32
        %dma_start3A_426 = tpu.memref_slice %arg3[%dma_start3A_424, %dma_start3A_425] : memref<1000008x32xf32, #tpu.memory_space<hbm>> -> memref<1000008x32xf32, #tpu.memory_space<hbm>>
        tpu.enqueue_indirect_dma source(%dma_start3A_426 : memref<1000008x32xf32, #tpu.memory_space<hbm>>) target(%dma_start3A_420 : memref<100x32xf32, #tpu.memory_space<vmem>>) offsets(%dma_start3A_423 : memref<100xi32, #tpu.memory_space<vmem>>) semaphore(%arg13 : memref<!tpu.dma_semaphore, #tpu.memory_space<semaphore_mem>>)
        %dma_start3A_427 = arith.constant 2 : i32
        %dma_start3A_428 = arith.constant 200 : i32
        %dma_start3A_429 = arith.constant 0 : i32
        %dma_start3A_430 = tpu.memref_slice %arg8[%dma_start3A_428, %dma_start3A_429] : memref<1600x32xf32, #tpu.memory_space<vmem>> -> memref<100x32xf32, #tpu.memory_space<vmem>>
        %dma_start3A_431 = arith.constant 0 : i32
        %dma_start3A_432 = tpu.memref_slice %arg6[%dma_start3A_427, %dma_start3A_431] : memref<16x100xi32, #tpu.memory_space<vmem>> -> memref<1x100xi32, #tpu.memory_space<vmem>>
        %dma_start3A_433 = tpu.memref_squeeze %dma_start3A_432 : memref<1x100xi32, #tpu.memory_space<vmem>> -> memref<100xi32, #tpu.memory_space<vmem>>
        %dma_start3A_434 = arith.constant 0 : i32
        %dma_start3A_435 = arith.constant 0 : i32
        %dma_start3A_436 = tpu.memref_slice %arg3[%dma_start3A_434, %dma_start3A_435] : memref<1000008x32xf32, #tpu.memory_space<hbm>> -> memref<1000008x32xf32, #tpu.memory_space<hbm>>
        tpu.enqueue_indirect_dma source(%dma_start3A_436 : memref<1000008x32xf32, #tpu.memory_space<hbm>>) target(%dma_start3A_430 : memref<100x32xf32, #tpu.memory_space<vmem>>) offsets(%dma_start3A_433 : memref<100xi32, #tpu.memory_space<vmem>>) semaphore(%arg13 : memref<!tpu.dma_semaphore, #tpu.memory_space<semaphore_mem>>)
        %dma_start3A_437 = arith.constant 3 : i32
        %dma_start3A_438 = arith.constant 300 : i32
        %dma_start3A_439 = arith.constant 0 : i32
        %dma_start3A_440 = tpu.memref_slice %arg8[%dma_start3A_438, %dma_start3A_439] : memref<1600x32xf32, #tpu.memory_space<vmem>> -> memref<100x32xf32, #tpu.memory_space<vmem>>
        %dma_start3A_441 = arith.constant 0 : i32
        %dma_start3A_442 = tpu.memref_slice %arg6[%dma_start3A_437, %dma_start3A_441] : memref<16x100xi32, #tpu.memory_space<vmem>> -> memref<1x100xi32, #tpu.memory_space<vmem>>
        %dma_start3A_443 = tpu.memref_squeeze %dma_start3A_442 : memref<1x100xi32, #tpu.memory_space<vmem>> -> memref<100xi32, #tpu.memory_space<vmem>>
        %dma_start3A_444 = arith.constant 0 : i32
        %dma_start3A_445 = arith.constant 0 : i32
        %dma_start3A_446 = tpu.memref_slice %arg3[%dma_start3A_444, %dma_start3A_445] : memref<1000008x32xf32, #tpu.memory_space<hbm>> -> memref<1000008x32xf32, #tpu.memory_space<hbm>>
        tpu.enqueue_indirect_dma source(%dma_start3A_446 : memref<1000008x32xf32, #tpu.memory_space<hbm>>) target(%dma_start3A_440 : memref<100x32xf32, #tpu.memory_space<vmem>>) offsets(%dma_start3A_443 : memref<100xi32, #tpu.memory_space<vmem>>) semaphore(%arg13 : memref<!tpu.dma_semaphore, #tpu.memory_space<semaphore_mem>>)
        %dma_start3A_447 = arith.constant 4 : i32
        %dma_start3A_448 = arith.constant 400 : i32
        %dma_start3A_449 = arith.constant 0 : i32
        %dma_start3A_450 = tpu.memref_slice %arg8[%dma_start3A_448, %dma_start3A_449] : memref<1600x32xf32, #tpu.memory_space<vmem>> -> memref<100x32xf32, #tpu.memory_space<vmem>>
        %dma_start3A_451 = arith.constant 0 : i32
        %dma_start3A_452 = tpu.memref_slice %arg6[%dma_start3A_447, %dma_start3A_451] : memref<16x100xi32, #tpu.memory_space<vmem>> -> memref<1x100xi32, #tpu.memory_space<vmem>>
        %dma_start3A_453 = tpu.memref_squeeze %dma_start3A_452 : memref<1x100xi32, #tpu.memory_space<vmem>> -> memref<100xi32, #tpu.memory_space<vmem>>
        %dma_start3A_454 = arith.constant 0 : i32
        %dma_start3A_455 = arith.constant 0 : i32
        %dma_start3A_456 = tpu.memref_slice %arg3[%dma_start3A_454, %dma_start3A_455] : memref<1000008x32xf32, #tpu.memory_space<hbm>> -> memref<1000008x32xf32, #tpu.memory_space<hbm>>
        tpu.enqueue_indirect_dma source(%dma_start3A_456 : memref<1000008x32xf32, #tpu.memory_space<hbm>>) target(%dma_start3A_450 : memref<100x32xf32, #tpu.memory_space<vmem>>) offsets(%dma_start3A_453 : memref<100xi32, #tpu.memory_space<vmem>>) semaphore(%arg13 : memref<!tpu.dma_semaphore, #tpu.memory_space<semaphore_mem>>)
        %dma_start3A_457 = arith.constant 5 : i32
        %dma_start3A_458 = arith.constant 500 : i32
        %dma_start3A_459 = arith.constant 0 : i32
        %dma_start3A_460 = tpu.memref_slice %arg8[%dma_start3A_458, %dma_start3A_459] : memref<1600x32xf32, #tpu.memory_space<vmem>> -> memref<100x32xf32, #tpu.memory_space<vmem>>
        %dma_start3A_461 = arith.constant 0 : i32
        %dma_start3A_462 = tpu.memref_slice %arg6[%dma_start3A_457, %dma_start3A_461] : memref<16x100xi32, #tpu.memory_space<vmem>> -> memref<1x100xi32, #tpu.memory_space<vmem>>
        %dma_start3A_463 = tpu.memref_squeeze %dma_start3A_462 : memref<1x100xi32, #tpu.memory_space<vmem>> -> memref<100xi32, #tpu.memory_space<vmem>>
        %dma_start3A_464 = arith.constant 0 : i32
        %dma_start3A_465 = arith.constant 0 : i32
        %dma_start3A_466 = tpu.memref_slice %arg3[%dma_start3A_464, %dma_start3A_465] : memref<1000008x32xf32, #tpu.memory_space<hbm>> -> memref<1000008x32xf32, #tpu.memory_space<hbm>>
        tpu.enqueue_indirect_dma source(%dma_start3A_466 : memref<1000008x32xf32, #tpu.memory_space<hbm>>) target(%dma_start3A_460 : memref<100x32xf32, #tpu.memory_space<vmem>>) offsets(%dma_start3A_463 : memref<100xi32, #tpu.memory_space<vmem>>) semaphore(%arg13 : memref<!tpu.dma_semaphore, #tpu.memory_space<semaphore_mem>>)
        %dma_start3A_467 = arith.constant 6 : i32
        %dma_start3A_468 = arith.constant 600 : i32
        %dma_start3A_469 = arith.constant 0 : i32
        %dma_start3A_470 = tpu.memref_slice %arg8[%dma_start3A_468, %dma_start3A_469] : memref<1600x32xf32, #tpu.memory_space<vmem>> -> memref<100x32xf32, #tpu.memory_space<vmem>>
        %dma_start3A_471 = arith.constant 0 : i32
        %dma_start3A_472 = tpu.memref_slice %arg6[%dma_start3A_467, %dma_start3A_471] : memref<16x100xi32, #tpu.memory_space<vmem>> -> memref<1x100xi32, #tpu.memory_space<vmem>>
        %dma_start3A_473 = tpu.memref_squeeze %dma_start3A_472 : memref<1x100xi32, #tpu.memory_space<vmem>> -> memref<100xi32, #tpu.memory_space<vmem>>
        %dma_start3A_474 = arith.constant 0 : i32
        %dma_start3A_475 = arith.constant 0 : i32
        %dma_start3A_476 = tpu.memref_slice %arg3[%dma_start3A_474, %dma_start3A_475] : memref<1000008x32xf32, #tpu.memory_space<hbm>> -> memref<1000008x32xf32, #tpu.memory_space<hbm>>
        tpu.enqueue_indirect_dma source(%dma_start3A_476 : memref<1000008x32xf32, #tpu.memory_space<hbm>>) target(%dma_start3A_470 : memref<100x32xf32, #tpu.memory_space<vmem>>) offsets(%dma_start3A_473 : memref<100xi32, #tpu.memory_space<vmem>>) semaphore(%arg13 : memref<!tpu.dma_semaphore, #tpu.memory_space<semaphore_mem>>)
        %dma_start3A_477 = arith.constant 7 : i32
        %dma_start3A_478 = arith.constant 700 : i32
        %dma_start3A_479 = arith.constant 0 : i32
        %dma_start3A_480 = tpu.memref_slice %arg8[%dma_start3A_478, %dma_start3A_479] : memref<1600x32xf32, #tpu.memory_space<vmem>> -> memref<100x32xf32, #tpu.memory_space<vmem>>
        %dma_start3A_481 = arith.constant 0 : i32
        %dma_start3A_482 = tpu.memref_slice %arg6[%dma_start3A_477, %dma_start3A_481] : memref<16x100xi32, #tpu.memory_space<vmem>> -> memref<1x100xi32, #tpu.memory_space<vmem>>
        %dma_start3A_483 = tpu.memref_squeeze %dma_start3A_482 : memref<1x100xi32, #tpu.memory_space<vmem>> -> memref<100xi32, #tpu.memory_space<vmem>>
        %dma_start3A_484 = arith.constant 0 : i32
        %dma_start3A_485 = arith.constant 0 : i32
        %dma_start3A_486 = tpu.memref_slice %arg3[%dma_start3A_484, %dma_start3A_485] : memref<1000008x32xf32, #tpu.memory_space<hbm>> -> memref<1000008x32xf32, #tpu.memory_space<hbm>>
        tpu.enqueue_indirect_dma source(%dma_start3A_486 : memref<1000008x32xf32, #tpu.memory_space<hbm>>) target(%dma_start3A_480 : memref<100x32xf32, #tpu.memory_space<vmem>>) offsets(%dma_start3A_483 : memref<100xi32, #tpu.memory_space<vmem>>) semaphore(%arg13 : memref<!tpu.dma_semaphore, #tpu.memory_space<semaphore_mem>>)
        %dma_start3A_487 = arith.constant 8 : i32
        %dma_start3A_488 = arith.constant 800 : i32
        %dma_start3A_489 = arith.constant 0 : i32
        %dma_start3A_490 = tpu.memref_slice %arg8[%dma_start3A_488, %dma_start3A_489] : memref<1600x32xf32, #tpu.memory_space<vmem>> -> memref<100x32xf32, #tpu.memory_space<vmem>>
        %dma_start3A_491 = arith.constant 0 : i32
        %dma_start3A_492 = tpu.memref_slice %arg6[%dma_start3A_487, %dma_start3A_491] : memref<16x100xi32, #tpu.memory_space<vmem>> -> memref<1x100xi32, #tpu.memory_space<vmem>>
        %dma_start3A_493 = tpu.memref_squeeze %dma_start3A_492 : memref<1x100xi32, #tpu.memory_space<vmem>> -> memref<100xi32, #tpu.memory_space<vmem>>
        %dma_start3A_494 = arith.constant 0 : i32
        %dma_start3A_495 = arith.constant 0 : i32
        %dma_start3A_496 = tpu.memref_slice %arg3[%dma_start3A_494, %dma_start3A_495] : memref<1000008x32xf32, #tpu.memory_space<hbm>> -> memref<1000008x32xf32, #tpu.memory_space<hbm>>
        tpu.enqueue_indirect_dma source(%dma_start3A_496 : memref<1000008x32xf32, #tpu.memory_space<hbm>>) target(%dma_start3A_490 : memref<100x32xf32, #tpu.memory_space<vmem>>) offsets(%dma_start3A_493 : memref<100xi32, #tpu.memory_space<vmem>>) semaphore(%arg13 : memref<!tpu.dma_semaphore, #tpu.memory_space<semaphore_mem>>)
        %dma_start3A_497 = arith.constant 9 : i32
        %dma_start3A_498 = arith.constant 900 : i32
        %dma_start3A_499 = arith.constant 0 : i32
        %dma_start3A_500 = tpu.memref_slice %arg8[%dma_start3A_498, %dma_start3A_499] : memref<1600x32xf32, #tpu.memory_space<vmem>> -> memref<100x32xf32, #tpu.memory_space<vmem>>
        %dma_start3A_501 = arith.constant 0 : i32
        %dma_start3A_502 = tpu.memref_slice %arg6[%dma_start3A_497, %dma_start3A_501] : memref<16x100xi32, #tpu.memory_space<vmem>> -> memref<1x100xi32, #tpu.memory_space<vmem>>
        %dma_start3A_503 = tpu.memref_squeeze %dma_start3A_502 : memref<1x100xi32, #tpu.memory_space<vmem>> -> memref<100xi32, #tpu.memory_space<vmem>>
        %dma_start3A_504 = arith.constant 0 : i32
        %dma_start3A_505 = arith.constant 0 : i32
        %dma_start3A_506 = tpu.memref_slice %arg3[%dma_start3A_504, %dma_start3A_505] : memref<1000008x32xf32, #tpu.memory_space<hbm>> -> memref<1000008x32xf32, #tpu.memory_space<hbm>>
        tpu.enqueue_indirect_dma source(%dma_start3A_506 : memref<1000008x32xf32, #tpu.memory_space<hbm>>) target(%dma_start3A_500 : memref<100x32xf32, #tpu.memory_space<vmem>>) offsets(%dma_start3A_503 : memref<100xi32, #tpu.memory_space<vmem>>) semaphore(%arg13 : memref<!tpu.dma_semaphore, #tpu.memory_space<semaphore_mem>>)
        %dma_start3A_507 = arith.constant 10 : i32
        %dma_start3A_508 = arith.constant 1000 : i32
        %dma_start3A_509 = arith.constant 0 : i32
        %dma_start3A_510 = tpu.memref_slice %arg8[%dma_start3A_508, %dma_start3A_509] : memref<1600x32xf32, #tpu.memory_space<vmem>> -> memref<100x32xf32, #tpu.memory_space<vmem>>
        %dma_start3A_511 = arith.constant 0 : i32
        %dma_start3A_512 = tpu.memref_slice %arg6[%dma_start3A_507, %dma_start3A_511] : memref<16x100xi32, #tpu.memory_space<vmem>> -> memref<1x100xi32, #tpu.memory_space<vmem>>
        %dma_start3A_513 = tpu.memref_squeeze %dma_start3A_512 : memref<1x100xi32, #tpu.memory_space<vmem>> -> memref<100xi32, #tpu.memory_space<vmem>>
        %dma_start3A_514 = arith.constant 0 : i32
        %dma_start3A_515 = arith.constant 0 : i32
        %dma_start3A_516 = tpu.memref_slice %arg3[%dma_start3A_514, %dma_start3A_515] : memref<1000008x32xf32, #tpu.memory_space<hbm>> -> memref<1000008x32xf32, #tpu.memory_space<hbm>>
        tpu.enqueue_indirect_dma source(%dma_start3A_516 : memref<1000008x32xf32, #tpu.memory_space<hbm>>) target(%dma_start3A_510 : memref<100x32xf32, #tpu.memory_space<vmem>>) offsets(%dma_start3A_513 : memref<100xi32, #tpu.memory_space<vmem>>) semaphore(%arg13 : memref<!tpu.dma_semaphore, #tpu.memory_space<semaphore_mem>>)
        %dma_start3A_517 = arith.constant 11 : i32
        %dma_start3A_518 = arith.constant 1100 : i32
        %dma_start3A_519 = arith.constant 0 : i32
        %dma_start3A_520 = tpu.memref_slice %arg8[%dma_start3A_518, %dma_start3A_519] : memref<1600x32xf32, #tpu.memory_space<vmem>> -> memref<100x32xf32, #tpu.memory_space<vmem>>
        %dma_start3A_521 = arith.constant 0 : i32
        %dma_start3A_522 = tpu.memref_slice %arg6[%dma_start3A_517, %dma_start3A_521] : memref<16x100xi32, #tpu.memory_space<vmem>> -> memref<1x100xi32, #tpu.memory_space<vmem>>
        %dma_start3A_523 = tpu.memref_squeeze %dma_start3A_522 : memref<1x100xi32, #tpu.memory_space<vmem>> -> memref<100xi32, #tpu.memory_space<vmem>>
        %dma_start3A_524 = arith.constant 0 : i32
        %dma_start3A_525 = arith.constant 0 : i32
        %dma_start3A_526 = tpu.memref_slice %arg3[%dma_start3A_524, %dma_start3A_525] : memref<1000008x32xf32, #tpu.memory_space<hbm>> -> memref<1000008x32xf32, #tpu.memory_space<hbm>>
        tpu.enqueue_indirect_dma source(%dma_start3A_526 : memref<1000008x32xf32, #tpu.memory_space<hbm>>) target(%dma_start3A_520 : memref<100x32xf32, #tpu.memory_space<vmem>>) offsets(%dma_start3A_523 : memref<100xi32, #tpu.memory_space<vmem>>) semaphore(%arg13 : memref<!tpu.dma_semaphore, #tpu.memory_space<semaphore_mem>>)
        %dma_start3A_527 = arith.constant 12 : i32
        %dma_start3A_528 = arith.constant 1200 : i32
        %dma_start3A_529 = arith.constant 0 : i32
        %dma_start3A_530 = tpu.memref_slice %arg8[%dma_start3A_528, %dma_start3A_529] : memref<1600x32xf32, #tpu.memory_space<vmem>> -> memref<100x32xf32, #tpu.memory_space<vmem>>
        %dma_start3A_531 = arith.constant 0 : i32
        %dma_start3A_532 = tpu.memref_slice %arg6[%dma_start3A_527, %dma_start3A_531] : memref<16x100xi32, #tpu.memory_space<vmem>> -> memref<1x100xi32, #tpu.memory_space<vmem>>
        %dma_start3A_533 = tpu.memref_squeeze %dma_start3A_532 : memref<1x100xi32, #tpu.memory_space<vmem>> -> memref<100xi32, #tpu.memory_space<vmem>>
        %dma_start3A_534 = arith.constant 0 : i32
        %dma_start3A_535 = arith.constant 0 : i32
        %dma_start3A_536 = tpu.memref_slice %arg3[%dma_start3A_534, %dma_start3A_535] : memref<1000008x32xf32, #tpu.memory_space<hbm>> -> memref<1000008x32xf32, #tpu.memory_space<hbm>>
        tpu.enqueue_indirect_dma source(%dma_start3A_536 : memref<1000008x32xf32, #tpu.memory_space<hbm>>) target(%dma_start3A_530 : memref<100x32xf32, #tpu.memory_space<vmem>>) offsets(%dma_start3A_533 : memref<100xi32, #tpu.memory_space<vmem>>) semaphore(%arg13 : memref<!tpu.dma_semaphore, #tpu.memory_space<semaphore_mem>>)
        %dma_start3A_537 = arith.constant 13 : i32
        %dma_start3A_538 = arith.constant 1300 : i32
        %dma_start3A_539 = arith.constant 0 : i32
        %dma_start3A_540 = tpu.memref_slice %arg8[%dma_start3A_538, %dma_start3A_539] : memref<1600x32xf32, #tpu.memory_space<vmem>> -> memref<100x32xf32, #tpu.memory_space<vmem>>
        %dma_start3A_541 = arith.constant 0 : i32
        %dma_start3A_542 = tpu.memref_slice %arg6[%dma_start3A_537, %dma_start3A_541] : memref<16x100xi32, #tpu.memory_space<vmem>> -> memref<1x100xi32, #tpu.memory_space<vmem>>
        %dma_start3A_543 = tpu.memref_squeeze %dma_start3A_542 : memref<1x100xi32, #tpu.memory_space<vmem>> -> memref<100xi32, #tpu.memory_space<vmem>>
        %dma_start3A_544 = arith.constant 0 : i32
        %dma_start3A_545 = arith.constant 0 : i32
        %dma_start3A_546 = tpu.memref_slice %arg3[%dma_start3A_544, %dma_start3A_545] : memref<1000008x32xf32, #tpu.memory_space<hbm>> -> memref<1000008x32xf32, #tpu.memory_space<hbm>>
        tpu.enqueue_indirect_dma source(%dma_start3A_546 : memref<1000008x32xf32, #tpu.memory_space<hbm>>) target(%dma_start3A_540 : memref<100x32xf32, #tpu.memory_space<vmem>>) offsets(%dma_start3A_543 : memref<100xi32, #tpu.memory_space<vmem>>) semaphore(%arg13 : memref<!tpu.dma_semaphore, #tpu.memory_space<semaphore_mem>>)
        %dma_start3A_547 = arith.constant 14 : i32
        %dma_start3A_548 = arith.constant 1400 : i32
        %dma_start3A_549 = arith.constant 0 : i32
        %dma_start3A_550 = tpu.memref_slice %arg8[%dma_start3A_548, %dma_start3A_549] : memref<1600x32xf32, #tpu.memory_space<vmem>> -> memref<100x32xf32, #tpu.memory_space<vmem>>
        %dma_start3A_551 = arith.constant 0 : i32
        %dma_start3A_552 = tpu.memref_slice %arg6[%dma_start3A_547, %dma_start3A_551] : memref<16x100xi32, #tpu.memory_space<vmem>> -> memref<1x100xi32, #tpu.memory_space<vmem>>
        %dma_start3A_553 = tpu.memref_squeeze %dma_start3A_552 : memref<1x100xi32, #tpu.memory_space<vmem>> -> memref<100xi32, #tpu.memory_space<vmem>>
        %dma_start3A_554 = arith.constant 0 : i32
        %dma_start3A_555 = arith.constant 0 : i32
        %dma_start3A_556 = tpu.memref_slice %arg3[%dma_start3A_554, %dma_start3A_555] : memref<1000008x32xf32, #tpu.memory_space<hbm>> -> memref<1000008x32xf32, #tpu.memory_space<hbm>>
        tpu.enqueue_indirect_dma source(%dma_start3A_556 : memref<1000008x32xf32, #tpu.memory_space<hbm>>) target(%dma_start3A_550 : memref<100x32xf32, #tpu.memory_space<vmem>>) offsets(%dma_start3A_553 : memref<100xi32, #tpu.memory_space<vmem>>) semaphore(%arg13 : memref<!tpu.dma_semaphore, #tpu.memory_space<semaphore_mem>>)
        %dma_start3A_557 = arith.constant 15 : i32
        %dma_start3A_558 = arith.constant 1500 : i32
        %dma_start3A_559 = arith.constant 0 : i32
        %dma_start3A_560 = tpu.memref_slice %arg8[%dma_start3A_558, %dma_start3A_559] : memref<1600x32xf32, #tpu.memory_space<vmem>> -> memref<100x32xf32, #tpu.memory_space<vmem>>
        %dma_start3A_561 = arith.constant 0 : i32
        %dma_start3A_562 = tpu.memref_slice %arg6[%dma_start3A_557, %dma_start3A_561] : memref<16x100xi32, #tpu.memory_space<vmem>> -> memref<1x100xi32, #tpu.memory_space<vmem>>
        %dma_start3A_563 = tpu.memref_squeeze %dma_start3A_562 : memref<1x100xi32, #tpu.memory_space<vmem>> -> memref<100xi32, #tpu.memory_space<vmem>>
        %dma_start3A_564 = arith.constant 0 : i32
        %dma_start3A_565 = arith.constant 0 : i32
        %dma_start3A_566 = tpu.memref_slice %arg3[%dma_start3A_564, %dma_start3A_565] : memref<1000008x32xf32, #tpu.memory_space<hbm>> -> memref<1000008x32xf32, #tpu.memory_space<hbm>>
        tpu.enqueue_indirect_dma source(%dma_start3A_566 : memref<1000008x32xf32, #tpu.memory_space<hbm>>) target(%dma_start3A_560 : memref<100x32xf32, #tpu.memory_space<vmem>>) offsets(%dma_start3A_563 : memref<100xi32, #tpu.memory_space<vmem>>) semaphore(%arg13 : memref<!tpu.dma_semaphore, #tpu.memory_space<semaphore_mem>>)
      } else {
      }
      %dma_wait3A_367 = arith.constant 0 : i32
      %dma_wait3A_368 = arith.constant 0 : i32
      %dma_wait3A_369 = tpu.memref_slice %arg3[%dma_wait3A_367, %dma_wait3A_368] : memref<1000008x32xf32, #tpu.memory_space<hbm>> -> memref<1600x32xf32, #tpu.memory_space<hbm>>
      %dma_wait3A_370 = arith.constant 0 : i32
      %dma_wait3A_371 = arith.constant 0 : i32
      %dma_wait3A_372 = tpu.memref_slice %arg3[%dma_wait3A_370, %dma_wait3A_371] : memref<1000008x32xf32, #tpu.memory_space<hbm>> -> memref<1600x32xf32, #tpu.memory_space<hbm>>
      tpu.wait_dma2 semaphore(%arg14 : memref<!tpu.dma_semaphore, #tpu.memory_space<semaphore_mem>>) src(%dma_wait3A_372 : memref<1600x32xf32, #tpu.memory_space<hbm>>) dst(%arg9 : memref<1600x32xf32, #tpu.memory_space<vmem>>)
      %add3A_373 = arith.constant 1 : i32
      %add3A_374 = arith.addi %mul3A_178, %add3A_373 : i32
      %scan3A_375 = arith.constant 0 : i32
      %scan3A_376 = arith.constant 0 : i32
      %scan3A_377 = arith.constant 16 : i32
      %scan3A_378 = arith.addi %scan3A_376, %scan3A_377 : i32
      %scan3A_379 = arith.constant 1 : i32
      %scan3A_380 = scf.for %scan3A_402 = %scan3A_376 to %scan3A_378 step %scan3A_379 iter_args(%scan3A_403 = %scan3A_375) -> (i32)  : i32 {
        %mul3A_404 = arith.constant 100 : i32
        %mul3A_405 = arith.muli %scan3A_402, %mul3A_404 : i32
        %broadcast_in_dim3A = arith.constant 0.000000e+00 : f32
        %broadcast_in_dim3A_406 = vector.broadcast %broadcast_in_dim3A : f32 to vector<16xf32>
        %scan3A_407 = arith.constant 0 : i32
        %scan3A_408 = arith.constant 25 : i32
        %scan3A_409 = arith.addi %scan3A_407, %scan3A_408 : i32
        %scan3A_410 = arith.constant 1 : i32
        %scan3A_411:8 = scf.for %scan3A_446 = %scan3A_407 to %scan3A_409 step %scan3A_410 iter_args(%scan3A_447 = %broadcast_in_dim3A_406, %scan3A_448 = %broadcast_in_dim3A_406, %scan3A_449 = %broadcast_in_dim3A_406, %scan3A_450 = %broadcast_in_dim3A_406, %scan3A_451 = %broadcast_in_dim3A_406, %scan3A_452 = %broadcast_in_dim3A_406, %scan3A_453 = %broadcast_in_dim3A_406, %scan3A_454 = %broadcast_in_dim3A_406) -> (vector<16xf32>, vector<16xf32>, vector<16xf32>, vector<16xf32>, vector<16xf32>, vector<16xf32>, vector<16xf32>, vector<16xf32>)  : i32 {
          %mul3A_455 = arith.constant 4 : i32
          %mul3A_456 = arith.muli %scan3A_446, %mul3A_455 : i32
          %add3A_457 = arith.addi %mul3A_405, %mul3A_456 : i32
          %get3A_458 = arith.index_cast %add3A_457 : i32 to index
          %get3A_459 = arith.constant 0 : index
          %get3A_460 = tpu.vector_load %arg9[%get3A_458, %get3A_459] {strides = array<i32>} : memref<1600x32xf32, #tpu.memory_space<vmem>>, vector<1x16xf32>,
          %get3A_461 = vector.shape_cast %get3A_460 : vector<1x16xf32> to vector<16xf32>
          %add3A_462 = arith.addf %scan3A_447, %get3A_461 : vector<16xf32>
          %get3A_463 = arith.index_cast %add3A_457 : i32 to index
          %get3A_464 = arith.constant 16 : index
          %get3A_465 = tpu.vector_load %arg9[%get3A_463, %get3A_464] {strides = array<i32>} : memref<1600x32xf32, #tpu.memory_space<vmem>>, vector<1x16xf32>,
          %get3A_466 = vector.shape_cast %get3A_465 : vector<1x16xf32> to vector<16xf32>
          %add3A_467 = arith.addf %scan3A_448, %get3A_466 : vector<16xf32>
          %add3A_468 = arith.constant 1 : i32
          %add3A_469 = arith.addi %add3A_457, %add3A_468 : i32
          %get3A_470 = arith.index_cast %add3A_469 : i32 to index
          %get3A_471 = arith.constant 0 : index
          %get3A_472 = tpu.vector_load %arg9[%get3A_470, %get3A_471] {strides = array<i32>} : memref<1600x32xf32, #tpu.memory_space<vmem>>, vector<1x16xf32>,
          %get3A_473 = vector.shape_cast %get3A_472 : vector<1x16xf32> to vector<16xf32>
          %add3A_474 = arith.addf %scan3A_449, %get3A_473 : vector<16xf32>
          %add3A_475 = arith.constant 1 : i32
          %add3A_476 = arith.addi %add3A_457, %add3A_475 : i32
          %get3A_477 = arith.index_cast %add3A_476 : i32 to index
          %get3A_478 = arith.constant 16 : index
          %get3A_479 = tpu.vector_load %arg9[%get3A_477, %get3A_478] {strides = array<i32>} : memref<1600x32xf32, #tpu.memory_space<vmem>>, vector<1x16xf32>,
          %get3A_480 = vector.shape_cast %get3A_479 : vector<1x16xf32> to vector<16xf32>
          %add3A_481 = arith.addf %scan3A_450, %get3A_480 : vector<16xf32>
          %add3A_482 = arith.constant 2 : i32
          %add3A_483 = arith.addi %add3A_457, %add3A_482 : i32
          %get3A_484 = arith.index_cast %add3A_483 : i32 to index
          %get3A_485 = arith.constant 0 : index
          %get3A_486 = tpu.vector_load %arg9[%get3A_484, %get3A_485] {strides = array<i32>} : memref<1600x32xf32, #tpu.memory_space<vmem>>, vector<1x16xf32>,
          %get3A_487 = vector.shape_cast %get3A_486 : vector<1x16xf32> to vector<16xf32>
          %add3A_488 = arith.addf %scan3A_451, %get3A_487 : vector<16xf32>
          %add3A_489 = arith.constant 2 : i32
          %add3A_490 = arith.addi %add3A_457, %add3A_489 : i32
          %get3A_491 = arith.index_cast %add3A_490 : i32 to index
          %get3A_492 = arith.constant 16 : index
          %get3A_493 = tpu.vector_load %arg9[%get3A_491, %get3A_492] {strides = array<i32>} : memref<1600x32xf32, #tpu.memory_space<vmem>>, vector<1x16xf32>,
          %get3A_494 = vector.shape_cast %get3A_493 : vector<1x16xf32> to vector<16xf32>
          %add3A_495 = arith.addf %scan3A_452, %get3A_494 : vector<16xf32>
          %add3A_496 = arith.constant 3 : i32
          %add3A_497 = arith.addi %add3A_457, %add3A_496 : i32
          %get3A_498 = arith.index_cast %add3A_497 : i32 to index
          %get3A_499 = arith.constant 0 : index
          %get3A_500 = tpu.vector_load %arg9[%get3A_498, %get3A_499] {strides = array<i32>} : memref<1600x32xf32, #tpu.memory_space<vmem>>, vector<1x16xf32>,
          %get3A_501 = vector.shape_cast %get3A_500 : vector<1x16xf32> to vector<16xf32>
          %add3A_502 = arith.addf %scan3A_453, %get3A_501 : vector<16xf32>
          %add3A_503 = arith.constant 3 : i32
          %add3A_504 = arith.addi %add3A_457, %add3A_503 : i32
          %get3A_505 = arith.index_cast %add3A_504 : i32 to index
          %get3A_506 = arith.constant 16 : index
          %get3A_507 = tpu.vector_load %arg9[%get3A_505, %get3A_506] {strides = array<i32>} : memref<1600x32xf32, #tpu.memory_space<vmem>>, vector<1x16xf32>,
          %get3A_508 = vector.shape_cast %get3A_507 : vector<1x16xf32> to vector<16xf32>
          %add3A_509 = arith.addf %scan3A_454, %get3A_508 : vector<16xf32>
          scf.yield %add3A_462, %add3A_467, %add3A_474, %add3A_481, %add3A_488, %add3A_495, %add3A_502, %add3A_509 : vector<16xf32>, vector<16xf32>, vector<16xf32>, vector<16xf32>, vector<16xf32>, vector<16xf32>, vector<16xf32>, vector<16xf32>
        }
        %scan3A_412 = arith.constant 25 : i32
        %add3A_413 = arith.addf %scan3A_411#0, %scan3A_411#2 : vector<16xf32>
        %add3A_414 = arith.addf %scan3A_411#4, %scan3A_411#6 : vector<16xf32>
        %add3A_415 = arith.addf %add3A_413, %add3A_414 : vector<16xf32>
        %add3A_416 = arith.addf %add3A_415, %get3A_4 : vector<16xf32>
        %add3A_417 = arith.addf %scan3A_411#1, %scan3A_411#3 : vector<16xf32>
        %add3A_418 = arith.addf %scan3A_411#5, %scan3A_411#7 : vector<16xf32>
        %add3A_419 = arith.addf %add3A_417, %add3A_418 : vector<16xf32>
        %add3A_420 = arith.addf %add3A_419, %get3A_7 : vector<16xf32>
        %add3A_421 = arith.addf %add3A_416, %add3A_416 : vector<16xf32>
        %exp3A = math.exp %add3A_421 : vector<16xf32>
        %add3A_422 = arith.addf %add3A_420, %add3A_420 : vector<16xf32>
        %exp3A_423 = math.exp %add3A_422 : vector<16xf32>
        %sub3A = arith.constant 1.000000e+00 : f32
        %sub3A_424 = vector.broadcast %sub3A : f32 to vector<16xf32>
        %sub3A_425 = arith.subf %exp3A, %sub3A_424 : vector<16xf32>
        %add3A_426 = arith.constant 1.000000e+00 : f32
        %add3A_427 = vector.broadcast %add3A_426 : f32 to vector<16xf32>
        %add3A_428 = arith.addf %exp3A, %add3A_427 : vector<16xf32>
        %div3A = arith.divf %sub3A_425, %add3A_428 : vector<16xf32>
        %swap3A = arith.index_cast %scan3A_402 : i32 to index
        %swap3A_429 = arith.constant 0 : index
        %swap3A_430 = tpu.vector_load %arg11[%swap3A, %swap3A_429] {strides = array<i32>} : memref<16x32xf32, #tpu.memory_space<vmem>>, vector<1x16xf32>,
        %swap3A_431 = vector.shape_cast %swap3A_430 : vector<1x16xf32> to vector<16xf32>
        %swap3A_432 = vector.shape_cast %div3A : vector<16xf32> to vector<1x16xf32>
        tpu.vector_store %arg11[%swap3A, %swap3A_429], %swap3A_432 {strides = array<i32>} : memref<16x32xf32, #tpu.memory_space<vmem>>, vector<1x16xf32>,
        %sub3A_433 = arith.constant 1.000000e+00 : f32
        %sub3A_434 = vector.broadcast %sub3A_433 : f32 to vector<16xf32>
        %sub3A_435 = arith.subf %exp3A_423, %sub3A_434 : vector<16xf32>
        %add3A_436 = arith.constant 1.000000e+00 : f32
        %add3A_437 = vector.broadcast %add3A_436 : f32 to vector<16xf32>
        %add3A_438 = arith.addf %exp3A_423, %add3A_437 : vector<16xf32>
        %div3A_439 = arith.divf %sub3A_435, %add3A_438 : vector<16xf32>
        %swap3A_440 = arith.index_cast %scan3A_402 : i32 to index
        %swap3A_441 = arith.constant 16 : index
        %swap3A_442 = tpu.vector_load %arg11[%swap3A_440, %swap3A_441] {strides = array<i32>} : memref<16x32xf32, #tpu.memory_space<vmem>>, vector<1x16xf32>,
        %swap3A_443 = vector.shape_cast %swap3A_442 : vector<1x16xf32> to vector<16xf32>
        %swap3A_444 = vector.shape_cast %div3A_439 : vector<16xf32> to vector<1x16xf32>
        tpu.vector_store %arg11[%swap3A_440, %swap3A_441], %swap3A_444 {strides = array<i32>} : memref<16x32xf32, #tpu.memory_space<vmem>>, vector<1x16xf32>,
        %scan3A_445 = arith.constant 0 : i32
        scf.yield %scan3A_445 : i32
      }
      %scan3A_381 = arith.constant 16 : i32
      %mul3A_382 = arith.constant 16 : i32
      %mul3A_383 = arith.muli %add3A_374, %mul3A_382 : i32
      %add3A_384 = arith.addi %mul3A_2, %mul3A_383 : i32
      %dma_start3A_385 = arith.constant 0 : i32
      %dma_start3A_386 = tpu.memref_slice %arg5[%add3A_384, %dma_start3A_385] : memref<16384x32xf32, #tpu.memory_space<hbm>> -> memref<16x32xf32, #tpu.memory_space<hbm>>
      %dma_start3A_387 = arith.constant 0 : i32
      %dma_start3A_388 = tpu.memref_slice %arg5[%add3A_384, %dma_start3A_387] : memref<16384x32xf32, #tpu.memory_space<hbm>> -> memref<16x32xf32, #tpu.memory_space<hbm>>
      tpu.enqueue_dma source(%arg11 : memref<16x32xf32, #tpu.memory_space<vmem>>) target(%dma_start3A_388 : memref<16x32xf32, #tpu.memory_space<hbm>>) target_semaphore(%arg16 : memref<!tpu.dma_semaphore, #tpu.memory_space<semaphore_mem>>)
      %dma_wait3A_389 = arith.constant 0 : i32
      %dma_wait3A_390 = arith.constant 0 : i32
      %dma_wait3A_391 = tpu.memref_slice %arg5[%dma_wait3A_389, %dma_wait3A_390] : memref<16384x32xf32, #tpu.memory_space<hbm>> -> memref<16x32xf32, #tpu.memory_space<hbm>>
      %dma_wait3A_392 = arith.constant 0 : i32
      %dma_wait3A_393 = arith.constant 0 : i32
      %dma_wait3A_394 = tpu.memref_slice %arg5[%dma_wait3A_392, %dma_wait3A_393] : memref<16384x32xf32, #tpu.memory_space<hbm>> -> memref<16x32xf32, #tpu.memory_space<hbm>>
      tpu.wait_dma2 semaphore(%arg15 : memref<!tpu.dma_semaphore, #tpu.memory_space<semaphore_mem>>) src(%arg10 : memref<16x32xf32, #tpu.memory_space<vmem>>) dst(%dma_wait3A_394 : memref<16x32xf32, #tpu.memory_space<hbm>>)
      %dma_wait3A_395 = arith.constant 0 : i32
      %dma_wait3A_396 = arith.constant 0 : i32
      %dma_wait3A_397 = tpu.memref_slice %arg5[%dma_wait3A_395, %dma_wait3A_396] : memref<16384x32xf32, #tpu.memory_space<hbm>> -> memref<16x32xf32, #tpu.memory_space<hbm>>
      %dma_wait3A_398 = arith.constant 0 : i32
      %dma_wait3A_399 = arith.constant 0 : i32
      %dma_wait3A_400 = tpu.memref_slice %arg5[%dma_wait3A_398, %dma_wait3A_399] : memref<16384x32xf32, #tpu.memory_space<hbm>> -> memref<16x32xf32, #tpu.memory_space<hbm>>
      tpu.wait_dma2 semaphore(%arg16 : memref<!tpu.dma_semaphore, #tpu.memory_space<semaphore_mem>>) src(%arg11 : memref<16x32xf32, #tpu.memory_space<vmem>>) dst(%dma_wait3A_400 : memref<16x32xf32, #tpu.memory_space<hbm>>)
      %scan3A_401 = arith.constant 0 : i32
      scf.yield %scan3A_401 : i32
    }
    %scan3A_174 = arith.constant 16 : i32
    return
  }
}

#map = affine_map<(d0, d1) -> (0, 0)>
#map1 = affine_map<(d0, d1) -> (0)>
module attributes {stable_mosaic.version = 14 : i64} {
  func.func @_transpose_body(%arg0: i32, %arg1: i32, %arg2: memref<32x1000001xf32, #tpu.memory_space<hbm>>, %arg3: memref<2080xf32, #tpu.memory_space<hbm>>, %arg4: memref<32000256xf32, #tpu.memory_space<hbm>>, %arg5: memref<32x512xf32, #tpu.memory_space<vmem>>, %arg6: memref<32x512xf32, #tpu.memory_space<vmem>>, %arg7: memref<17376xf32, #tpu.memory_space<vmem>>, %arg8: memref<17376xf32, #tpu.memory_space<vmem>>, %arg9: memref<16912xf32, #tpu.memory_space<vmem>>, %arg10: memref<2080xf32, #tpu.memory_space<vmem>>, %arg11: memref<!tpu.dma_semaphore, #tpu.memory_space<semaphore_mem>>, %arg12: memref<!tpu.dma_semaphore, #tpu.memory_space<semaphore_mem>>, %arg13: memref<!tpu.dma_semaphore, #tpu.memory_space<semaphore_mem>>, %arg14: memref<!tpu.dma_semaphore, #tpu.memory_space<semaphore_mem>>) attributes {dimension_semantics = [#tpu.dimension_semantics<core_parallel>, #tpu.dimension_semantics<subcore_parallel>], iteration_bounds = array<i64: 2, 16>, scalar_prefetch = 0 : i64, scratch_operands = 10 : i64, tpu.core_type = #tpu.core_type<sc_vector_subcore>, window_params = [{transform_indices = #map}, {transform_indices = #map1}, {transform_indices = #map1}]} {
    %mul3A = arith.constant 2 : i32
    %mul3A_0 = arith.muli %arg1, %mul3A : i32
    %add3A = arith.addi %mul3A_0, %arg0 : i32
    %iota3A = tpu.iota {dimensions = array<i32: 0>} : vector<16xi32>
    %mul3A_1 = arith.constant 529 : i32
    %mul3A_2 = vector.broadcast %mul3A_1 : i32 to vector<16xi32>
    %mul3A_3 = arith.muli %iota3A, %mul3A_2 : vector<16xi32>
    %iota3A_4 = tpu.iota {dimensions = array<i32: 0>} : vector<16xi32>
    %mul3A_5 = arith.constant 33 : i32
    %mul3A_6 = vector.broadcast %mul3A_5 : i32 to vector<16xi32>
    %mul3A_7 = arith.muli %iota3A_4, %mul3A_6 : vector<16xi32>
    %eq3A = arith.constant 0 : i32
    %eq3A_8 = arith.cmpi eq, %add3A, %eq3A : i32
    %convert_element_type3A = arith.extui %eq3A_8 : i1 to i32
    %cond3A = arith.constant 0 : i32
    %cond3A_9 = arith.cmpi ne, %convert_element_type3A, %cond3A : i32
    scf.if %cond3A_9 {
      "tpu.region"() ({
        %run_scoped3A = tpu.sem_alloc : memref<!tpu.dma_semaphore, #tpu.memory_space<semaphore_mem>>
        tpu.enqueue_dma source(%arg3 : memref<2080xf32, #tpu.memory_space<hbm>>) target(%arg10 : memref<2080xf32, #tpu.memory_space<vmem>>) target_semaphore(%run_scoped3A : memref<!tpu.dma_semaphore, #tpu.memory_space<semaphore_mem>>)
        tpu.wait_dma2 semaphore(%run_scoped3A : memref<!tpu.dma_semaphore, #tpu.memory_space<semaphore_mem>>) src(%arg3 : memref<2080xf32, #tpu.memory_space<hbm>>) dst(%arg10 : memref<2080xf32, #tpu.memory_space<vmem>>)
        tpu.yield
      }) : () -> ()
      "tpu.region"() ({
        %run_scoped3A = tpu.sem_alloc : memref<!tpu.dma_semaphore, #tpu.memory_space<semaphore_mem>>
        %dma_start3A_41 = arith.constant 31997952 : i32
        %dma_start3A_42 = tpu.memref_slice %arg4[%dma_start3A_41] : memref<32000256xf32, #tpu.memory_space<hbm>> -> memref<2080xf32, #tpu.memory_space<hbm>>
        %dma_start3A_43 = arith.constant 31997952 : i32
        %dma_start3A_44 = tpu.memref_slice %arg4[%dma_start3A_43] : memref<32000256xf32, #tpu.memory_space<hbm>> -> memref<2080xf32, #tpu.memory_space<hbm>>
        tpu.enqueue_dma source(%arg10 : memref<2080xf32, #tpu.memory_space<vmem>>) target(%dma_start3A_44 : memref<2080xf32, #tpu.memory_space<hbm>>) target_semaphore(%run_scoped3A : memref<!tpu.dma_semaphore, #tpu.memory_space<semaphore_mem>>)
        %dma_wait3A = arith.constant 31997952 : i32
        %dma_wait3A_45 = tpu.memref_slice %arg4[%dma_wait3A] : memref<32000256xf32, #tpu.memory_space<hbm>> -> memref<2080xf32, #tpu.memory_space<hbm>>
        %dma_wait3A_46 = arith.constant 31997952 : i32
        %dma_wait3A_47 = tpu.memref_slice %arg4[%dma_wait3A_46] : memref<32000256xf32, #tpu.memory_space<hbm>> -> memref<2080xf32, #tpu.memory_space<hbm>>
        tpu.wait_dma2 semaphore(%run_scoped3A : memref<!tpu.dma_semaphore, #tpu.memory_space<semaphore_mem>>) src(%arg10 : memref<2080xf32, #tpu.memory_space<vmem>>) dst(%dma_wait3A_47 : memref<2080xf32, #tpu.memory_space<hbm>>)
        tpu.yield
      }) : () -> ()
    } else {
    }
    %sub3A = arith.constant 1952 : i32
    %sub3A_10 = arith.subi %sub3A, %add3A : i32
    %jit3A = arith.constant 32 : i32
    %div3A = arith.divsi %sub3A_10, %jit3A : i32
    %sign3A = arith.constant 0 : i32
    %sign3A_11 = arith.cmpi sgt, %sub3A_10, %sign3A : i32
    %sign3A_12 = arith.extui %sign3A_11 : i1 to i32
    %sign3A_13 = arith.constant 0 : i32
    %sign3A_14 = arith.cmpi slt, %sub3A_10, %sign3A_13 : i32
    %sign3A_15 = arith.extui %sign3A_14 : i1 to i32
    %sign3A_16 = arith.subi %sign3A_12, %sign3A_15 : i32
    %sign3A_17 = arith.constant 0 : i32
    %sign3A_18 = arith.cmpi sgt, %jit3A, %sign3A_17 : i32
    %sign3A_19 = arith.extui %sign3A_18 : i1 to i32
    %sign3A_20 = arith.constant 0 : i32
    %sign3A_21 = arith.cmpi slt, %jit3A, %sign3A_20 : i32
    %sign3A_22 = arith.extui %sign3A_21 : i1 to i32
    %sign3A_23 = arith.subi %sign3A_19, %sign3A_22 : i32
    %ne3A = arith.cmpi ne, %sign3A_16, %sign3A_23 : i32
    %rem3A = arith.remsi %sub3A_10, %jit3A : i32
    %ne3A_24 = arith.constant 0 : i32
    %ne3A_25 = arith.cmpi ne, %rem3A, %ne3A_24 : i32
    %and3A = arith.andi %ne3A, %ne3A_25 : i1
    %sub3A_26 = arith.constant 1 : i32
    %sub3A_27 = arith.subi %div3A, %sub3A_26 : i32
    %select_n3A = arith.select %and3A, %sub3A_27, %div3A : i32
    %add3A_28 = arith.constant 1 : i32
    %add3A_29 = arith.addi %select_n3A, %add3A_28 : i32
    %mul3A_30 = arith.constant 512 : i32
    %mul3A_31 = arith.muli %add3A, %mul3A_30 : i32
    %dma_start3A = arith.constant 0 : i32
    %dma_start3A_32 = tpu.memref_slice %arg2[%dma_start3A, %mul3A_31] : memref<32x1000001xf32, #tpu.memory_space<hbm>> -> memref<32x512xf32, #tpu.memory_space<hbm>>
    %dma_start3A_33 = arith.constant 0 : i32
    %dma_start3A_34 = tpu.memref_slice %arg2[%dma_start3A_33, %mul3A_31] : memref<32x1000001xf32, #tpu.memory_space<hbm>> -> memref<32x512xf32, #tpu.memory_space<hbm>>
    tpu.enqueue_dma source(%dma_start3A_34 : memref<32x512xf32, #tpu.memory_space<hbm>>) target(%arg5 : memref<32x512xf32, #tpu.memory_space<vmem>>) target_semaphore(%arg11 : memref<!tpu.dma_semaphore, #tpu.memory_space<semaphore_mem>>)
    %scan3A = arith.constant 0 : i32
    %scan3A_35 = arith.constant 0 : i32
    %scan3A_36 = arith.constant 31 : i32
    %scan3A_37 = arith.addi %scan3A_35, %scan3A_36 : i32
    %scan3A_38 = arith.constant 1 : i32
    %scan3A_39 = scf.for %scan3A_41 = %scan3A_35 to %scan3A_37 step %scan3A_38 iter_args(%scan3A_42 = %scan3A) -> (i32)  : i32 {
      %mul3A_43 = arith.constant 2 : i32
      %mul3A_44 = arith.muli %mul3A_43, %scan3A_41 : i32
      %add3A_45 = arith.constant 1 : i32
      %add3A_46 = arith.addi %mul3A_44, %add3A_45 : i32
      %lt3A = arith.cmpi slt, %add3A_46, %add3A_29 : i32
      %convert_element_type3A_47 = arith.extui %lt3A : i1 to i32
      %cond3A_48 = arith.constant 0 : i32
      %cond3A_49 = arith.cmpi ne, %convert_element_type3A_47, %cond3A_48 : i32
      scf.if %cond3A_49 {
        %mul3A_65 = arith.constant 32 : i32
        %mul3A_66 = arith.muli %add3A_46, %mul3A_65 : i32
        %add3A_67 = arith.addi %add3A, %mul3A_66 : i32
        %mul3A_68 = arith.constant 512 : i32
        %mul3A_69 = arith.muli %add3A_67, %mul3A_68 : i32
        %dma_start3A_70 = arith.constant 0 : i32
        %dma_start3A_71 = tpu.memref_slice %arg2[%dma_start3A_70, %mul3A_69] : memref<32x1000001xf32, #tpu.memory_space<hbm>> -> memref<32x512xf32, #tpu.memory_space<hbm>>
        %dma_start3A_72 = arith.constant 0 : i32
        %dma_start3A_73 = tpu.memref_slice %arg2[%dma_start3A_72, %mul3A_69] : memref<32x1000001xf32, #tpu.memory_space<hbm>> -> memref<32x512xf32, #tpu.memory_space<hbm>>
        tpu.enqueue_dma source(%dma_start3A_73 : memref<32x512xf32, #tpu.memory_space<hbm>>) target(%arg6 : memref<32x512xf32, #tpu.memory_space<vmem>>) target_semaphore(%arg12 : memref<!tpu.dma_semaphore, #tpu.memory_space<semaphore_mem>>)
      } else {
      }
      %lt3A_50 = arith.cmpi slt, %mul3A_44, %add3A_29 : i32
      %convert_element_type3A_51 = arith.extui %lt3A_50 : i1 to i32
      %cond3A_52 = arith.constant 0 : i32
      %cond3A_53 = arith.cmpi ne, %convert_element_type3A_51, %cond3A_52 : i32
      scf.if %cond3A_53 {
        %mul3A_65 = arith.constant 32 : i32
        %mul3A_66 = arith.muli %mul3A_44, %mul3A_65 : i32
        %add3A_67 = arith.addi %add3A, %mul3A_66 : i32
        %dma_wait3A = arith.constant 0 : i32
        %dma_wait3A_68 = arith.constant 0 : i32
        %dma_wait3A_69 = tpu.memref_slice %arg2[%dma_wait3A, %dma_wait3A_68] : memref<32x1000001xf32, #tpu.memory_space<hbm>> -> memref<32x512xf32, #tpu.memory_space<hbm>>
        %dma_wait3A_70 = arith.constant 0 : i32
        %dma_wait3A_71 = arith.constant 0 : i32
        %dma_wait3A_72 = tpu.memref_slice %arg2[%dma_wait3A_70, %dma_wait3A_71] : memref<32x1000001xf32, #tpu.memory_space<hbm>> -> memref<32x512xf32, #tpu.memory_space<hbm>>
        tpu.wait_dma2 semaphore(%arg11 : memref<!tpu.dma_semaphore, #tpu.memory_space<semaphore_mem>>) src(%dma_wait3A_72 : memref<32x512xf32, #tpu.memory_space<hbm>>) dst(%arg5 : memref<32x512xf32, #tpu.memory_space<vmem>>)
        %scan3A_73 = arith.constant 0 : i32
        %scan3A_74 = arith.constant 0 : i32
        %scan3A_75 = arith.constant 32 : i32
        %scan3A_76 = arith.addi %scan3A_74, %scan3A_75 : i32
        %scan3A_77 = arith.constant 1 : i32
        %scan3A_78 = scf.for %scan3A_122 = %scan3A_74 to %scan3A_76 step %scan3A_77 iter_args(%scan3A_123 = %scan3A_73) -> (i32)  : i32 {
          %parallel_loop3A = arith.constant 0 : i32
          %parallel_loop3A_124 = arith.constant 32 : i32
          %parallel_loop3A_125 = arith.constant 1 : i32
          scf.for %parallel_loop3A_127 = %parallel_loop3A to %parallel_loop3A_124 step %parallel_loop3A_125  : i32 {
            %parallel_loop3A_128 = arith.constant 16 : i32
            %parallel_loop3A_129 = arith.muli %parallel_loop3A_127, %parallel_loop3A_128 : i32
            %parallel_loop3A_130 = arith.index_cast %scan3A_122 : i32 to index
            %parallel_loop3A_131 = arith.index_cast %parallel_loop3A_129 : i32 to index
            %parallel_loop3A_132 = tpu.vector_load %arg5[%parallel_loop3A_130, %parallel_loop3A_131] {strides = array<i32>} : memref<32x512xf32, #tpu.memory_space<vmem>>, vector<16xf32>,
            %parallel_loop3A_133 = arith.constant 528 : i32
            %parallel_loop3A_134 = arith.muli %scan3A_122, %parallel_loop3A_133 : i32
            %parallel_loop3A_135 = arith.constant 16 : i32
            %parallel_loop3A_136 = arith.addi %parallel_loop3A_134, %parallel_loop3A_135 : i32
            %parallel_loop3A_137 = arith.constant 16 : i32
            %parallel_loop3A_138 = arith.muli %parallel_loop3A_127, %parallel_loop3A_137 : i32
            %parallel_loop3A_139 = arith.addi %parallel_loop3A_136, %parallel_loop3A_138 : i32
            %parallel_loop3A_140 = arith.index_cast %parallel_loop3A_139 : i32 to index
            %parallel_loop3A_141 = tpu.vector_load %arg9[%parallel_loop3A_140] {strides = array<i32>} : memref<16912xf32, #tpu.memory_space<vmem>>, vector<16xf32>,
            tpu.vector_store %arg9[%parallel_loop3A_140], %parallel_loop3A_132 {strides = array<i32>} : memref<16912xf32, #tpu.memory_space<vmem>>, vector<16xf32>,
          } {sc.loop_unroll_factor = 8 : i64, sc.parallel_access}
          %scan3A_126 = arith.constant 0 : i32
          scf.yield %scan3A_126 : i32
        }
        %scan3A_79 = arith.constant 32 : i32
        %add3A_80 = arith.constant 1 : i32
        %add3A_81 = vector.broadcast %add3A_80 : i32 to vector<16xi32>
        %add3A_82 = arith.addi %mul3A_3, %add3A_81 : vector<16xi32>
        %add3A_83 = arith.constant 2 : i32
        %add3A_84 = vector.broadcast %add3A_83 : i32 to vector<16xi32>
        %add3A_85 = arith.addi %mul3A_3, %add3A_84 : vector<16xi32>
        %add3A_86 = arith.constant 3 : i32
        %add3A_87 = vector.broadcast %add3A_86 : i32 to vector<16xi32>
        %add3A_88 = arith.addi %mul3A_3, %add3A_87 : vector<16xi32>
        %add3A_89 = arith.constant 32 : i32
        %add3A_90 = vector.broadcast %add3A_89 : i32 to vector<16xi32>
        %add3A_91 = arith.addi %mul3A_7, %add3A_90 : vector<16xi32>
        %add3A_92 = arith.constant 64 : i32
        %add3A_93 = vector.broadcast %add3A_92 : i32 to vector<16xi32>
        %add3A_94 = arith.addi %mul3A_7, %add3A_93 : vector<16xi32>
        %add3A_95 = arith.constant 96 : i32
        %add3A_96 = vector.broadcast %add3A_95 : i32 to vector<16xi32>
        %add3A_97 = arith.addi %mul3A_7, %add3A_96 : vector<16xi32>
        %scan3A_98 = arith.constant 0 : i32
        %scan3A_99 = arith.constant 132 : i32
        %scan3A_100 = arith.addi %scan3A_98, %scan3A_99 : i32
        %scan3A_101 = arith.constant 2 : i32
        %scan3A_102:8 = scf.for %scan3A_122 = %scan3A_98 to %scan3A_100 step %scan3A_101 iter_args(%scan3A_123 = %mul3A_3, %scan3A_124 = %add3A_82, %scan3A_125 = %add3A_85, %scan3A_126 = %add3A_88, %scan3A_127 = %mul3A_7, %scan3A_128 = %add3A_91, %scan3A_129 = %add3A_94, %scan3A_130 = %add3A_97) -> (vector<16xi32>, vector<16xi32>, vector<16xi32>, vector<16xi32>, vector<16xi32>, vector<16xi32>, vector<16xi32>, vector<16xi32>)  : i32 {
          %gather3A = tpu.vector_load_idx %arg9[%scan3A_123] : memref<16912xf32, #tpu.memory_space<vmem>>[vector<16xi32>], vector<16xf32>,
          %add3A_131 = arith.constant 8448 : i32
          %add3A_132 = vector.broadcast %add3A_131 : i32 to vector<16xi32>
          %add3A_133 = arith.addi %scan3A_123, %add3A_132 : vector<16xi32>
          %gather3A_134 = tpu.vector_load_idx %arg9[%add3A_133] : memref<16912xf32, #tpu.memory_space<vmem>>[vector<16xi32>], vector<16xf32>,
          tpu.vector_store_idx %arg7[%scan3A_127], %gather3A : memref<17376xf32, #tpu.memory_space<vmem>>[vector<16xi32>], vector<16xf32>,
          %add3A_135 = arith.constant 16 : i32
          %add3A_136 = vector.broadcast %add3A_135 : i32 to vector<16xi32>
          %add3A_137 = arith.addi %scan3A_127, %add3A_136 : vector<16xi32>
          tpu.vector_store_idx %arg7[%add3A_137], %gather3A_134 : memref<17376xf32, #tpu.memory_space<vmem>>[vector<16xi32>], vector<16xf32>,
          %gather3A_138 = tpu.vector_load_idx %arg9[%scan3A_124] : memref<16912xf32, #tpu.memory_space<vmem>>[vector<16xi32>], vector<16xf32>,
          %add3A_139 = arith.constant 8448 : i32
          %add3A_140 = vector.broadcast %add3A_139 : i32 to vector<16xi32>
          %add3A_141 = arith.addi %scan3A_124, %add3A_140 : vector<16xi32>
          %gather3A_142 = tpu.vector_load_idx %arg9[%add3A_141] : memref<16912xf32, #tpu.memory_space<vmem>>[vector<16xi32>], vector<16xf32>,
          tpu.vector_store_idx %arg7[%scan3A_128], %gather3A_138 : memref<17376xf32, #tpu.memory_space<vmem>>[vector<16xi32>], vector<16xf32>,
          %add3A_143 = arith.constant 16 : i32
          %add3A_144 = vector.broadcast %add3A_143 : i32 to vector<16xi32>
          %add3A_145 = arith.addi %scan3A_128, %add3A_144 : vector<16xi32>
          tpu.vector_store_idx %arg7[%add3A_145], %gather3A_142 : memref<17376xf32, #tpu.memory_space<vmem>>[vector<16xi32>], vector<16xf32>,
          %gather3A_146 = tpu.vector_load_idx %arg9[%scan3A_125] : memref<16912xf32, #tpu.memory_space<vmem>>[vector<16xi32>], vector<16xf32>,
          %add3A_147 = arith.constant 8448 : i32
          %add3A_148 = vector.broadcast %add3A_147 : i32 to vector<16xi32>
          %add3A_149 = arith.addi %scan3A_125, %add3A_148 : vector<16xi32>
          %gather3A_150 = tpu.vector_load_idx %arg9[%add3A_149] : memref<16912xf32, #tpu.memory_space<vmem>>[vector<16xi32>], vector<16xf32>,
          tpu.vector_store_idx %arg7[%scan3A_129], %gather3A_146 : memref<17376xf32, #tpu.memory_space<vmem>>[vector<16xi32>], vector<16xf32>,
          %add3A_151 = arith.constant 16 : i32
          %add3A_152 = vector.broadcast %add3A_151 : i32 to vector<16xi32>
          %add3A_153 = arith.addi %scan3A_129, %add3A_152 : vector<16xi32>
          tpu.vector_store_idx %arg7[%add3A_153], %gather3A_150 : memref<17376xf32, #tpu.memory_space<vmem>>[vector<16xi32>], vector<16xf32>,
          %gather3A_154 = tpu.vector_load_idx %arg9[%scan3A_126] : memref<16912xf32, #tpu.memory_space<vmem>>[vector<16xi32>], vector<16xf32>,
          %add3A_155 = arith.constant 8448 : i32
          %add3A_156 = vector.broadcast %add3A_155 : i32 to vector<16xi32>
          %add3A_157 = arith.addi %scan3A_126, %add3A_156 : vector<16xi32>
          %gather3A_158 = tpu.vector_load_idx %arg9[%add3A_157] : memref<16912xf32, #tpu.memory_space<vmem>>[vector<16xi32>], vector<16xf32>,
          tpu.vector_store_idx %arg7[%scan3A_130], %gather3A_154 : memref<17376xf32, #tpu.memory_space<vmem>>[vector<16xi32>], vector<16xf32>,
          %add3A_159 = arith.constant 16 : i32
          %add3A_160 = vector.broadcast %add3A_159 : i32 to vector<16xi32>
          %add3A_161 = arith.addi %scan3A_130, %add3A_160 : vector<16xi32>
          tpu.vector_store_idx %arg7[%add3A_161], %gather3A_158 : memref<17376xf32, #tpu.memory_space<vmem>>[vector<16xi32>], vector<16xf32>,
          %add3A_162 = arith.constant 4 : i32
          %add3A_163 = vector.broadcast %add3A_162 : i32 to vector<16xi32>
          %add3A_164 = arith.addi %scan3A_123, %add3A_163 : vector<16xi32>
          %add3A_165 = arith.constant 4 : i32
          %add3A_166 = vector.broadcast %add3A_165 : i32 to vector<16xi32>
          %add3A_167 = arith.addi %scan3A_124, %add3A_166 : vector<16xi32>
          %add3A_168 = arith.constant 4 : i32
          %add3A_169 = vector.broadcast %add3A_168 : i32 to vector<16xi32>
          %add3A_170 = arith.addi %scan3A_125, %add3A_169 : vector<16xi32>
          %add3A_171 = arith.constant 4 : i32
          %add3A_172 = vector.broadcast %add3A_171 : i32 to vector<16xi32>
          %add3A_173 = arith.addi %scan3A_126, %add3A_172 : vector<16xi32>
          %add3A_174 = arith.constant 128 : i32
          %add3A_175 = vector.broadcast %add3A_174 : i32 to vector<16xi32>
          %add3A_176 = arith.addi %scan3A_127, %add3A_175 : vector<16xi32>
          %add3A_177 = arith.constant 128 : i32
          %add3A_178 = vector.broadcast %add3A_177 : i32 to vector<16xi32>
          %add3A_179 = arith.addi %scan3A_128, %add3A_178 : vector<16xi32>
          %add3A_180 = arith.constant 128 : i32
          %add3A_181 = vector.broadcast %add3A_180 : i32 to vector<16xi32>
          %add3A_182 = arith.addi %scan3A_129, %add3A_181 : vector<16xi32>
          %add3A_183 = arith.constant 128 : i32
          %add3A_184 = vector.broadcast %add3A_183 : i32 to vector<16xi32>
          %add3A_185 = arith.addi %scan3A_130, %add3A_184 : vector<16xi32>
          %scan3A_186 = arith.constant 1 : i32
          %scan3A_187 = arith.addi %scan3A_122, %scan3A_186 : i32
          %gather3A_188 = tpu.vector_load_idx %arg9[%add3A_164] : memref<16912xf32, #tpu.memory_space<vmem>>[vector<16xi32>], vector<16xf32>,
          %add3A_189 = arith.constant 8448 : i32
          %add3A_190 = vector.broadcast %add3A_189 : i32 to vector<16xi32>
          %add3A_191 = arith.addi %add3A_164, %add3A_190 : vector<16xi32>
          %gather3A_192 = tpu.vector_load_idx %arg9[%add3A_191] : memref<16912xf32, #tpu.memory_space<vmem>>[vector<16xi32>], vector<16xf32>,
          tpu.vector_store_idx %arg7[%add3A_176], %gather3A_188 : memref<17376xf32, #tpu.memory_space<vmem>>[vector<16xi32>], vector<16xf32>,
          %add3A_193 = arith.constant 16 : i32
          %add3A_194 = vector.broadcast %add3A_193 : i32 to vector<16xi32>
          %add3A_195 = arith.addi %add3A_176, %add3A_194 : vector<16xi32>
          tpu.vector_store_idx %arg7[%add3A_195], %gather3A_192 : memref<17376xf32, #tpu.memory_space<vmem>>[vector<16xi32>], vector<16xf32>,
          %gather3A_196 = tpu.vector_load_idx %arg9[%add3A_167] : memref<16912xf32, #tpu.memory_space<vmem>>[vector<16xi32>], vector<16xf32>,
          %add3A_197 = arith.constant 8448 : i32
          %add3A_198 = vector.broadcast %add3A_197 : i32 to vector<16xi32>
          %add3A_199 = arith.addi %add3A_167, %add3A_198 : vector<16xi32>
          %gather3A_200 = tpu.vector_load_idx %arg9[%add3A_199] : memref<16912xf32, #tpu.memory_space<vmem>>[vector<16xi32>], vector<16xf32>,
          tpu.vector_store_idx %arg7[%add3A_179], %gather3A_196 : memref<17376xf32, #tpu.memory_space<vmem>>[vector<16xi32>], vector<16xf32>,
          %add3A_201 = arith.constant 16 : i32
          %add3A_202 = vector.broadcast %add3A_201 : i32 to vector<16xi32>
          %add3A_203 = arith.addi %add3A_179, %add3A_202 : vector<16xi32>
          tpu.vector_store_idx %arg7[%add3A_203], %gather3A_200 : memref<17376xf32, #tpu.memory_space<vmem>>[vector<16xi32>], vector<16xf32>,
          %gather3A_204 = tpu.vector_load_idx %arg9[%add3A_170] : memref<16912xf32, #tpu.memory_space<vmem>>[vector<16xi32>], vector<16xf32>,
          %add3A_205 = arith.constant 8448 : i32
          %add3A_206 = vector.broadcast %add3A_205 : i32 to vector<16xi32>
          %add3A_207 = arith.addi %add3A_170, %add3A_206 : vector<16xi32>
          %gather3A_208 = tpu.vector_load_idx %arg9[%add3A_207] : memref<16912xf32, #tpu.memory_space<vmem>>[vector<16xi32>], vector<16xf32>,
          tpu.vector_store_idx %arg7[%add3A_182], %gather3A_204 : memref<17376xf32, #tpu.memory_space<vmem>>[vector<16xi32>], vector<16xf32>,
          %add3A_209 = arith.constant 16 : i32
          %add3A_210 = vector.broadcast %add3A_209 : i32 to vector<16xi32>
          %add3A_211 = arith.addi %add3A_182, %add3A_210 : vector<16xi32>
          tpu.vector_store_idx %arg7[%add3A_211], %gather3A_208 : memref<17376xf32, #tpu.memory_space<vmem>>[vector<16xi32>], vector<16xf32>,
          %gather3A_212 = tpu.vector_load_idx %arg9[%add3A_173] : memref<16912xf32, #tpu.memory_space<vmem>>[vector<16xi32>], vector<16xf32>,
          %add3A_213 = arith.constant 8448 : i32
          %add3A_214 = vector.broadcast %add3A_213 : i32 to vector<16xi32>
          %add3A_215 = arith.addi %add3A_173, %add3A_214 : vector<16xi32>
          %gather3A_216 = tpu.vector_load_idx %arg9[%add3A_215] : memref<16912xf32, #tpu.memory_space<vmem>>[vector<16xi32>], vector<16xf32>,
          tpu.vector_store_idx %arg7[%add3A_185], %gather3A_212 : memref<17376xf32, #tpu.memory_space<vmem>>[vector<16xi32>], vector<16xf32>,
          %add3A_217 = arith.constant 16 : i32
          %add3A_218 = vector.broadcast %add3A_217 : i32 to vector<16xi32>
          %add3A_219 = arith.addi %add3A_185, %add3A_218 : vector<16xi32>
          tpu.vector_store_idx %arg7[%add3A_219], %gather3A_216 : memref<17376xf32, #tpu.memory_space<vmem>>[vector<16xi32>], vector<16xf32>,
          %add3A_220 = arith.constant 4 : i32
          %add3A_221 = vector.broadcast %add3A_220 : i32 to vector<16xi32>
          %add3A_222 = arith.addi %add3A_164, %add3A_221 : vector<16xi32>
          %add3A_223 = arith.constant 4 : i32
          %add3A_224 = vector.broadcast %add3A_223 : i32 to vector<16xi32>
          %add3A_225 = arith.addi %add3A_167, %add3A_224 : vector<16xi32>
          %add3A_226 = arith.constant 4 : i32
          %add3A_227 = vector.broadcast %add3A_226 : i32 to vector<16xi32>
          %add3A_228 = arith.addi %add3A_170, %add3A_227 : vector<16xi32>
          %add3A_229 = arith.constant 4 : i32
          %add3A_230 = vector.broadcast %add3A_229 : i32 to vector<16xi32>
          %add3A_231 = arith.addi %add3A_173, %add3A_230 : vector<16xi32>
          %add3A_232 = arith.constant 128 : i32
          %add3A_233 = vector.broadcast %add3A_232 : i32 to vector<16xi32>
          %add3A_234 = arith.addi %add3A_176, %add3A_233 : vector<16xi32>
          %add3A_235 = arith.constant 128 : i32
          %add3A_236 = vector.broadcast %add3A_235 : i32 to vector<16xi32>
          %add3A_237 = arith.addi %add3A_179, %add3A_236 : vector<16xi32>
          %add3A_238 = arith.constant 128 : i32
          %add3A_239 = vector.broadcast %add3A_238 : i32 to vector<16xi32>
          %add3A_240 = arith.addi %add3A_182, %add3A_239 : vector<16xi32>
          %add3A_241 = arith.constant 128 : i32
          %add3A_242 = vector.broadcast %add3A_241 : i32 to vector<16xi32>
          %add3A_243 = arith.addi %add3A_185, %add3A_242 : vector<16xi32>
          scf.yield %add3A_222, %add3A_225, %add3A_228, %add3A_231, %add3A_234, %add3A_237, %add3A_240, %add3A_243 : vector<16xi32>, vector<16xi32>, vector<16xi32>, vector<16xi32>, vector<16xi32>, vector<16xi32>, vector<16xi32>, vector<16xi32>
        }
        %scan3A_103 = arith.constant 132 : i32
        %mul3A_104 = arith.constant 512 : i32
        %mul3A_105 = arith.muli %add3A_67, %mul3A_104 : i32
        %mul3A_106 = arith.constant 32 : i32
        %mul3A_107 = arith.muli %mul3A_105, %mul3A_106 : i32
        %dma_start3A_108 = arith.constant 512 : i32
        %dma_start3A_109 = tpu.memref_slice %arg7[%dma_start3A_108] : memref<17376xf32, #tpu.memory_space<vmem>> -> memref<16384xf32, #tpu.memory_space<vmem>>
        %dma_start3A_110 = tpu.memref_slice %arg4[%mul3A_107] : memref<32000256xf32, #tpu.memory_space<hbm>> -> memref<16384xf32, #tpu.memory_space<hbm>>
        %dma_start3A_111 = tpu.memref_slice %arg4[%mul3A_107] : memref<32000256xf32, #tpu.memory_space<hbm>> -> memref<16384xf32, #tpu.memory_space<hbm>>
        %dma_start3A_112 = arith.constant 512 : i32
        %dma_start3A_113 = tpu.memref_slice %arg7[%dma_start3A_112] : memref<17376xf32, #tpu.memory_space<vmem>> -> memref<16384xf32, #tpu.memory_space<vmem>>
        tpu.enqueue_dma source(%dma_start3A_113 : memref<16384xf32, #tpu.memory_space<vmem>>) target(%dma_start3A_111 : memref<16384xf32, #tpu.memory_space<hbm>>) target_semaphore(%arg13 : memref<!tpu.dma_semaphore, #tpu.memory_space<semaphore_mem>>)
        %dma_wait3A_114 = arith.constant 512 : i32
        %dma_wait3A_115 = tpu.memref_slice %arg7[%dma_wait3A_114] : memref<17376xf32, #tpu.memory_space<vmem>> -> memref<16384xf32, #tpu.memory_space<vmem>>
        %dma_wait3A_116 = arith.constant 0 : i32
        %dma_wait3A_117 = tpu.memref_slice %arg4[%dma_wait3A_116] : memref<32000256xf32, #tpu.memory_space<hbm>> -> memref<16384xf32, #tpu.memory_space<hbm>>
        %dma_wait3A_118 = arith.constant 0 : i32
        %dma_wait3A_119 = tpu.memref_slice %arg4[%dma_wait3A_118] : memref<32000256xf32, #tpu.memory_space<hbm>> -> memref<16384xf32, #tpu.memory_space<hbm>>
        %dma_wait3A_120 = arith.constant 512 : i32
        %dma_wait3A_121 = tpu.memref_slice %arg7[%dma_wait3A_120] : memref<17376xf32, #tpu.memory_space<vmem>> -> memref<16384xf32, #tpu.memory_space<vmem>>
        tpu.wait_dma2 semaphore(%arg13 : memref<!tpu.dma_semaphore, #tpu.memory_space<semaphore_mem>>) src(%dma_wait3A_121 : memref<16384xf32, #tpu.memory_space<vmem>>) dst(%dma_wait3A_119 : memref<16384xf32, #tpu.memory_space<hbm>>)
      } else {
      }
      %add3A_54 = arith.constant 2 : i32
      %add3A_55 = arith.addi %mul3A_44, %add3A_54 : i32
      %lt3A_56 = arith.cmpi slt, %add3A_55, %add3A_29 : i32
      %convert_element_type3A_57 = arith.extui %lt3A_56 : i1 to i32
      %cond3A_58 = arith.constant 0 : i32
      %cond3A_59 = arith.cmpi ne, %convert_element_type3A_57, %cond3A_58 : i32
      scf.if %cond3A_59 {
        %add3A_65 = arith.constant 2 : i32
        %add3A_66 = arith.addi %mul3A_44, %add3A_65 : i32
        %mul3A_67 = arith.constant 32 : i32
        %mul3A_68 = arith.muli %add3A_66, %mul3A_67 : i32
        %add3A_69 = arith.addi %add3A, %mul3A_68 : i32
        %mul3A_70 = arith.constant 512 : i32
        %mul3A_71 = arith.muli %add3A_69, %mul3A_70 : i32
        %dma_start3A_72 = arith.constant 0 : i32
        %dma_start3A_73 = tpu.memref_slice %arg2[%dma_start3A_72, %mul3A_71] : memref<32x1000001xf32, #tpu.memory_space<hbm>> -> memref<32x512xf32, #tpu.memory_space<hbm>>
        %dma_start3A_74 = arith.constant 0 : i32
        %dma_start3A_75 = tpu.memref_slice %arg2[%dma_start3A_74, %mul3A_71] : memref<32x1000001xf32, #tpu.memory_space<hbm>> -> memref<32x512xf32, #tpu.memory_space<hbm>>
        tpu.enqueue_dma source(%dma_start3A_75 : memref<32x512xf32, #tpu.memory_space<hbm>>) target(%arg5 : memref<32x512xf32, #tpu.memory_space<vmem>>) target_semaphore(%arg11 : memref<!tpu.dma_semaphore, #tpu.memory_space<semaphore_mem>>)
      } else {
      }
      %lt3A_60 = arith.cmpi slt, %add3A_46, %add3A_29 : i32
      %convert_element_type3A_61 = arith.extui %lt3A_60 : i1 to i32
      %cond3A_62 = arith.constant 0 : i32
      %cond3A_63 = arith.cmpi ne, %convert_element_type3A_61, %cond3A_62 : i32
      scf.if %cond3A_63 {
        %mul3A_65 = arith.constant 32 : i32
        %mul3A_66 = arith.muli %add3A_46, %mul3A_65 : i32
        %add3A_67 = arith.addi %add3A, %mul3A_66 : i32
        %dma_wait3A = arith.constant 0 : i32
        %dma_wait3A_68 = arith.constant 0 : i32
        %dma_wait3A_69 = tpu.memref_slice %arg2[%dma_wait3A, %dma_wait3A_68] : memref<32x1000001xf32, #tpu.memory_space<hbm>> -> memref<32x512xf32, #tpu.memory_space<hbm>>
        %dma_wait3A_70 = arith.constant 0 : i32
        %dma_wait3A_71 = arith.constant 0 : i32
        %dma_wait3A_72 = tpu.memref_slice %arg2[%dma_wait3A_70, %dma_wait3A_71] : memref<32x1000001xf32, #tpu.memory_space<hbm>> -> memref<32x512xf32, #tpu.memory_space<hbm>>
        tpu.wait_dma2 semaphore(%arg12 : memref<!tpu.dma_semaphore, #tpu.memory_space<semaphore_mem>>) src(%dma_wait3A_72 : memref<32x512xf32, #tpu.memory_space<hbm>>) dst(%arg6 : memref<32x512xf32, #tpu.memory_space<vmem>>)
        %scan3A_73 = arith.constant 0 : i32
        %scan3A_74 = arith.constant 0 : i32
        %scan3A_75 = arith.constant 32 : i32
        %scan3A_76 = arith.addi %scan3A_74, %scan3A_75 : i32
        %scan3A_77 = arith.constant 1 : i32
        %scan3A_78 = scf.for %scan3A_122 = %scan3A_74 to %scan3A_76 step %scan3A_77 iter_args(%scan3A_123 = %scan3A_73) -> (i32)  : i32 {
          %parallel_loop3A = arith.constant 0 : i32
          %parallel_loop3A_124 = arith.constant 32 : i32
          %parallel_loop3A_125 = arith.constant 1 : i32
          scf.for %parallel_loop3A_127 = %parallel_loop3A to %parallel_loop3A_124 step %parallel_loop3A_125  : i32 {
            %parallel_loop3A_128 = arith.constant 16 : i32
            %parallel_loop3A_129 = arith.muli %parallel_loop3A_127, %parallel_loop3A_128 : i32
            %parallel_loop3A_130 = arith.index_cast %scan3A_122 : i32 to index
            %parallel_loop3A_131 = arith.index_cast %parallel_loop3A_129 : i32 to index
            %parallel_loop3A_132 = tpu.vector_load %arg6[%parallel_loop3A_130, %parallel_loop3A_131] {strides = array<i32>} : memref<32x512xf32, #tpu.memory_space<vmem>>, vector<16xf32>,
            %parallel_loop3A_133 = arith.constant 528 : i32
            %parallel_loop3A_134 = arith.muli %scan3A_122, %parallel_loop3A_133 : i32
            %parallel_loop3A_135 = arith.constant 16 : i32
            %parallel_loop3A_136 = arith.addi %parallel_loop3A_134, %parallel_loop3A_135 : i32
            %parallel_loop3A_137 = arith.constant 16 : i32
            %parallel_loop3A_138 = arith.muli %parallel_loop3A_127, %parallel_loop3A_137 : i32
            %parallel_loop3A_139 = arith.addi %parallel_loop3A_136, %parallel_loop3A_138 : i32
            %parallel_loop3A_140 = arith.index_cast %parallel_loop3A_139 : i32 to index
            %parallel_loop3A_141 = tpu.vector_load %arg9[%parallel_loop3A_140] {strides = array<i32>} : memref<16912xf32, #tpu.memory_space<vmem>>, vector<16xf32>,
            tpu.vector_store %arg9[%parallel_loop3A_140], %parallel_loop3A_132 {strides = array<i32>} : memref<16912xf32, #tpu.memory_space<vmem>>, vector<16xf32>,
          } {sc.loop_unroll_factor = 8 : i64, sc.parallel_access}
          %scan3A_126 = arith.constant 0 : i32
          scf.yield %scan3A_126 : i32
        }
        %scan3A_79 = arith.constant 32 : i32
        %add3A_80 = arith.constant 1 : i32
        %add3A_81 = vector.broadcast %add3A_80 : i32 to vector<16xi32>
        %add3A_82 = arith.addi %mul3A_3, %add3A_81 : vector<16xi32>
        %add3A_83 = arith.constant 2 : i32
        %add3A_84 = vector.broadcast %add3A_83 : i32 to vector<16xi32>
        %add3A_85 = arith.addi %mul3A_3, %add3A_84 : vector<16xi32>
        %add3A_86 = arith.constant 3 : i32
        %add3A_87 = vector.broadcast %add3A_86 : i32 to vector<16xi32>
        %add3A_88 = arith.addi %mul3A_3, %add3A_87 : vector<16xi32>
        %add3A_89 = arith.constant 32 : i32
        %add3A_90 = vector.broadcast %add3A_89 : i32 to vector<16xi32>
        %add3A_91 = arith.addi %mul3A_7, %add3A_90 : vector<16xi32>
        %add3A_92 = arith.constant 64 : i32
        %add3A_93 = vector.broadcast %add3A_92 : i32 to vector<16xi32>
        %add3A_94 = arith.addi %mul3A_7, %add3A_93 : vector<16xi32>
        %add3A_95 = arith.constant 96 : i32
        %add3A_96 = vector.broadcast %add3A_95 : i32 to vector<16xi32>
        %add3A_97 = arith.addi %mul3A_7, %add3A_96 : vector<16xi32>
        %scan3A_98 = arith.constant 0 : i32
        %scan3A_99 = arith.constant 132 : i32
        %scan3A_100 = arith.addi %scan3A_98, %scan3A_99 : i32
        %scan3A_101 = arith.constant 2 : i32
        %scan3A_102:8 = scf.for %scan3A_122 = %scan3A_98 to %scan3A_100 step %scan3A_101 iter_args(%scan3A_123 = %mul3A_3, %scan3A_124 = %add3A_82, %scan3A_125 = %add3A_85, %scan3A_126 = %add3A_88, %scan3A_127 = %mul3A_7, %scan3A_128 = %add3A_91, %scan3A_129 = %add3A_94, %scan3A_130 = %add3A_97) -> (vector<16xi32>, vector<16xi32>, vector<16xi32>, vector<16xi32>, vector<16xi32>, vector<16xi32>, vector<16xi32>, vector<16xi32>)  : i32 {
          %gather3A = tpu.vector_load_idx %arg9[%scan3A_123] : memref<16912xf32, #tpu.memory_space<vmem>>[vector<16xi32>], vector<16xf32>,
          %add3A_131 = arith.constant 8448 : i32
          %add3A_132 = vector.broadcast %add3A_131 : i32 to vector<16xi32>
          %add3A_133 = arith.addi %scan3A_123, %add3A_132 : vector<16xi32>
          %gather3A_134 = tpu.vector_load_idx %arg9[%add3A_133] : memref<16912xf32, #tpu.memory_space<vmem>>[vector<16xi32>], vector<16xf32>,
          tpu.vector_store_idx %arg8[%scan3A_127], %gather3A : memref<17376xf32, #tpu.memory_space<vmem>>[vector<16xi32>], vector<16xf32>,
          %add3A_135 = arith.constant 16 : i32
          %add3A_136 = vector.broadcast %add3A_135 : i32 to vector<16xi32>
          %add3A_137 = arith.addi %scan3A_127, %add3A_136 : vector<16xi32>
          tpu.vector_store_idx %arg8[%add3A_137], %gather3A_134 : memref<17376xf32, #tpu.memory_space<vmem>>[vector<16xi32>], vector<16xf32>,
          %gather3A_138 = tpu.vector_load_idx %arg9[%scan3A_124] : memref<16912xf32, #tpu.memory_space<vmem>>[vector<16xi32>], vector<16xf32>,
          %add3A_139 = arith.constant 8448 : i32
          %add3A_140 = vector.broadcast %add3A_139 : i32 to vector<16xi32>
          %add3A_141 = arith.addi %scan3A_124, %add3A_140 : vector<16xi32>
          %gather3A_142 = tpu.vector_load_idx %arg9[%add3A_141] : memref<16912xf32, #tpu.memory_space<vmem>>[vector<16xi32>], vector<16xf32>,
          tpu.vector_store_idx %arg8[%scan3A_128], %gather3A_138 : memref<17376xf32, #tpu.memory_space<vmem>>[vector<16xi32>], vector<16xf32>,
          %add3A_143 = arith.constant 16 : i32
          %add3A_144 = vector.broadcast %add3A_143 : i32 to vector<16xi32>
          %add3A_145 = arith.addi %scan3A_128, %add3A_144 : vector<16xi32>
          tpu.vector_store_idx %arg8[%add3A_145], %gather3A_142 : memref<17376xf32, #tpu.memory_space<vmem>>[vector<16xi32>], vector<16xf32>,
          %gather3A_146 = tpu.vector_load_idx %arg9[%scan3A_125] : memref<16912xf32, #tpu.memory_space<vmem>>[vector<16xi32>], vector<16xf32>,
          %add3A_147 = arith.constant 8448 : i32
          %add3A_148 = vector.broadcast %add3A_147 : i32 to vector<16xi32>
          %add3A_149 = arith.addi %scan3A_125, %add3A_148 : vector<16xi32>
          %gather3A_150 = tpu.vector_load_idx %arg9[%add3A_149] : memref<16912xf32, #tpu.memory_space<vmem>>[vector<16xi32>], vector<16xf32>,
          tpu.vector_store_idx %arg8[%scan3A_129], %gather3A_146 : memref<17376xf32, #tpu.memory_space<vmem>>[vector<16xi32>], vector<16xf32>,
          %add3A_151 = arith.constant 16 : i32
          %add3A_152 = vector.broadcast %add3A_151 : i32 to vector<16xi32>
          %add3A_153 = arith.addi %scan3A_129, %add3A_152 : vector<16xi32>
          tpu.vector_store_idx %arg8[%add3A_153], %gather3A_150 : memref<17376xf32, #tpu.memory_space<vmem>>[vector<16xi32>], vector<16xf32>,
          %gather3A_154 = tpu.vector_load_idx %arg9[%scan3A_126] : memref<16912xf32, #tpu.memory_space<vmem>>[vector<16xi32>], vector<16xf32>,
          %add3A_155 = arith.constant 8448 : i32
          %add3A_156 = vector.broadcast %add3A_155 : i32 to vector<16xi32>
          %add3A_157 = arith.addi %scan3A_126, %add3A_156 : vector<16xi32>
          %gather3A_158 = tpu.vector_load_idx %arg9[%add3A_157] : memref<16912xf32, #tpu.memory_space<vmem>>[vector<16xi32>], vector<16xf32>,
          tpu.vector_store_idx %arg8[%scan3A_130], %gather3A_154 : memref<17376xf32, #tpu.memory_space<vmem>>[vector<16xi32>], vector<16xf32>,
          %add3A_159 = arith.constant 16 : i32
          %add3A_160 = vector.broadcast %add3A_159 : i32 to vector<16xi32>
          %add3A_161 = arith.addi %scan3A_130, %add3A_160 : vector<16xi32>
          tpu.vector_store_idx %arg8[%add3A_161], %gather3A_158 : memref<17376xf32, #tpu.memory_space<vmem>>[vector<16xi32>], vector<16xf32>,
          %add3A_162 = arith.constant 4 : i32
          %add3A_163 = vector.broadcast %add3A_162 : i32 to vector<16xi32>
          %add3A_164 = arith.addi %scan3A_123, %add3A_163 : vector<16xi32>
          %add3A_165 = arith.constant 4 : i32
          %add3A_166 = vector.broadcast %add3A_165 : i32 to vector<16xi32>
          %add3A_167 = arith.addi %scan3A_124, %add3A_166 : vector<16xi32>
          %add3A_168 = arith.constant 4 : i32
          %add3A_169 = vector.broadcast %add3A_168 : i32 to vector<16xi32>
          %add3A_170 = arith.addi %scan3A_125, %add3A_169 : vector<16xi32>
          %add3A_171 = arith.constant 4 : i32
          %add3A_172 = vector.broadcast %add3A_171 : i32 to vector<16xi32>
          %add3A_173 = arith.addi %scan3A_126, %add3A_172 : vector<16xi32>
          %add3A_174 = arith.constant 128 : i32
          %add3A_175 = vector.broadcast %add3A_174 : i32 to vector<16xi32>
          %add3A_176 = arith.addi %scan3A_127, %add3A_175 : vector<16xi32>
          %add3A_177 = arith.constant 128 : i32
          %add3A_178 = vector.broadcast %add3A_177 : i32 to vector<16xi32>
          %add3A_179 = arith.addi %scan3A_128, %add3A_178 : vector<16xi32>
          %add3A_180 = arith.constant 128 : i32
          %add3A_181 = vector.broadcast %add3A_180 : i32 to vector<16xi32>
          %add3A_182 = arith.addi %scan3A_129, %add3A_181 : vector<16xi32>
          %add3A_183 = arith.constant 128 : i32
          %add3A_184 = vector.broadcast %add3A_183 : i32 to vector<16xi32>
          %add3A_185 = arith.addi %scan3A_130, %add3A_184 : vector<16xi32>
          %scan3A_186 = arith.constant 1 : i32
          %scan3A_187 = arith.addi %scan3A_122, %scan3A_186 : i32
          %gather3A_188 = tpu.vector_load_idx %arg9[%add3A_164] : memref<16912xf32, #tpu.memory_space<vmem>>[vector<16xi32>], vector<16xf32>,
          %add3A_189 = arith.constant 8448 : i32
          %add3A_190 = vector.broadcast %add3A_189 : i32 to vector<16xi32>
          %add3A_191 = arith.addi %add3A_164, %add3A_190 : vector<16xi32>
          %gather3A_192 = tpu.vector_load_idx %arg9[%add3A_191] : memref<16912xf32, #tpu.memory_space<vmem>>[vector<16xi32>], vector<16xf32>,
          tpu.vector_store_idx %arg8[%add3A_176], %gather3A_188 : memref<17376xf32, #tpu.memory_space<vmem>>[vector<16xi32>], vector<16xf32>,
          %add3A_193 = arith.constant 16 : i32
          %add3A_194 = vector.broadcast %add3A_193 : i32 to vector<16xi32>
          %add3A_195 = arith.addi %add3A_176, %add3A_194 : vector<16xi32>
          tpu.vector_store_idx %arg8[%add3A_195], %gather3A_192 : memref<17376xf32, #tpu.memory_space<vmem>>[vector<16xi32>], vector<16xf32>,
          %gather3A_196 = tpu.vector_load_idx %arg9[%add3A_167] : memref<16912xf32, #tpu.memory_space<vmem>>[vector<16xi32>], vector<16xf32>,
          %add3A_197 = arith.constant 8448 : i32
          %add3A_198 = vector.broadcast %add3A_197 : i32 to vector<16xi32>
          %add3A_199 = arith.addi %add3A_167, %add3A_198 : vector<16xi32>
          %gather3A_200 = tpu.vector_load_idx %arg9[%add3A_199] : memref<16912xf32, #tpu.memory_space<vmem>>[vector<16xi32>], vector<16xf32>,
          tpu.vector_store_idx %arg8[%add3A_179], %gather3A_196 : memref<17376xf32, #tpu.memory_space<vmem>>[vector<16xi32>], vector<16xf32>,
          %add3A_201 = arith.constant 16 : i32
          %add3A_202 = vector.broadcast %add3A_201 : i32 to vector<16xi32>
          %add3A_203 = arith.addi %add3A_179, %add3A_202 : vector<16xi32>
          tpu.vector_store_idx %arg8[%add3A_203], %gather3A_200 : memref<17376xf32, #tpu.memory_space<vmem>>[vector<16xi32>], vector<16xf32>,
          %gather3A_204 = tpu.vector_load_idx %arg9[%add3A_170] : memref<16912xf32, #tpu.memory_space<vmem>>[vector<16xi32>], vector<16xf32>,
          %add3A_205 = arith.constant 8448 : i32
          %add3A_206 = vector.broadcast %add3A_205 : i32 to vector<16xi32>
          %add3A_207 = arith.addi %add3A_170, %add3A_206 : vector<16xi32>
          %gather3A_208 = tpu.vector_load_idx %arg9[%add3A_207] : memref<16912xf32, #tpu.memory_space<vmem>>[vector<16xi32>], vector<16xf32>,
          tpu.vector_store_idx %arg8[%add3A_182], %gather3A_204 : memref<17376xf32, #tpu.memory_space<vmem>>[vector<16xi32>], vector<16xf32>,
          %add3A_209 = arith.constant 16 : i32
          %add3A_210 = vector.broadcast %add3A_209 : i32 to vector<16xi32>
          %add3A_211 = arith.addi %add3A_182, %add3A_210 : vector<16xi32>
          tpu.vector_store_idx %arg8[%add3A_211], %gather3A_208 : memref<17376xf32, #tpu.memory_space<vmem>>[vector<16xi32>], vector<16xf32>,
          %gather3A_212 = tpu.vector_load_idx %arg9[%add3A_173] : memref<16912xf32, #tpu.memory_space<vmem>>[vector<16xi32>], vector<16xf32>,
          %add3A_213 = arith.constant 8448 : i32
          %add3A_214 = vector.broadcast %add3A_213 : i32 to vector<16xi32>
          %add3A_215 = arith.addi %add3A_173, %add3A_214 : vector<16xi32>
          %gather3A_216 = tpu.vector_load_idx %arg9[%add3A_215] : memref<16912xf32, #tpu.memory_space<vmem>>[vector<16xi32>], vector<16xf32>,
          tpu.vector_store_idx %arg8[%add3A_185], %gather3A_212 : memref<17376xf32, #tpu.memory_space<vmem>>[vector<16xi32>], vector<16xf32>,
          %add3A_217 = arith.constant 16 : i32
          %add3A_218 = vector.broadcast %add3A_217 : i32 to vector<16xi32>
          %add3A_219 = arith.addi %add3A_185, %add3A_218 : vector<16xi32>
          tpu.vector_store_idx %arg8[%add3A_219], %gather3A_216 : memref<17376xf32, #tpu.memory_space<vmem>>[vector<16xi32>], vector<16xf32>,
          %add3A_220 = arith.constant 4 : i32
          %add3A_221 = vector.broadcast %add3A_220 : i32 to vector<16xi32>
          %add3A_222 = arith.addi %add3A_164, %add3A_221 : vector<16xi32>
          %add3A_223 = arith.constant 4 : i32
          %add3A_224 = vector.broadcast %add3A_223 : i32 to vector<16xi32>
          %add3A_225 = arith.addi %add3A_167, %add3A_224 : vector<16xi32>
          %add3A_226 = arith.constant 4 : i32
          %add3A_227 = vector.broadcast %add3A_226 : i32 to vector<16xi32>
          %add3A_228 = arith.addi %add3A_170, %add3A_227 : vector<16xi32>
          %add3A_229 = arith.constant 4 : i32
          %add3A_230 = vector.broadcast %add3A_229 : i32 to vector<16xi32>
          %add3A_231 = arith.addi %add3A_173, %add3A_230 : vector<16xi32>
          %add3A_232 = arith.constant 128 : i32
          %add3A_233 = vector.broadcast %add3A_232 : i32 to vector<16xi32>
          %add3A_234 = arith.addi %add3A_176, %add3A_233 : vector<16xi32>
          %add3A_235 = arith.constant 128 : i32
          %add3A_236 = vector.broadcast %add3A_235 : i32 to vector<16xi32>
          %add3A_237 = arith.addi %add3A_179, %add3A_236 : vector<16xi32>
          %add3A_238 = arith.constant 128 : i32
          %add3A_239 = vector.broadcast %add3A_238 : i32 to vector<16xi32>
          %add3A_240 = arith.addi %add3A_182, %add3A_239 : vector<16xi32>
          %add3A_241 = arith.constant 128 : i32
          %add3A_242 = vector.broadcast %add3A_241 : i32 to vector<16xi32>
          %add3A_243 = arith.addi %add3A_185, %add3A_242 : vector<16xi32>
          scf.yield %add3A_222, %add3A_225, %add3A_228, %add3A_231, %add3A_234, %add3A_237, %add3A_240, %add3A_243 : vector<16xi32>, vector<16xi32>, vector<16xi32>, vector<16xi32>, vector<16xi32>, vector<16xi32>, vector<16xi32>, vector<16xi32>
        }
        %scan3A_103 = arith.constant 132 : i32
        %mul3A_104 = arith.constant 512 : i32
        %mul3A_105 = arith.muli %add3A_67, %mul3A_104 : i32
        %mul3A_106 = arith.constant 32 : i32
        %mul3A_107 = arith.muli %mul3A_105, %mul3A_106 : i32
        %dma_start3A_108 = arith.constant 512 : i32
        %dma_start3A_109 = tpu.memref_slice %arg8[%dma_start3A_108] : memref<17376xf32, #tpu.memory_space<vmem>> -> memref<16384xf32, #tpu.memory_space<vmem>>
        %dma_start3A_110 = tpu.memref_slice %arg4[%mul3A_107] : memref<32000256xf32, #tpu.memory_space<hbm>> -> memref<16384xf32, #tpu.memory_space<hbm>>
        %dma_start3A_111 = tpu.memref_slice %arg4[%mul3A_107] : memref<32000256xf32, #tpu.memory_space<hbm>> -> memref<16384xf32, #tpu.memory_space<hbm>>
        %dma_start3A_112 = arith.constant 512 : i32
        %dma_start3A_113 = tpu.memref_slice %arg8[%dma_start3A_112] : memref<17376xf32, #tpu.memory_space<vmem>> -> memref<16384xf32, #tpu.memory_space<vmem>>
        tpu.enqueue_dma source(%dma_start3A_113 : memref<16384xf32, #tpu.memory_space<vmem>>) target(%dma_start3A_111 : memref<16384xf32, #tpu.memory_space<hbm>>) target_semaphore(%arg14 : memref<!tpu.dma_semaphore, #tpu.memory_space<semaphore_mem>>)
        %dma_wait3A_114 = arith.constant 512 : i32
        %dma_wait3A_115 = tpu.memref_slice %arg8[%dma_wait3A_114] : memref<17376xf32, #tpu.memory_space<vmem>> -> memref<16384xf32, #tpu.memory_space<vmem>>
        %dma_wait3A_116 = arith.constant 0 : i32
        %dma_wait3A_117 = tpu.memref_slice %arg4[%dma_wait3A_116] : memref<32000256xf32, #tpu.memory_space<hbm>> -> memref<16384xf32, #tpu.memory_space<hbm>>
        %dma_wait3A_118 = arith.constant 0 : i32
        %dma_wait3A_119 = tpu.memref_slice %arg4[%dma_wait3A_118] : memref<32000256xf32, #tpu.memory_space<hbm>> -> memref<16384xf32, #tpu.memory_space<hbm>>
        %dma_wait3A_120 = arith.constant 512 : i32
        %dma_wait3A_121 = tpu.memref_slice %arg8[%dma_wait3A_120] : memref<17376xf32, #tpu.memory_space<vmem>> -> memref<16384xf32, #tpu.memory_space<vmem>>
        tpu.wait_dma2 semaphore(%arg14 : memref<!tpu.dma_semaphore, #tpu.memory_space<semaphore_mem>>) src(%dma_wait3A_121 : memref<16384xf32, #tpu.memory_space<vmem>>) dst(%dma_wait3A_119 : memref<16384xf32, #tpu.memory_space<hbm>>)
      } else {
      }
      %scan3A_64 = arith.constant 0 : i32
      scf.yield %scan3A_64 : i32
    }
    %scan3A_40 = arith.constant 31 : i32
    return
  }
}

</mosaic_0001>

<sc_bundles>
// kernel: _hmodel_sc.4.cloned.1.call-start
scs
__scs_entry_jumppad:
0x0: {  	(pc) =	sbr.rel $0x88, $3  }
0x1: {  	(tag) =	ssettag $0x0;
	lr =	simm.s32 $0x1  }
0x2: {  	[smem:$0x3F9E] =	sst lr;
	_ =	strace $0xD0000000  }
0x3: {  	_ = 	snop  }
0x4: {  	_ = 	snop  }
0x5: {  	_ = 	snop  }
0x6: {  	_ = 	snop  }
0x7: {  	_ = 	snop  }
__scs_overlays_trampoline_lowered:
0x8: {  	[smem:$0x3FAD] =	sst s0  }
0x9: {  	[smem:$0x3FAE] =	sst s1  }
0xa: {  	[smem:$0x3FAF] =	sst s2  }
0xb: {  	[smem:$0x3FB0] =	sst s3  }
0xc: {  	[smem:$0x3FB1] =	sst s4  }
0xd: {  	[smem:$0x3FB2] =	sst s5  }
0xe: {  	[smem:$0x3FB3] =	sst s6  }
0xf: {  	[smem:$0x3FB4] =	sst s7  }
0x10: {  	[smem:$0x3FB5] =	sst s8  }
0x11: {  	[smem:$0x3FB6] =	sst s9;
	s0 =	simm.s32 @!p0 $0x0  }
0x12: {  	s1 =	sld [smem:$0x3F9C];
	s0 =	simm.s32 @p0 $0x1  }
0x13: {  	[smem:$0x3FB7] =	sst s0;
	s0 =	simm.s32 @!p1 $0x0  }
0x14: {  	s2 =	sld [smem:$0x3F9B];
	s0 =	simm.s32 @p1 $0x1  }
0x15: {  	[smem:$0x3FB8] =	sst s0;
	s0 =	simm.s32 @!p2 $0x0  }
0x16: {  	s3 =	sld [smem:$0x3FDB];
	s0 =	simm.s32 @p2 $0x1  }
0x17: {  	s4 =	simm.s32 $0x1BF5;
	[smem:$0x3FBA] =	sst s0  }
0x18: {  	s0 =	sld [smem:$0x3F9D];
	_ =	swait.ge [sflag:s4], $0x0  }
0x19: {  	s7 =	sld [smem:$0x3F9E]  }
0x1a: {  	s8 =	sadd.s32 $0xFFFFE003, lr  }
0x1b: {  	s9 =	sadd.s32 $0xFFFFFEF7, lr;
	s5 =	simm.s32 $0xFFFFFFFF;
	p2 =	slt.u32 s8, $0xFFFFF086  }
0x1c: {  	p1 =	slt.u32 s9, $0xF7A;
	s5 =	simm.s32 @!p2 $0x0  }
0x1d: {  	s5 =	simm.s32 @p1 $0x1;
	p0 =	seq.s32 s7, s2  }
0x1e: {  	s7 =	smul.u32 @!p0 $0xF7A, s2;
	p2 =	seq.s32 @!p0 s5, $0x0  }
0x1f: {  	s9 =	smul.u32 $0xF7A, s1;
	s8 =	simm.s32 @!p0 $0x1BF5;
	p2 =	por !p2, p0  }
0x20: {  	[sflag:s8] =	ssyncset.s32 @!p0 $0xFFFFF086;
	s6 =	sadd.s32 @!p0 s3, s7;
	s7 =	simm.s32 @!p0 $0x108  }
0x21: {  	s3 =	sadd.s32 s3, s9;
	s6 =	sadd.s32 @!p0 $0x88, s6;
	s7 =	simm.s32 @p2 $0x1082  }
0x22: {  	[simem:s7], [sflag:s8] =	dma.local @!p0 [hbm:s6], $0xF7A  }
0x23: {  	s9 =	sor.u32 $0xD0000000, s2;
	s6 =	simm.s32 $0x108;
	_ =	swait.ge @!p0 [sflag:s8], $0x0  }
0x24: {  	s3 =	sadd.s32 $0x88, s3;
	s6 =	simm.s32 @!p1 $0x1082;
	[sflag:s4] =	ssyncset.s32 $0xFFFFF086  }
0x25: {  	[simem:s6], [sflag:s4] =	dma.local [hbm:s3], $0xF7A  }
0x26: {  	[smem:$0x3F9E] =	sst s1;
	(tag) =	ssettag s2;
	_ =	strace s9  }
0x27: {  	s1 =	sld [smem:$0x3FAE]  }
0x28: {  	s2 =	sld [smem:$0x3FAF]  }
0x29: {  	s4 =	sld [smem:$0x3FB1]  }
0x2a: {  	p0 =	seq.s32 s5, $0x0;
	s5 =	sld [smem:$0x3FB2]  }
0x2b: {  	s6 =	sld [smem:$0x3FB3]  }
0x2c: {  	s7 =	sld [smem:$0x3FB4]  }
0x2d: {  	s3 =	simm.s32 $0x108;
	s8 =	sld [smem:$0x3FB5]  }
0x2e: {  	s3 =	simm.s32 @!p0 $0x1082;
	s9 =	sld [smem:$0x3FB6]  }
0x2f: {  	lr =	sadd.s32 s0, s3;
	s0 =	sld [smem:$0x3FAD]  }
0x30: {  	s3 =	sld [smem:$0x3FB0]  }
0x31: {  	[smem:$0x3FB9] =	sst s10  }
0x32: {  	s10 =	sld [smem:$0x3FB7];
	_ =	sdelay $0x3  }
0x33: {  	p0 =	seq.s32 s10, $0x1;
	s10 =	sld [smem:$0x3FB9];
	_ =	sdelay $0x3  }
0x34: {  	[smem:$0x3FB9] =	sst s10  }
0x35: {  	s10 =	sld [smem:$0x3FB8];
	_ =	sdelay $0x3  }
0x36: {  	p1 =	seq.s32 s10, $0x1;
	s10 =	sld [smem:$0x3FB9];
	_ =	sdelay $0x3  }
0x37: {  	[smem:$0x3FB9] =	sst s10  }
0x38: {  	s10 =	sld [smem:$0x3FBA]  }
0x39: {  	_ = 	snop;
	(pc) =	sbr.ind lr, $3  }
0x3a: {  	_ = 	snop  }
0x3b: {  	_ = 	snop  }
0x3c: {  	p2 =	seq.s32 s10, $0x1;
	s10 =	sld [smem:$0x3FB9]  }
0x3d: {  	_ =	shalt  }
0x3e: {  	_ =	shalt  }
0x3f: {  	_ =	shalt  }
0x40: {  	_ =	shalt  }
0x41: {  	_ =	shalt  }
0x42: {  	_ =	shalt  }
0x43: {  	_ =	shalt  }
0x44: {  	_ =	shalt  }
0x45: {  	_ =	shalt  }
0x46: {  	_ =	shalt  }
0x47: {  	_ =	shalt  }
0x48: {  	_ =	shalt  }
0x49: {  	_ =	shalt  }
0x4a: {  	_ =	shalt  }
0x4b: {  	_ =	shalt  }
0x4c: {  	_ =	shalt  }
0x4d: {  	_ =	shalt  }
0x4e: {  	_ =	shalt  }
0x4f: {  	_ =	shalt  }
0x50: {  	_ =	shalt  }
0x51: {  	_ =	shalt  }
0x52: {  	_ =	shalt  }
0x53: {  	_ =	shalt  }
0x54: {  	_ =	shalt  }
0x55: {  	_ =	shalt  }
0x56: {  	_ =	shalt  }
0x57: {  	_ =	shalt  }
0x58: {  	_ =	shalt  }
0x59: {  	_ =	shalt  }
0x5a: {  	_ =	shalt  }
0x5b: {  	_ =	shalt  }
0x5c: {  	_ =	shalt  }
0x5d: {  	_ =	shalt  }
0x5e: {  	_ =	shalt  }
0x5f: {  	_ =	shalt  }
0x60: {  	_ =	shalt  }
0x61: {  	_ =	shalt  }
0x62: {  	_ =	shalt  }
0x63: {  	_ =	shalt  }
0x64: {  	_ =	shalt  }
0x65: {  	_ =	shalt  }
0x66: {  	_ =	shalt  }
0x67: {  	_ =	shalt  }
0x68: {  	_ =	shalt  }
0x69: {  	_ =	shalt  }
0x6a: {  	_ =	shalt  }
0x6b: {  	_ =	shalt  }
0x6c: {  	_ =	shalt  }
0x6d: {  	_ =	shalt  }
0x6e: {  	_ =	shalt  }
0x6f: {  	_ =	shalt  }
0x70: {  	_ =	shalt  }
0x71: {  	_ =	shalt  }
0x72: {  	_ =	shalt  }
0x73: {  	_ =	shalt  }
0x74: {  	_ =	shalt  }
0x75: {  	_ =	shalt  }
0x76: {  	_ =	shalt  }
0x77: {  	_ =	shalt  }
0x78: {  	_ =	shalt  }
0x79: {  	_ =	shalt  }
0x7a: {  	_ =	shalt  }
0x7b: {  	_ =	shalt  }
0x7c: {  	_ =	shalt  }
0x7d: {  	_ =	shalt  }
0x7e: {  	_ =	shalt  }
0x7f: {  	_ =	shalt  }
0x80: {  	_ =	shalt  }
0x81: {  	_ =	shalt  }
0x82: {  	_ =	shalt  }
0x83: {  	_ =	shalt  }
0x84: {  	_ =	shalt  }
0x85: {  	_ =	shalt  }
0x86: {  	_ =	shalt  }
0x87: {  	_ =	shalt  }
.Lfunc_end0:
.L_simem_size_0:
called_computation_lowered:
.L_overlay_start_0:
0x88: {  	s2 =	sld [smem:$0x3FD9]  }
0x89: {  	s3 =	sld [smem:$0x3FFE];
	_ =	sdelay $0x1  }
0x8a: {  	s1 =	srdreg.scid  }
0x8b: {  	s0 =	sand.u32 $0x1, s1  }
0x8c: {  	s17 =	sshll.u32 s0, $0xA;
	s2 =	sadd.s32 s3, s2  }
0x8d: {  	s2 =	sadd.s32 s2, s17  }
0x8e: {  	[smem:$0x3FC5] =	sst s2  }
0x8f: {  	_ = 	snop  }
0x90: {  	s2 =	sld [smem:$0x3FC8]  }
0x91: {  	s18 =	sld [smem:$0x3FD0];
	(tm) =	ssettm $0x1  }
0x92: {  	s4 =	sld [smem:$0x3FFB];
	_ =	sdelay $0x3  }
0x93: {  	_ =	strace s4  }
0x94: {  	s4 =	sld [smem:$0x3FFC];
	_ =	sdelay $0x3  }
0x95: {  	_ =	strace s4  }
0x96: {  	s4 =	sld [smem:$0x3FFD];
	_ =	sdelay $0x3  }
0x97: {  	_ =	strace s4  }
0x98: {  	_ =	strace $0x8FFFFFFF  }
0x99: {  	s19 =	sld [smem:$0x3FDB];
	_ =	sdelay $0x1  }
0x9a: {  	s5 =	simm.s32 $_scs_section_size  }
0x9b: {  	s6 =	simm.s32 $_size__tile_overlayer_lowered;
	s7 =	simm.s32 $_tile_overlayer_lowered  }
0x9c: {  	s22 =	simm.s32 $0x1BFF;
	s21 =	sshll.u32 s7, $0x1;
	s4 =	sadd.s32 s5, s19  }
0x9d: {  	s8 =	simm.s32 $0x0;
	s20 =	sshll.u32 s6, $0x1;
	s6 =	sadd.s32 s21, s4  }
0x9e: {  	[timem:s8], [sflag:s22] =	dma.local [hbm:s6], s20  }
0x9f: {  	_ =	swait.ge [sflag:s22], s20  }
0xa0: {  	s5 =	ssub.s32 $0x0, s20;
	[sflag:s22] =	ssyncset.done $0x0  }
0xa1: {  	[sflag:s22] =	ssyncadd.s32 s5;
	_ =	sdelay $0x1  }
0xa2: {  	s23 =	simm.s32 $0x1B8B  }
0xa3: {  	_ =	swait.ge [sflag:s23], $0x1  }
0xa4: {  	[sflag:s23] =	ssyncset.done $0x0  }
0xa5: {  	s25 =	simm.s32 $0x1B8E;
	s24 =	sld [smem:$0x3FFE];
	[sflag:s23] =	ssyncadd.s32 $0xFFFFFFFF  }
0xa6: {  	s26 =	simm.s32 $execute0_lowered;
	[smem:$0x3FD2] =	sst s25  }
0xa7: {  	s6 =	sshll.u32 s26, $0x1;
	_ =	strace $0x80000046;
	[dreg:$0x1] =	wrdreg $0xFFFFFFFF  }
0xa8: {  	s28 =	simm.s32 $_size_execute0_lowered;
	s4 =	sadd.s32 s4, s6;
	[dreg:$0x0] =	wrdreg $0x0  }
0xa9: {  	s6 =	sshll.u32 s28, $0x1;
	[dreg:$0x2] =	wrdreg s4  }
0xaa: {  	[dreg:$0x3] =	wrdreg s6  }
0xab: {  	[dreg:$0x4] =	wrdreg $0xC0  }
0xac: {  	_ =	task [dreg:s8], $0x5FFFF  }
0xad: {  	[dreg:$0x1] =	wrdreg $0xFFFFFFFF  }
0xae: {  	[dreg:$0x0] =	wrdreg $0x60  }
0xaf: {  	[dreg:$0x2] =	wrdreg s2  }
0xb0: {  	[dreg:$0x3] =	wrdreg s18  }
0xb1: {  	[dreg:$0x4] =	wrdreg s24  }
0xb2: {  	[dreg:$0x5] =	wrdreg $0x9  }
0xb3: {  	_ =	task.clear_ibuf [dreg:s8], $0x6FFFF;
	_ =	strace $0x90000046  }
0xb4: {  	s29 =	simm.s32 $0x9;
	_ =	strace $0x80000048  }
0xb5: {  	_ =	swait.ge [sflag:s29], $0x1  }
0xb6: {  	[sflag:s29] =	ssyncadd.s32 $0xFFFFFFFF  }
0xb7: {  	_ =	strace $0x90000048  }
0xb8: {  	_ =	sfence  }
0xb9: {  	s30 =	sld [smem:$0x0];
	_ =	sdelay $0x2  }
0xba: {  	s31 =	sshll.u32 s1, $0xD;
	s1 =	sshrl.u32 s1, $0x2  }
0xbb: {  	s3 =	sand.u32 $0x4000, s31;
	s1 =	sadd.s32 s1, s30  }
0xbc: {  	s0 =	sor.u32 s3, s0;
	s1 =	sshll.u32 s1, $0x11  }
0xbd: {  	s0 =	sor.u32 s1, s0  }
0xbe: {  	s0 =	sadd.s32 $0x8F2B, s0  }
0xbf: {  	[sflag:s0] =	ssyncadd.remote.s32 $0x1  }
0xc0: {  	_ =	sfence.sel $0xFFFF  }
0xc1: {  	[dreg:$0x0] =	wrdreg $0xFFFFFFFF;
	(pc) =	sbr.abs _section_cstart, $3  }
0xc2: {  	[dreg:$0x1] =	wrdreg $0xFFFFFFFF  }
0xc3: {  	_ =	task.clear_ibuf [dreg:s8], $0x2FFFF;
	_ =	strace $0x9FFFFFFF  }
0xc4: {  	(tm) =	ssettm $0x7FFFFFFF  }
0xc5: {  	_ =	shalt  }
tec
execute0_lowered:
.L_overlay_start_1:
0x0: {  	(tag) =	ssettag $0x1  }
0x1: {  	s0 =	rddreg [dreg:$0x0]  }
0x2: {  	s1 =	rddreg [dreg:$0x2]  }
0x3: {  	s4 =	srdreg.scid;
	s2 =	stileid.u32;
	s3 =	simm.s32 $0x0  }
0x4: {  	s10 =	simm.s32 $0x7A1400;
	s11 =	simm.s32 $0x10800;
	s12 =	simm.s32 $0x8000  }
0x5: {  	s13 =	simm.s32 $0x8200;
	s14 =	simm.s32 $0x3;
	s15 =	simm.s32 $0x2  }
0x6: {  	s16 =	simm.s32 $0xC400;
	s17 =	simm.s32 $0xC600;
	s18 =	simm.s32 $0x4  }
0x7: {  	s19 =	simm.s32 $0x0;
	s4 =	sand.u32 $0x1, s4;
	s5 =	sshll.u32 s2, $0x1  }
0x8: {  	[smem:$0x7FF] =	sst s3;
	s9 =	sor.u32 s4, s5;
	s4 =	ssub.s32 $0x2, s4  }
.Ltmp0:
0x9: {  	v1 =	vlaneseq.u32;
	_ =	strace $0x80000047;
	s5 =	sshll.u32 s9, $0xB;
	(pc) =	sbr.rel .LBB2_1-.Ltmp0, $4  }
0xa: {  	v0 =	vmul.u32 $0x211, v1;
	s6 =	sshrl.u32 s4, $0x1;
	s30 =	ssub.s32 $0x7A0, s9;
	s31 =	sshll.u32 s9, $0x9  }
0xb: {  	v1 =	vmul.u32 $0x21, v1;
	p0 =	sne.s32 s9, $0x0;
	s9 =	simm.s32 $0x1000;
	s7 =	sadd.s32 s5, s1  }
0xc: {  	v2 =	vadd.s32 $0x1, v0;
	v3 =	vadd.s32 $0x2, v0;
	v4 =	vadd.s32 $0x3, v0;
	s8 =	ssub.s32 s4, s6;
	s4 =	sadd.s32 $0x3D1200, s1;
	s5 =	sshrl.u32 s30, $0x5  }
0xd: {  	v5 =	vadd.s32 $0x20, v1;
	v6 =	vadd.s32 $0x40, v1;
	v7 =	vadd.s32 $0x60, v1;
	s6 =	sadd.s32 s0, s31;
	s7 =	sadd.s32 $0xA00, s7;
	s8 =	smax.u32 s8, $0x1  }
.LBB2_17:
0xe: {  	s19 =	sadd.s32 $0x1, s19  }
0xf: {  	p1 =	sne.s32 s19, s8  }
.Ltmp1:
0x10: {  	_ = 	snop;
	(pc) =	sbr.rel @!p1 .LBB2_18-.Ltmp1, $1  }
0x11: {  	_ =	sdelay $0x3  }
.LBB2_1:
0x12: {  	s0 =	simm.s32 @!p0 $0x0  }
0x13: {  	s1 =	simm.s32 @!p0 $0x14A80;
	s2 =	rddreg [dreg:$0x1];
	s20 =	simm.s32 @!p0 $0x5  }
0x14: {  	[tilespmem:s1], [sflag:$0x5] =	stream.linear.gather @!p0 [hbm4b:s2+s0], $0x880, $0x38;
	[tilespmem:$0x15300] =	vst v63  }
0x15: {  	_ =	swait.ge @!p0 [sflag:s20], $0x880  }
0x16: {  	[sflag:s20] =	ssyncset.done @!p0 $0x0  }
0x17: {  	[sflag:s20] =	ssyncadd.s32 @!p0 $0xFFFFF780  }
0x18: {  	[hbm4b:s4+s0] =	stream.linear.scatter @!p0 [tilespmem:s1], [sflag:$0x5], $0x820, $0x38;
	[tilespmem:$0x15300] =	vst v63  }
.Ltmp2:
0x19: {  	_ = 	snop;
	(pc) =	sbr.rel .LBB2_2-.Ltmp2, $4  }
0x1a: {  	_ =	swait.ge @!p0 [sflag:s20], $0x820  }
0x1b: {  	[sflag:s20] =	ssyncset.done @!p0 $0x0  }
0x1c: {  	[sflag:s20] =	ssyncadd.s32 @!p0 $0xFFFFF7E0;
	s20 =	simm.s32 $0x0  }
0x1d: {  	[tilespmem:s3], [sflag:$0x1] =	stream.strided.gather [hbm4b:s6+s9], $0x4000, s10, s9, $0x38;
	[tilespmem:$0x15300] =	vst v63  }
.LBB2_16:
0x1e: {  	s20 =	sadd.s32 $0x1, s20  }
0x1f: {  	p1 =	sne.s32 s20, $0x1F  }
.Ltmp3:
0x20: {  	_ = 	snop;
	(pc) =	sbr.rel @!p1 .LBB2_17-.Ltmp3, $1  }
0x21: {  	_ =	sdelay $0x3  }
.LBB2_2:
0x22: {  	s22 =	sshll.u32 s20, $0x1  }
0x23: {  	s21 =	sshllo.u32 s20, $0x1;
	p1 =	sge.u32 s22, s5  }
0x24: {  	s0 =	sshll.u32 @!p1 s21, $0xE;
	s1 =	simm.s32 @!p1 $0x1000  }
0x25: {  	s23 =	simm.s32 @!p1 $0x7A1400;
	s24 =	simm.s32 @!p1 $0x4000;
	s0 =	sadd.s32 @!p1 s0, s6  }
0x26: {  	[tilespmem:s24], [sflag:$0x2] =	stream.strided.gather @!p1 [hbm4b:s0+s1], $0x4000, s23, s1, $0x38;
	[tilespmem:$0x15300] =	vst v63  }
0x27: {  	s23 =	simm.s32 $0x1  }
0x28: {  	s25 =	simm.s32 $0x0;
	_ =	swait.ge [sflag:s23], $0x4000  }
0x29: {  	s26 =	simm.s32 $0x10840;
	s28 =	simm.s32 $0x0;
	[sflag:s23] =	ssyncset.done $0x0  }
0x2a: {  	s29 =	simm.s32 $0x0;
	s24 =	simm.s32 $0x10;
	[sflag:s23] =	ssyncadd.s32 $0xFFFFC000  }
.LBB2_3:
0x2b: {  	s0 =	sshll.u32 s28, $0x2;
	s1 =	sand.u32 $0x7, s25  }
0x2c: {  	s0 =	sand.u32 $0xFFFFC000, s0;
	s1 =	sshll.u32 s1, $0x9  }
0x2d: {  	s0 =	sor.u32 s1, s0  }
0x2e: {  	s0 =	sshrl.u32 s0, $0x2  }
0x2f: {  	s0 =	sor.u32 $0x40, s0  }
0x30: {  	v8 =	vld [tilespmem:s0+$0x30]  }
0x31: {  	v9 =	vld [tilespmem:s0+$0xFFFFFFD0]  }
0x32: {  	v10 =	vld [tilespmem:s0+$0xFFFFFFE0]  }
0x33: {  	v11 =	vld [tilespmem:s0+$0xFFFFFFF0]  }
0x34: {  	v12 =	vld [tilespmem:s0+$0x0]  }
0x35: {  	v13 =	vld [tilespmem:s0+$0x10];
	s2 =	sadd.s32 $0x400, s0;
	[tilespmem:s26+$0x40] =	vst v8  }
0x36: {  	v15 =	vld [tilespmem:s2+$0xFFFFFFD0];
	[tilespmem:s26+$0xFFFFFFE0] =	vst v9  }
0x37: {  	v9 =	vld [tilespmem:s0+$0x20];
	[tilespmem:s26+$0xFFFFFFF0] =	vst v10  }
0x38: {  	v16 =	vld [tilespmem:s2+$0xFFFFFFE0];
	[tilespmem:s26+$0x0] =	vst v11  }
0x39: {  	s30 =	sand.u32 $0x7, s23;
	s1 =	sshll.u32 s24, $0x2;
	v14 =	vld [tilespmem:s0+$0xFFFFFFC0];
	[tilespmem:s26+$0x10] =	vst v12  }
0x3a: {  	s31 =	sadd.s32 $0x80, s26;
	s0 =	sand.u32 $0xFFFFFE00, s1;
	s1 =	sshll.u32 s30, $0x6;
	v10 =	vld [tilespmem:s2+$0x30];
	[tilespmem:s26+$0x20] =	vst v13  }
0x3b: {  	v8 =	vld [tilespmem:s2+$0xFFFFFFF0];
	s0 =	sor.u32 s1, s0;
	[tilespmem:s31+$0xFFFFFFE0] =	vst v15  }
0x3c: {  	s0 =	sshrl.u32 s0, $0x2;
	[tilespmem:s26+$0x30] =	vst v9;
	v9 =	vld [tilespmem:s2+$0x0]  }
0x3d: {  	v11 =	vld [tilespmem:s2+$0x10];
	[tilespmem:s31+$0xFFFFFFF0] =	vst v16;
	s30 =	sadd.s32 $0x10800, s0  }
0x3e: {  	v12 =	vld [tilespmem:s2+$0x20];
	[tilespmem:s30+$0x0] =	vst v14  }
0x3f: {  	s1 =	sadd.s32 $0x400, s2;
	s0 =	simm.s32 $0x8;
	[tilespmem:s31+$0x40] =	vst v10;
	v10 =	vld [tilespmem:s2+$0xFFFFFFC0]  }
.LBB2_4:
0x40: {  	v13 =	vld [tilespmem:s1+$0x30];
	s0 =	sadd.s32 $0x8, s0;
	[tilespmem:s31+$0x0] =	vst v8  }
0x41: {  	v14 =	vld [tilespmem:s1+$0xFFFFFFD0];
	p2 =	slt.u32 s0, $0x18;
	[tilespmem:s31+$0x10] =	vst v9  }
0x42: {  	v15 =	vld [tilespmem:s1+$0xFFFFFFE0];
	[tilespmem:s31+$0x20] =	vst v11  }
.Ltmp4:
0x43: {  	s30 =	sadd.s32 $0x80, s30;
	v8 =	vld [tilespmem:s1+$0xFFFFFFF0];
	[tilespmem:s31+$0x30] =	vst v12;
	(pc) =	sbr.rel @p2 .LBB2_4-.Ltmp4, $4  }
0x44: {  	s31 =	sadd.s32 $0x80, s31;
	v9 =	vld [tilespmem:s1+$0x0];
	[tilespmem:s30+$0x0] =	vst v10  }
0x45: {  	v11 =	vld [tilespmem:s1+$0x10];
	[tilespmem:s31+$0x40] =	vst v13  }
0x46: {  	[tilespmem:s31+$0xFFFFFFE0] =	vst v14;
	v12 =	vld [tilespmem:s1+$0x20]  }
0x47: {  	v10 =	vld [tilespmem:s1+$0xFFFFFFC0];
	[tilespmem:s31+$0xFFFFFFF0] =	vst v15;
	s1 =	sadd.s32 $0x400, s1  }
0x48: {  	s29 =	sadd.s32 $0x1, s29  }
0x49: {  	p2 =	sne.s32 s29, $0x20  }
.Ltmp5:
0x4a: {  	[tilespmem:s31+$0x0] =	vst v8;
	(pc) =	sbr.rel @p2 .LBB2_3-.Ltmp5, $4  }
0x4b: {  	[tilespmem:s31+$0x10] =	vst v9  }
0x4c: {  	[tilespmem:s31+$0x20] =	vst v11  }
0x4d: {  	s0 =	sadd.s32 $0x80, s30;
	s24 =	sadd.s32 $0x210, s24;
	s23 =	sadd.s32 $0x1, s23;
	[tilespmem:s31+$0x30] =	vst v12  }
0x4e: {  	s28 =	sadd.s32 $0x200, s28;
	s25 =	sadd.s32 $0x1, s25;
	s26 =	sadd.s32 $0x210, s26;
	[tilespmem:s0+$0x0] =	vst v10  }
0x4f: {  	v8 =	vadd.s32 $0x2100, v0;
	_ =	sdelay $0x3  }
0x50: {  	v11 =	vld.idx.msk [tilespmem:v0+s11+$0x0], $0xffff  }
0x51: {  	v10 =	vadd.s32 $0x10, v1;
	v12 =	vld.idx.msk [tilespmem:v8+s11+$0x0], $0xffff;
	_ =	sdelay $0x1  }
0x52: {  	v9 =	vadd.s32 $0x2100, v2;
	_ =	sdelay $0x1  }
0x53: {  	[tilespmem:v1+s12+$0x0] =	vst.idx.msk $0xffff, v11  }
0x54: {  	[tilespmem:v10+s12+$0x0] =	vst.idx.msk $0xffff, v12  }
0x55: {  	v13 =	vld.idx.msk [tilespmem:v2+s11+$0x0], $0xffff  }
0x56: {  	v12 =	vadd.s32 $0x10, v5;
	v14 =	vld.idx.msk [tilespmem:v9+s11+$0x0], $0xffff;
	_ =	sdelay $0x1  }
0x57: {  	v11 =	vadd.s32 $0x2100, v3;
	_ =	sdelay $0x1  }
0x58: {  	[tilespmem:v5+s12+$0x0] =	vst.idx.msk $0xffff, v13  }
0x59: {  	[tilespmem:v12+s12+$0x0] =	vst.idx.msk $0xffff, v14  }
0x5a: {  	v15 =	vld.idx.msk [tilespmem:v3+s11+$0x0], $0xffff  }
0x5b: {  	v14 =	vadd.s32 $0x10, v6;
	v16 =	vld.idx.msk [tilespmem:v11+s11+$0x0], $0xffff;
	_ =	sdelay $0x1  }
0x5c: {  	v13 =	vadd.s32 $0x2100, v4;
	_ =	sdelay $0x1  }
0x5d: {  	[tilespmem:v6+s12+$0x0] =	vst.idx.msk $0xffff, v15  }
0x5e: {  	[tilespmem:v14+s12+$0x0] =	vst.idx.msk $0xffff, v16  }
0x5f: {  	v18 =	vld.idx.msk [tilespmem:v4+s11+$0x0], $0xffff  }
0x60: {  	v15 =	vadd.s32 $0x10, v7;
	v19 =	vld.idx.msk [tilespmem:v13+s11+$0x0], $0xffff  }
0x61: {  	v16 =	vadd.s32 $0x4, v0  }
0x62: {  	v17 =	vadd.s32 $0x2104, v0;
	_ =	sdelay $0x1  }
0x63: {  	[tilespmem:v7+s12+$0x0] =	vst.idx.msk $0xffff, v18  }
0x64: {  	[tilespmem:v15+s12+$0x0] =	vst.idx.msk $0xffff, v19  }
0x65: {  	v18 =	vadd.s32 $0x80, v1;
	v22 =	vld.idx.msk [tilespmem:v16+s11+$0x0], $0xffff  }
0x66: {  	v19 =	vadd.s32 $0x90, v1;
	v23 =	vld.idx.msk [tilespmem:v17+s11+$0x0], $0xffff  }
0x67: {  	v20 =	vadd.s32 $0x4, v2  }
0x68: {  	v21 =	vadd.s32 $0x2104, v2;
	_ =	sdelay $0x1  }
0x69: {  	[tilespmem:v18+s12+$0x0] =	vst.idx.msk $0xffff, v22  }
0x6a: {  	[tilespmem:v19+s12+$0x0] =	vst.idx.msk $0xffff, v23  }
0x6b: {  	v22 =	vadd.s32 $0x80, v5;
	v26 =	vld.idx.msk [tilespmem:v20+s11+$0x0], $0xffff  }
0x6c: {  	v23 =	vadd.s32 $0x90, v5;
	v27 =	vld.idx.msk [tilespmem:v21+s11+$0x0], $0xffff  }
0x6d: {  	v24 =	vadd.s32 $0x4, v3  }
0x6e: {  	v25 =	vadd.s32 $0x2104, v3;
	_ =	sdelay $0x1  }
0x6f: {  	[tilespmem:v22+s12+$0x0] =	vst.idx.msk $0xffff, v26  }
0x70: {  	[tilespmem:v23+s12+$0x0] =	vst.idx.msk $0xffff, v27  }
0x71: {  	v27 =	vadd.s32 $0x80, v6;
	v26 =	vld.idx.msk [tilespmem:v24+s11+$0x0], $0xffff  }
0x72: {  	v28 =	vadd.s32 $0x90, v6;
	v31 =	vld.idx.msk [tilespmem:v25+s11+$0x0], $0xffff  }
0x73: {  	v29 =	vadd.s32 $0x4, v4  }
0x74: {  	v30 =	vadd.s32 $0x2104, v4;
	_ =	sdelay $0x1  }
0x75: {  	[tilespmem:v27+s12+$0x0] =	vst.idx.msk $0xffff, v26  }
0x76: {  	[tilespmem:v28+s12+$0x0] =	vst.idx.msk $0xffff, v31  }
0x77: {  	v26 =	vadd.s32 $0x80, v7;
	v32 =	vld.idx.msk [tilespmem:v29+s11+$0x0], $0xffff  }
0x78: {  	v41 =	vadd.s32 $0x90, v7;
	v40 =	vld.idx.msk [tilespmem:v30+s11+$0x0], $0xffff  }
0x79: {  	v34 =	vadd.s32 $0x8, v0  }
0x7a: {  	v39 =	vadd.s32 $0x2100, v34  }
0x7b: {  	v35 =	vadd.s32 $0x100, v1;
	v33 =	vadd.s32 $0x100, v5  }
0x7c: {  	s23 =	simm.s32 $0x2;
	v38 =	vmovc v2;
	v37 =	vmovc v3;
	v36 =	vmov v4;
	v31 =	vadd.s32 $0x100, v7;
	[tilespmem:v26+s12+$0x0] =	vst.idx.msk $0xffff, v32;
	v32 =	vadd.s32 $0x100, v6  }
.LBB2_7:
0x7d: {  	s23 =	sadd.s32 $0x2, s23;
	[tilespmem:v41+s12+$0x0] =	vst.idx.msk $0xffff, v40;
	v38 =	vadd.s32 $0x8, v38;
	v37 =	vadd.s32 $0x8, v37;
	v36 =	vadd.s32 $0x8, v36  }
0x7e: {  	p2 =	slt.u32 s23, $0x82;
	v40 =	vld.idx.msk [tilespmem:v34+s11+$0x0], $0xffff  }
0x7f: {  	v39 =	vld.idx.msk [tilespmem:v39+s11+$0x0], $0xffff  }
0x80: {  	v41 =	vadd.s32 $0x10, v35;
	_ =	sdelay $0x1  }
0x81: {  	v42 =	vadd.s32 $0x2100, v38;
	_ =	sdelay $0x1  }
0x82: {  	[tilespmem:v35+s12+$0x0] =	vst.idx.msk $0xffff, v40  }
0x83: {  	[tilespmem:v41+s12+$0x0] =	vst.idx.msk $0xffff, v39  }
0x84: {  	v39 =	vld.idx.msk [tilespmem:v38+s11+$0x0], $0xffff  }
0x85: {  	v40 =	vld.idx.msk [tilespmem:v42+s11+$0x0], $0xffff  }
0x86: {  	v41 =	vadd.s32 $0x10, v33;
	_ =	sdelay $0x1  }
0x87: {  	v42 =	vadd.s32 $0x2100, v37;
	_ =	sdelay $0x1  }
0x88: {  	[tilespmem:v33+s12+$0x0] =	vst.idx.msk $0xffff, v39  }
0x89: {  	[tilespmem:v41+s12+$0x0] =	vst.idx.msk $0xffff, v40  }
0x8a: {  	v39 =	vld.idx.msk [tilespmem:v37+s11+$0x0], $0xffff  }
0x8b: {  	v40 =	vld.idx.msk [tilespmem:v42+s11+$0x0], $0xffff  }
0x8c: {  	v41 =	vadd.s32 $0x10, v32;
	_ =	sdelay $0x1  }
0x8d: {  	v42 =	vadd.s32 $0x2100, v36;
	_ =	sdelay $0x1  }
0x8e: {  	[tilespmem:v32+s12+$0x0] =	vst.idx.msk $0xffff, v39  }
0x8f: {  	[tilespmem:v41+s12+$0x0] =	vst.idx.msk $0xffff, v40  }
0x90: {  	v39 =	vld.idx.msk [tilespmem:v36+s11+$0x0], $0xffff  }
0x91: {  	v40 =	vld.idx.msk [tilespmem:v42+s11+$0x0], $0xffff  }
0x92: {  	v41 =	vadd.s32 $0x10, v31  }
0x93: {  	v42 =	vadd.s32 $0x4, v34  }
0x94: {  	v43 =	vadd.s32 $0x2104, v34;
	_ =	sdelay $0x1  }
0x95: {  	[tilespmem:v31+s12+$0x0] =	vst.idx.msk $0xffff, v39  }
0x96: {  	[tilespmem:v41+s12+$0x0] =	vst.idx.msk $0xffff, v40  }
0x97: {  	v39 =	vld.idx.msk [tilespmem:v42+s11+$0x0], $0xffff  }
0x98: {  	v40 =	vadd.s32 $0x80, v35;
	v41 =	vld.idx.msk [tilespmem:v43+s11+$0x0], $0xffff  }
0x99: {  	v42 =	vadd.s32 $0x90, v35  }
0x9a: {  	v43 =	vadd.s32 $0x4, v38  }
0x9b: {  	v44 =	vadd.s32 $0x2104, v38;
	_ =	sdelay $0x1  }
0x9c: {  	[tilespmem:v40+s12+$0x0] =	vst.idx.msk $0xffff, v39  }
0x9d: {  	[tilespmem:v42+s12+$0x0] =	vst.idx.msk $0xffff, v41  }
0x9e: {  	v39 =	vld.idx.msk [tilespmem:v43+s11+$0x0], $0xffff  }
0x9f: {  	v40 =	vadd.s32 $0x80, v33;
	v41 =	vld.idx.msk [tilespmem:v44+s11+$0x0], $0xffff  }
0xa0: {  	v42 =	vadd.s32 $0x90, v33  }
0xa1: {  	v43 =	vadd.s32 $0x4, v37  }
0xa2: {  	v44 =	vadd.s32 $0x2104, v37;
	_ =	sdelay $0x1  }
0xa3: {  	[tilespmem:v40+s12+$0x0] =	vst.idx.msk $0xffff, v39  }
0xa4: {  	[tilespmem:v42+s12+$0x0] =	vst.idx.msk $0xffff, v41  }
0xa5: {  	v39 =	vld.idx.msk [tilespmem:v43+s11+$0x0], $0xffff  }
0xa6: {  	v40 =	vadd.s32 $0x80, v32;
	v41 =	vld.idx.msk [tilespmem:v44+s11+$0x0], $0xffff  }
0xa7: {  	v42 =	vadd.s32 $0x90, v32  }
0xa8: {  	v43 =	vadd.s32 $0x4, v36  }
0xa9: {  	v44 =	vadd.s32 $0x2104, v36;
	_ =	sdelay $0x1  }
0xaa: {  	[tilespmem:v40+s12+$0x0] =	vst.idx.msk $0xffff, v39  }
0xab: {  	[tilespmem:v42+s12+$0x0] =	vst.idx.msk $0xffff, v41  }
0xac: {  	v42 =	vld.idx.msk [tilespmem:v43+s11+$0x0], $0xffff  }
0xad: {  	v43 =	vadd.s32 $0x80, v31;
	v40 =	vld.idx.msk [tilespmem:v44+s11+$0x0], $0xffff  }
.Ltmp6:
0xae: {  	v41 =	vadd.s32 $0x90, v31;
	(pc) =	sbr.rel @p2 .LBB2_7-.Ltmp6, $4  }
0xaf: {  	v34 =	vadd.s32 $0x8, v34  }
0xb0: {  	v39 =	vadd.s32 $0x2100, v34  }
0xb1: {  	v31 =	vadd.s32 $0x100, v31  }
0xb2: {  	v35 =	vadd.s32 $0x100, v35;
	v33 =	vadd.s32 $0x100, v33;
	v32 =	vadd.s32 $0x100, v32;
	[tilespmem:v43+s12+$0x0] =	vst.idx.msk $0xffff, v42  }
0xb3: {  	_ =	sdelay $0x3  }
0xb4: {  	[tilespmem:v41+s12+$0x0] =	vst.idx.msk $0xffff, v40  }
0xb5: {  	v40 =	vld.idx.msk [tilespmem:v34+s11+$0x0], $0xffff  }
0xb6: {  	v46 =	vadd.s32 $0x10, v35;
	v39 =	vld.idx.msk [tilespmem:v39+s11+$0x0], $0xffff  }
0xb7: {  	v38 =	vadd.s32 $0x8, v38  }
0xb8: {  	v42 =	vadd.s32 $0x2100, v38;
	_ =	sdelay $0x1  }
0xb9: {  	[tilespmem:v35+s12+$0x0] =	vst.idx.msk $0xffff, v40  }
0xba: {  	[tilespmem:v46+s12+$0x0] =	vst.idx.msk $0xffff, v39  }
0xbb: {  	v39 =	vld.idx.msk [tilespmem:v38+s11+$0x0], $0xffff  }
0xbc: {  	v47 =	vadd.s32 $0x10, v33;
	v40 =	vld.idx.msk [tilespmem:v42+s11+$0x0], $0xffff  }
0xbd: {  	v37 =	vadd.s32 $0x8, v37  }
0xbe: {  	v48 =	vadd.s32 $0x2100, v37;
	_ =	sdelay $0x1  }
0xbf: {  	[tilespmem:v33+s12+$0x0] =	vst.idx.msk $0xffff, v39  }
0xc0: {  	[tilespmem:v47+s12+$0x0] =	vst.idx.msk $0xffff, v40  }
0xc1: {  	v39 =	vld.idx.msk [tilespmem:v37+s11+$0x0], $0xffff  }
0xc2: {  	v49 =	vadd.s32 $0x10, v32;
	v40 =	vld.idx.msk [tilespmem:v48+s11+$0x0], $0xffff  }
0xc3: {  	v36 =	vadd.s32 $0x8, v36  }
0xc4: {  	v50 =	vadd.s32 $0x2100, v36;
	_ =	sdelay $0x1  }
0xc5: {  	[tilespmem:v32+s12+$0x0] =	vst.idx.msk $0xffff, v39  }
0xc6: {  	[tilespmem:v49+s12+$0x0] =	vst.idx.msk $0xffff, v40  }
0xc7: {  	v39 =	vld.idx.msk [tilespmem:v36+s11+$0x0], $0xffff  }
0xc8: {  	v51 =	vadd.s32 $0x10, v31;
	v40 =	vld.idx.msk [tilespmem:v50+s11+$0x0], $0xffff  }
0xc9: {  	v52 =	vadd.s32 $0x4, v34  }
0xca: {  	v53 =	vadd.s32 $0x2104, v34;
	_ =	sdelay $0x1  }
0xcb: {  	[tilespmem:v31+s12+$0x0] =	vst.idx.msk $0xffff, v39  }
0xcc: {  	[tilespmem:v51+s12+$0x0] =	vst.idx.msk $0xffff, v40  }
0xcd: {  	v54 =	vadd.s32 $0x80, v35;
	v39 =	vld.idx.msk [tilespmem:v52+s11+$0x0], $0xffff  }
0xce: {  	v55 =	vadd.s32 $0x90, v35;
	v34 =	vld.idx.msk [tilespmem:v53+s11+$0x0], $0xffff  }
0xcf: {  	v56 =	vadd.s32 $0x4, v38  }
0xd0: {  	v38 =	vadd.s32 $0x2104, v38;
	_ =	sdelay $0x1  }
0xd1: {  	[tilespmem:v54+s12+$0x0] =	vst.idx.msk $0xffff, v39  }
0xd2: {  	[tilespmem:v55+s12+$0x0] =	vst.idx.msk $0xffff, v34  }
0xd3: {  	v57 =	vadd.s32 $0x80, v33;
	v34 =	vld.idx.msk [tilespmem:v56+s11+$0x0], $0xffff  }
0xd4: {  	v58 =	vadd.s32 $0x90, v33;
	v38 =	vld.idx.msk [tilespmem:v38+s11+$0x0], $0xffff  }
0xd5: {  	v59 =	vadd.s32 $0x4, v37  }
0xd6: {  	v37 =	vadd.s32 $0x2104, v37;
	_ =	sdelay $0x1  }
0xd7: {  	[tilespmem:v57+s12+$0x0] =	vst.idx.msk $0xffff, v34  }
0xd8: {  	[tilespmem:v58+s12+$0x0] =	vst.idx.msk $0xffff, v38  }
0xd9: {  	v60 =	vadd.s32 $0x80, v32;
	v33 =	vld.idx.msk [tilespmem:v59+s11+$0x0], $0xffff  }
0xda: {  	v61 =	vadd.s32 $0x90, v32;
	v35 =	vld.idx.msk [tilespmem:v37+s11+$0x0], $0xffff  }
0xdb: {  	v62 =	vadd.s32 $0x4, v36  }
0xdc: {  	v36 =	vadd.s32 $0x2104, v36;
	_ =	sdelay $0x1  }
0xdd: {  	[tilespmem:v60+s12+$0x0] =	vst.idx.msk $0xffff, v33  }
0xde: {  	[tilespmem:v61+s12+$0x0] =	vst.idx.msk $0xffff, v35  }
0xdf: {  	v63 =	vadd.s32 $0x80, v31;
	v32 =	vld.idx.msk [tilespmem:v62+s11+$0x0], $0xffff  }
0xe0: {  	v31 =	vadd.s32 $0x90, v31;
	v34 =	vld.idx.msk [tilespmem:v36+s11+$0x0], $0xffff;
	_ =	sdelay $0x3  }
0xe1: {  	s0 =	sshll.u32 s20, $0x11;
	[tilespmem:v63+s12+$0x0] =	vst.idx.msk $0xffff, v32  }
0xe2: {  	s0 =	sadd.s32 s0, s7;
	[tilespmem:v31+s12+$0x0] =	vst.idx.msk $0xffff, v34  }
0xe3: {  	[hbm4b:s0+s3] =	stream.linear.scatter [tilespmem:s13], [sflag:$0x3], $0x4000, $0x38;
	[tilespmem:$0x15300] =	vst v63  }
.Ltmp7:
0xe4: {  	s0 =	sadd.s32 $0x2, s22;
	_ =	swait.ge [sflag:s14], $0x4000;
	(pc) =	sbr.rel @p1 .LBB2_16-.Ltmp7, $4  }
0xe5: {  	p2 =	sgt.u32 s0, s5;
	[sflag:s14] =	ssyncset.done $0x0  }
0xe6: {  	s0 =	sshll.u32 @!p2 s0, $0xE;
	s1 =	simm.s32 @!p2 $0x1000;
	s2 =	simm.s32 @!p2 $0x7A1400  }
0xe7: {  	s22 =	simm.s32 @!p2 $0x0;
	[sflag:s14] =	ssyncadd.s32 $0xFFFFC000;
	s0 =	sadd.s32 @!p2 s0, s6  }
0xe8: {  	[tilespmem:s22], [sflag:$0x1] =	stream.strided.gather @!p2 [hbm4b:s0+s1], $0x4000, s2, s1, $0x38;
	[tilespmem:$0x15300] =	vst v63  }
0xe9: {  	_ =	swait.ge [sflag:s15], $0x4000;
	s22 =	simm.s32 $0x10;
	s23 =	simm.s32 $0x1  }
0xea: {  	s24 =	simm.s32 $0x0;
	s25 =	simm.s32 $0x10840;
	[sflag:s15] =	ssyncset.done $0x0  }
0xeb: {  	s26 =	simm.s32 $0x0;
	s28 =	simm.s32 $0x0;
	[sflag:s15] =	ssyncadd.s32 $0xFFFFC000  }
.LBB2_10:
0xec: {  	s0 =	sshll.u32 s26, $0x2;
	s1 =	sand.u32 $0x7, s24  }
0xed: {  	s0 =	sand.u32 $0xFFFFC000, s0;
	s1 =	sshll.u32 s1, $0x9  }
0xee: {  	s0 =	sor.u32 s1, s0  }
0xef: {  	s0 =	sshrl.u32 s0, $0x2  }
0xf0: {  	s0 =	sadd.s32 $0x4040, s0  }
0xf1: {  	v31 =	vld [tilespmem:s0+$0x30]  }
0xf2: {  	v32 =	vld [tilespmem:s0+$0xFFFFFFD0]  }
0xf3: {  	v33 =	vld [tilespmem:s0+$0xFFFFFFE0]  }
0xf4: {  	v34 =	vld [tilespmem:s0+$0xFFFFFFF0]  }
0xf5: {  	v35 =	vld [tilespmem:s0+$0x0]  }
0xf6: {  	v36 =	vld [tilespmem:s0+$0x10];
	[tilespmem:s25+$0x40] =	vst v31  }
0xf7: {  	v62 =	vld [tilespmem:s0+$0x20];
	[tilespmem:s25+$0xFFFFFFE0] =	vst v32  }
0xf8: {  	s2 =	sand.u32 $0x7, s23;
	s1 =	sshll.u32 s22, $0x2;
	v37 =	vld [tilespmem:s0+$0xFFFFFFC0];
	s31 =	sadd.s32 $0x400, s0;
	[tilespmem:s25+$0xFFFFFFF0] =	vst v33  }
0xf9: {  	s2 =	sshll.u32 s2, $0x6;
	s1 =	sand.u32 $0xFFFFFE00, s1;
	v63 =	vld [tilespmem:s31+$0x30];
	[tilespmem:s25+$0x0] =	vst v34  }
0xfa: {  	s0 =	sor.u32 s2, s1;
	v38 =	vld [tilespmem:s31+$0xFFFFFFD0];
	[tilespmem:s25+$0x10] =	vst v35  }
0xfb: {  	s0 =	sshrl.u32 s0, $0x2;
	v39 =	vld [tilespmem:s31+$0xFFFFFFE0];
	[tilespmem:s25+$0x20] =	vst v36  }
0xfc: {  	s29 =	sadd.s32 $0x10800, s0;
	v31 =	vld [tilespmem:s31+$0xFFFFFFF0];
	[tilespmem:s25+$0x30] =	vst v62  }
0xfd: {  	s30 =	sadd.s32 $0x80, s25;
	v32 =	vld [tilespmem:s31+$0x0];
	[tilespmem:s29+$0x0] =	vst v37  }
0xfe: {  	v34 =	vld [tilespmem:s31+$0x10];
	[tilespmem:s30+$0x40] =	vst v63  }
0xff: {  	v35 =	vld [tilespmem:s31+$0x20];
	[tilespmem:s30+$0xFFFFFFE0] =	vst v38  }
0x100: {  	s1 =	sadd.s32 $0x400, s31;
	s0 =	simm.s32 $0x8;
	v33 =	vld [tilespmem:s31+$0xFFFFFFC0];
	[tilespmem:s30+$0xFFFFFFF0] =	vst v39  }
.LBB2_11:
0x101: {  	v36 =	vld [tilespmem:s1+$0x30];
	s0 =	sadd.s32 $0x8, s0;
	[tilespmem:s30+$0x0] =	vst v31  }
0x102: {  	v37 =	vld [tilespmem:s1+$0xFFFFFFD0];
	p1 =	slt.u32 s0, $0x18;
	[tilespmem:s30+$0x10] =	vst v32  }
0x103: {  	v38 =	vld [tilespmem:s1+$0xFFFFFFE0];
	[tilespmem:s30+$0x20] =	vst v34  }
.Ltmp8:
0x104: {  	s29 =	sadd.s32 $0x80, s29;
	v31 =	vld [tilespmem:s1+$0xFFFFFFF0];
	[tilespmem:s30+$0x30] =	vst v35;
	(pc) =	sbr.rel @p1 .LBB2_11-.Ltmp8, $4  }
0x105: {  	s30 =	sadd.s32 $0x80, s30;
	v32 =	vld [tilespmem:s1+$0x0];
	[tilespmem:s29+$0x0] =	vst v33  }
0x106: {  	v34 =	vld [tilespmem:s1+$0x10];
	[tilespmem:s30+$0x40] =	vst v36  }
0x107: {  	[tilespmem:s30+$0xFFFFFFE0] =	vst v37;
	v35 =	vld [tilespmem:s1+$0x20]  }
0x108: {  	v33 =	vld [tilespmem:s1+$0xFFFFFFC0];
	[tilespmem:s30+$0xFFFFFFF0] =	vst v38;
	s1 =	sadd.s32 $0x400, s1  }
0x109: {  	s28 =	sadd.s32 $0x1, s28  }
0x10a: {  	p1 =	sne.s32 s28, $0x20  }
.Ltmp9:
0x10b: {  	[tilespmem:s30+$0x0] =	vst v31;
	(pc) =	sbr.rel @p1 .LBB2_10-.Ltmp9, $4  }
0x10c: {  	[tilespmem:s30+$0x10] =	vst v32  }
0x10d: {  	[tilespmem:s30+$0x20] =	vst v34  }
0x10e: {  	s0 =	sadd.s32 $0x80, s29;
	s22 =	sadd.s32 $0x210, s22;
	s23 =	sadd.s32 $0x1, s23;
	[tilespmem:s30+$0x30] =	vst v35  }
0x10f: {  	s26 =	sadd.s32 $0x200, s26;
	s24 =	sadd.s32 $0x1, s24;
	s25 =	sadd.s32 $0x210, s25;
	[tilespmem:s0+$0x0] =	vst v33  }
0x110: {  	_ =	sdelay $0x3  }
0x111: {  	v31 =	vld.idx.msk [tilespmem:v0+s11+$0x0], $0xffff  }
0x112: {  	v8 =	vld.idx.msk [tilespmem:v8+s11+$0x0], $0xffff;
	_ =	sdelay $0x3  }
0x113: {  	[tilespmem:v1+s16+$0x0] =	vst.idx.msk $0xffff, v31  }
0x114: {  	[tilespmem:v10+s16+$0x0] =	vst.idx.msk $0xffff, v8  }
0x115: {  	v8 =	vld.idx.msk [tilespmem:v2+s11+$0x0], $0xffff  }
0x116: {  	v9 =	vld.idx.msk [tilespmem:v9+s11+$0x0], $0xffff;
	_ =	sdelay $0x3  }
0x117: {  	[tilespmem:v5+s16+$0x0] =	vst.idx.msk $0xffff, v8  }
0x118: {  	[tilespmem:v12+s16+$0x0] =	vst.idx.msk $0xffff, v9  }
0x119: {  	v8 =	vld.idx.msk [tilespmem:v3+s11+$0x0], $0xffff  }
0x11a: {  	v9 =	vld.idx.msk [tilespmem:v11+s11+$0x0], $0xffff;
	_ =	sdelay $0x3  }
0x11b: {  	[tilespmem:v6+s16+$0x0] =	vst.idx.msk $0xffff, v8  }
0x11c: {  	[tilespmem:v14+s16+$0x0] =	vst.idx.msk $0xffff, v9  }
0x11d: {  	v8 =	vld.idx.msk [tilespmem:v4+s11+$0x0], $0xffff  }
0x11e: {  	v9 =	vld.idx.msk [tilespmem:v13+s11+$0x0], $0xffff;
	_ =	sdelay $0x3  }
0x11f: {  	[tilespmem:v7+s16+$0x0] =	vst.idx.msk $0xffff, v8  }
0x120: {  	[tilespmem:v15+s16+$0x0] =	vst.idx.msk $0xffff, v9  }
0x121: {  	v8 =	vld.idx.msk [tilespmem:v16+s11+$0x0], $0xffff  }
0x122: {  	v9 =	vld.idx.msk [tilespmem:v17+s11+$0x0], $0xffff;
	_ =	sdelay $0x3  }
0x123: {  	[tilespmem:v18+s16+$0x0] =	vst.idx.msk $0xffff, v8  }
0x124: {  	[tilespmem:v19+s16+$0x0] =	vst.idx.msk $0xffff, v9  }
0x125: {  	v8 =	vld.idx.msk [tilespmem:v20+s11+$0x0], $0xffff  }
0x126: {  	v9 =	vld.idx.msk [tilespmem:v21+s11+$0x0], $0xffff;
	_ =	sdelay $0x3  }
0x127: {  	[tilespmem:v22+s16+$0x0] =	vst.idx.msk $0xffff, v8  }
0x128: {  	[tilespmem:v23+s16+$0x0] =	vst.idx.msk $0xffff, v9  }
0x129: {  	v8 =	vld.idx.msk [tilespmem:v24+s11+$0x0], $0xffff  }
0x12a: {  	v9 =	vld.idx.msk [tilespmem:v25+s11+$0x0], $0xffff;
	_ =	sdelay $0x3  }
0x12b: {  	[tilespmem:v27+s16+$0x0] =	vst.idx.msk $0xffff, v8  }
0x12c: {  	[tilespmem:v28+s16+$0x0] =	vst.idx.msk $0xffff, v9  }
0x12d: {  	v9 =	vld.idx.msk [tilespmem:v29+s11+$0x0], $0xffff  }
0x12e: {  	v18 =	vadd.s32 $0x90, v7;
	v17 =	vld.idx.msk [tilespmem:v30+s11+$0x0], $0xffff  }
0x12f: {  	v11 =	vadd.s32 $0x8, v0  }
0x130: {  	v16 =	vadd.s32 $0x2100, v11  }
0x131: {  	v10 =	vadd.s32 $0x100, v5;
	v12 =	vadd.s32 $0x100, v1  }
0x132: {  	s22 =	simm.s32 $0x2;
	v14 =	vmovc v3;
	v13 =	vmovc v4;
	v15 =	vmov v2;
	v8 =	vadd.s32 $0x100, v7;
	[tilespmem:v26+s16+$0x0] =	vst.idx.msk $0xffff, v9;
	v9 =	vadd.s32 $0x100, v6  }
.LBB2_14:
0x133: {  	s22 =	sadd.s32 $0x2, s22;
	[tilespmem:v18+s16+$0x0] =	vst.idx.msk $0xffff, v17;
	v15 =	vadd.s32 $0x8, v15;
	v14 =	vadd.s32 $0x8, v14;
	v13 =	vadd.s32 $0x8, v13  }
0x134: {  	p1 =	slt.u32 s22, $0x82;
	v17 =	vld.idx.msk [tilespmem:v11+s11+$0x0], $0xffff  }
0x135: {  	v16 =	vld.idx.msk [tilespmem:v16+s11+$0x0], $0xffff  }
0x136: {  	v18 =	vadd.s32 $0x10, v12;
	_ =	sdelay $0x1  }
0x137: {  	v19 =	vadd.s32 $0x2100, v15;
	_ =	sdelay $0x1  }
0x138: {  	[tilespmem:v12+s16+$0x0] =	vst.idx.msk $0xffff, v17  }
0x139: {  	[tilespmem:v18+s16+$0x0] =	vst.idx.msk $0xffff, v16  }
0x13a: {  	v16 =	vld.idx.msk [tilespmem:v15+s11+$0x0], $0xffff  }
0x13b: {  	v17 =	vld.idx.msk [tilespmem:v19+s11+$0x0], $0xffff  }
0x13c: {  	v18 =	vadd.s32 $0x10, v10;
	_ =	sdelay $0x1  }
0x13d: {  	v19 =	vadd.s32 $0x2100, v14;
	_ =	sdelay $0x1  }
0x13e: {  	[tilespmem:v10+s16+$0x0] =	vst.idx.msk $0xffff, v16  }
0x13f: {  	[tilespmem:v18+s16+$0x0] =	vst.idx.msk $0xffff, v17  }
0x140: {  	v16 =	vld.idx.msk [tilespmem:v14+s11+$0x0], $0xffff  }
0x141: {  	v17 =	vld.idx.msk [tilespmem:v19+s11+$0x0], $0xffff  }
0x142: {  	v18 =	vadd.s32 $0x10, v9;
	_ =	sdelay $0x1  }
0x143: {  	v19 =	vadd.s32 $0x2100, v13;
	_ =	sdelay $0x1  }
0x144: {  	[tilespmem:v9+s16+$0x0] =	vst.idx.msk $0xffff, v16  }
0x145: {  	[tilespmem:v18+s16+$0x0] =	vst.idx.msk $0xffff, v17  }
0x146: {  	v16 =	vld.idx.msk [tilespmem:v13+s11+$0x0], $0xffff  }
0x147: {  	v17 =	vld.idx.msk [tilespmem:v19+s11+$0x0], $0xffff  }
0x148: {  	v18 =	vadd.s32 $0x10, v8  }
0x149: {  	v19 =	vadd.s32 $0x4, v11  }
0x14a: {  	v20 =	vadd.s32 $0x2104, v11;
	_ =	sdelay $0x1  }
0x14b: {  	[tilespmem:v8+s16+$0x0] =	vst.idx.msk $0xffff, v16  }
0x14c: {  	[tilespmem:v18+s16+$0x0] =	vst.idx.msk $0xffff, v17  }
0x14d: {  	v16 =	vld.idx.msk [tilespmem:v19+s11+$0x0], $0xffff  }
0x14e: {  	v17 =	vadd.s32 $0x80, v12;
	v18 =	vld.idx.msk [tilespmem:v20+s11+$0x0], $0xffff  }
0x14f: {  	v19 =	vadd.s32 $0x90, v12  }
0x150: {  	v20 =	vadd.s32 $0x4, v15  }
0x151: {  	v21 =	vadd.s32 $0x2104, v15;
	_ =	sdelay $0x1  }
0x152: {  	[tilespmem:v17+s16+$0x0] =	vst.idx.msk $0xffff, v16  }
0x153: {  	[tilespmem:v19+s16+$0x0] =	vst.idx.msk $0xffff, v18  }
0x154: {  	v16 =	vld.idx.msk [tilespmem:v20+s11+$0x0], $0xffff  }
0x155: {  	v17 =	vadd.s32 $0x80, v10;
	v18 =	vld.idx.msk [tilespmem:v21+s11+$0x0], $0xffff  }
0x156: {  	v19 =	vadd.s32 $0x90, v10  }
0x157: {  	v20 =	vadd.s32 $0x4, v14  }
0x158: {  	v21 =	vadd.s32 $0x2104, v14;
	_ =	sdelay $0x1  }
0x159: {  	[tilespmem:v17+s16+$0x0] =	vst.idx.msk $0xffff, v16  }
0x15a: {  	[tilespmem:v19+s16+$0x0] =	vst.idx.msk $0xffff, v18  }
0x15b: {  	v16 =	vld.idx.msk [tilespmem:v20+s11+$0x0], $0xffff  }
0x15c: {  	v17 =	vadd.s32 $0x80, v9;
	v18 =	vld.idx.msk [tilespmem:v21+s11+$0x0], $0xffff  }
0x15d: {  	v19 =	vadd.s32 $0x90, v9  }
0x15e: {  	v20 =	vadd.s32 $0x4, v13  }
0x15f: {  	v21 =	vadd.s32 $0x2104, v13;
	_ =	sdelay $0x1  }
0x160: {  	[tilespmem:v17+s16+$0x0] =	vst.idx.msk $0xffff, v16  }
0x161: {  	[tilespmem:v19+s16+$0x0] =	vst.idx.msk $0xffff, v18  }
0x162: {  	v19 =	vld.idx.msk [tilespmem:v20+s11+$0x0], $0xffff  }
0x163: {  	v20 =	vadd.s32 $0x80, v8;
	v17 =	vld.idx.msk [tilespmem:v21+s11+$0x0], $0xffff  }
.Ltmp10:
0x164: {  	v18 =	vadd.s32 $0x90, v8;
	(pc) =	sbr.rel @p1 .LBB2_14-.Ltmp10, $4  }
0x165: {  	v11 =	vadd.s32 $0x8, v11  }
0x166: {  	v16 =	vadd.s32 $0x2100, v11  }
0x167: {  	v8 =	vadd.s32 $0x100, v8  }
0x168: {  	v12 =	vadd.s32 $0x100, v12;
	v10 =	vadd.s32 $0x100, v10;
	v9 =	vadd.s32 $0x100, v9;
	[tilespmem:v20+s16+$0x0] =	vst.idx.msk $0xffff, v19  }
0x169: {  	_ =	sdelay $0x3  }
0x16a: {  	[tilespmem:v18+s16+$0x0] =	vst.idx.msk $0xffff, v17  }
0x16b: {  	v17 =	vld.idx.msk [tilespmem:v11+s11+$0x0], $0xffff  }
0x16c: {  	v46 =	vadd.s32 $0x10, v12;
	v16 =	vld.idx.msk [tilespmem:v16+s11+$0x0], $0xffff  }
0x16d: {  	v15 =	vadd.s32 $0x8, v15  }
0x16e: {  	v19 =	vadd.s32 $0x2100, v15;
	_ =	sdelay $0x1  }
0x16f: {  	[tilespmem:v12+s16+$0x0] =	vst.idx.msk $0xffff, v17  }
0x170: {  	[tilespmem:v46+s16+$0x0] =	vst.idx.msk $0xffff, v16  }
0x171: {  	v16 =	vld.idx.msk [tilespmem:v15+s11+$0x0], $0xffff  }
0x172: {  	v47 =	vadd.s32 $0x10, v10;
	v17 =	vld.idx.msk [tilespmem:v19+s11+$0x0], $0xffff  }
0x173: {  	v14 =	vadd.s32 $0x8, v14  }
0x174: {  	v48 =	vadd.s32 $0x2100, v14;
	_ =	sdelay $0x1  }
0x175: {  	[tilespmem:v10+s16+$0x0] =	vst.idx.msk $0xffff, v16  }
0x176: {  	[tilespmem:v47+s16+$0x0] =	vst.idx.msk $0xffff, v17  }
0x177: {  	v16 =	vld.idx.msk [tilespmem:v14+s11+$0x0], $0xffff  }
0x178: {  	v49 =	vadd.s32 $0x10, v9;
	v17 =	vld.idx.msk [tilespmem:v48+s11+$0x0], $0xffff  }
0x179: {  	v13 =	vadd.s32 $0x8, v13  }
0x17a: {  	v50 =	vadd.s32 $0x2100, v13;
	_ =	sdelay $0x1  }
0x17b: {  	[tilespmem:v9+s16+$0x0] =	vst.idx.msk $0xffff, v16  }
0x17c: {  	[tilespmem:v49+s16+$0x0] =	vst.idx.msk $0xffff, v17  }
0x17d: {  	v16 =	vld.idx.msk [tilespmem:v13+s11+$0x0], $0xffff  }
0x17e: {  	v51 =	vadd.s32 $0x10, v8;
	v17 =	vld.idx.msk [tilespmem:v50+s11+$0x0], $0xffff  }
0x17f: {  	v52 =	vadd.s32 $0x4, v11  }
0x180: {  	v53 =	vadd.s32 $0x2104, v11;
	_ =	sdelay $0x1  }
0x181: {  	[tilespmem:v8+s16+$0x0] =	vst.idx.msk $0xffff, v16  }
0x182: {  	[tilespmem:v51+s16+$0x0] =	vst.idx.msk $0xffff, v17  }
0x183: {  	v54 =	vadd.s32 $0x80, v12;
	v16 =	vld.idx.msk [tilespmem:v52+s11+$0x0], $0xffff  }
0x184: {  	v55 =	vadd.s32 $0x90, v12;
	v11 =	vld.idx.msk [tilespmem:v53+s11+$0x0], $0xffff  }
0x185: {  	v56 =	vadd.s32 $0x4, v15  }
0x186: {  	v15 =	vadd.s32 $0x2104, v15;
	_ =	sdelay $0x1  }
0x187: {  	[tilespmem:v54+s16+$0x0] =	vst.idx.msk $0xffff, v16  }
0x188: {  	[tilespmem:v55+s16+$0x0] =	vst.idx.msk $0xffff, v11  }
0x189: {  	v57 =	vadd.s32 $0x80, v10;
	v11 =	vld.idx.msk [tilespmem:v56+s11+$0x0], $0xffff  }
0x18a: {  	v58 =	vadd.s32 $0x90, v10;
	v15 =	vld.idx.msk [tilespmem:v15+s11+$0x0], $0xffff  }
0x18b: {  	v59 =	vadd.s32 $0x4, v14  }
0x18c: {  	v14 =	vadd.s32 $0x2104, v14;
	_ =	sdelay $0x1  }
0x18d: {  	[tilespmem:v57+s16+$0x0] =	vst.idx.msk $0xffff, v11  }
0x18e: {  	[tilespmem:v58+s16+$0x0] =	vst.idx.msk $0xffff, v15  }
0x18f: {  	v60 =	vadd.s32 $0x80, v9;
	v10 =	vld.idx.msk [tilespmem:v59+s11+$0x0], $0xffff  }
0x190: {  	v61 =	vadd.s32 $0x90, v9;
	v12 =	vld.idx.msk [tilespmem:v14+s11+$0x0], $0xffff  }
0x191: {  	v62 =	vadd.s32 $0x4, v13  }
0x192: {  	v13 =	vadd.s32 $0x2104, v13;
	_ =	sdelay $0x1  }
0x193: {  	[tilespmem:v60+s16+$0x0] =	vst.idx.msk $0xffff, v10  }
0x194: {  	[tilespmem:v61+s16+$0x0] =	vst.idx.msk $0xffff, v12  }
0x195: {  	v63 =	vadd.s32 $0x80, v8;
	v9 =	vld.idx.msk [tilespmem:v62+s11+$0x0], $0xffff  }
0x196: {  	v8 =	vadd.s32 $0x90, v8;
	v11 =	vld.idx.msk [tilespmem:v13+s11+$0x0], $0xffff;
	_ =	sdelay $0x3  }
0x197: {  	s0 =	sshll.u32 s21, $0x10;
	[tilespmem:v63+s16+$0x0] =	vst.idx.msk $0xffff, v9  }
.Ltmp11:
0x198: {  	s0 =	sadd.s32 s0, s7;
	[tilespmem:v8+s16+$0x0] =	vst.idx.msk $0xffff, v11;
	(pc) =	sbr.rel .LBB2_16-.Ltmp11, $4  }
0x199: {  	[hbm4b:s0+s3] =	stream.linear.scatter [tilespmem:s17], [sflag:$0x4], $0x4000, $0x38;
	[tilespmem:$0x15300] =	vst v63  }
0x19a: {  	_ =	swait.ge [sflag:s18], $0x4000  }
0x19b: {  	[sflag:s18] =	ssyncset.done $0x0  }
0x19c: {  	[sflag:s18] =	ssyncadd.s32 $0xFFFFC000  }
.LBB2_18:
0x19d: {  	_ =	sfence.sel $0x180000  }
0x19e: {  	[bflag:$0x0] =	sbarrier.arrive $0xFFFF  }
0x19f: {  	_ =	strace $0x90000047  }
0x1a0: {  	s0 =	stileid.u32;
	[bflag:$0x2] =	sbarrier.arrive $0xFFFF  }
0x1a1: {  	p0 =	sne.s32 s0, $0x0;
	s0 =	rddreg [dreg:$0x3]  }
0x1a2: {  	s0 =	sadd.s32 @!p0 $0x100000, s0  }
0x1a3: {  	[sflag:s0] =	ssyncadd.tile.s32 @!p0 $0x1;
	_ =	shalt  }
.Lfunc_end2:
_tile_overlayer_lowered:
.L_overlay_start_2:
0x1a4: {  	(tag) =	ssettag $0x2  }
0x1a5: {  	s0 =	rddreg [dreg:$0x0];
	s2 =	stileid.u32  }
0x1a6: {  	s1 =	rddreg [dreg:$0x1];
	p0 =	sne.s32 s2, $0x0  }
0x1a7: {  	s3 =	rddreg [dreg:$0x2];
	[bflag:$0x3] =	sbarrier.arrive $0xFFFF;
	s2 =	simm.s32 @!p0 $0x1C05  }
0x1a8: {  	[timem:s3], [sflag:s2] =	dma.local @!p0 [hbm:s0], s1  }
0x1a9: {  	s0 =	simm.s32 @!p0 $0x5  }
0x1aa: {  	_ =	swait.ge @!p0 [sflag:s0], s1  }
0x1ab: {  	s1 =	ssub.s32 @!p0 $0x0, s1;
	[sflag:s0] =	ssyncset.done @!p0 $0x0  }
0x1ac: {  	[sflag:s0] =	ssyncadd.s32 @!p0 s1  }
0x1ad: {  	[bflag:$0x3] =	sbarrier.arrive $0xFFFF  }
0x1ae: {  	_ =	shalt  }

// kernel: _hmodel_sc.7.cloned.1.call-start
scs
__scs_entry_jumppad:
0x0: {  	(pc) =	sbr.rel $0x88, $3  }
0x1: {  	(tag) =	ssettag $0x0;
	lr =	simm.s32 $0x1  }
0x2: {  	[smem:$0x3F9E] =	sst lr;
	_ =	strace $0xD0000000  }
0x3: {  	_ = 	snop  }
0x4: {  	_ = 	snop  }
0x5: {  	_ = 	snop  }
0x6: {  	_ = 	snop  }
0x7: {  	_ = 	snop  }
__scs_overlays_trampoline_lowered:
0x8: {  	[smem:$0x3FAD] =	sst s0  }
0x9: {  	[smem:$0x3FAE] =	sst s1  }
0xa: {  	[smem:$0x3FAF] =	sst s2  }
0xb: {  	[smem:$0x3FB0] =	sst s3  }
0xc: {  	[smem:$0x3FB1] =	sst s4  }
0xd: {  	[smem:$0x3FB2] =	sst s5  }
0xe: {  	[smem:$0x3FB3] =	sst s6  }
0xf: {  	[smem:$0x3FB4] =	sst s7  }
0x10: {  	[smem:$0x3FB5] =	sst s8  }
0x11: {  	[smem:$0x3FB6] =	sst s9;
	s0 =	simm.s32 @!p0 $0x0  }
0x12: {  	s1 =	sld [smem:$0x3F9C];
	s0 =	simm.s32 @p0 $0x1  }
0x13: {  	[smem:$0x3FB7] =	sst s0;
	s0 =	simm.s32 @!p1 $0x0  }
0x14: {  	s2 =	sld [smem:$0x3F9B];
	s0 =	simm.s32 @p1 $0x1  }
0x15: {  	[smem:$0x3FB8] =	sst s0;
	s0 =	simm.s32 @!p2 $0x0  }
0x16: {  	s3 =	sld [smem:$0x3FDB];
	s0 =	simm.s32 @p2 $0x1  }
0x17: {  	s4 =	simm.s32 $0x1BF5;
	[smem:$0x3FBA] =	sst s0  }
0x18: {  	s0 =	sld [smem:$0x3F9D];
	_ =	swait.ge [sflag:s4], $0x0  }
0x19: {  	s7 =	sld [smem:$0x3F9E]  }
0x1a: {  	s8 =	sadd.s32 $0xFFFFE003, lr  }
0x1b: {  	s9 =	sadd.s32 $0xFFFFFEF7, lr;
	s5 =	simm.s32 $0xFFFFFFFF;
	p2 =	slt.u32 s8, $0xFFFFF086  }
0x1c: {  	p1 =	slt.u32 s9, $0xF7A;
	s5 =	simm.s32 @!p2 $0x0  }
0x1d: {  	s5 =	simm.s32 @p1 $0x1;
	p0 =	seq.s32 s7, s2  }
0x1e: {  	s7 =	smul.u32 @!p0 $0xF7A, s2;
	p2 =	seq.s32 @!p0 s5, $0x0  }
0x1f: {  	s9 =	smul.u32 $0xF7A, s1;
	s8 =	simm.s32 @!p0 $0x1BF5;
	p2 =	por !p2, p0  }
0x20: {  	[sflag:s8] =	ssyncset.s32 @!p0 $0xFFFFF086;
	s6 =	sadd.s32 @!p0 s3, s7;
	s7 =	simm.s32 @!p0 $0x108  }
0x21: {  	s3 =	sadd.s32 s3, s9;
	s6 =	sadd.s32 @!p0 $0x88, s6;
	s7 =	simm.s32 @p2 $0x1082  }
0x22: {  	[simem:s7], [sflag:s8] =	dma.local @!p0 [hbm:s6], $0xF7A  }
0x23: {  	s9 =	sor.u32 $0xD0000000, s2;
	s6 =	simm.s32 $0x108;
	_ =	swait.ge @!p0 [sflag:s8], $0x0  }
0x24: {  	s3 =	sadd.s32 $0x88, s3;
	s6 =	simm.s32 @!p1 $0x1082;
	[sflag:s4] =	ssyncset.s32 $0xFFFFF086  }
0x25: {  	[simem:s6], [sflag:s4] =	dma.local [hbm:s3], $0xF7A  }
0x26: {  	[smem:$0x3F9E] =	sst s1;
	(tag) =	ssettag s2;
	_ =	strace s9  }
0x27: {  	s1 =	sld [smem:$0x3FAE]  }
0x28: {  	s2 =	sld [smem:$0x3FAF]  }
0x29: {  	s4 =	sld [smem:$0x3FB1]  }
0x2a: {  	p0 =	seq.s32 s5, $0x0;
	s5 =	sld [smem:$0x3FB2]  }
0x2b: {  	s6 =	sld [smem:$0x3FB3]  }
0x2c: {  	s7 =	sld [smem:$0x3FB4]  }
0x2d: {  	s3 =	simm.s32 $0x108;
	s8 =	sld [smem:$0x3FB5]  }
0x2e: {  	s3 =	simm.s32 @!p0 $0x1082;
	s9 =	sld [smem:$0x3FB6]  }
0x2f: {  	lr =	sadd.s32 s0, s3;
	s0 =	sld [smem:$0x3FAD]  }
0x30: {  	s3 =	sld [smem:$0x3FB0]  }
0x31: {  	[smem:$0x3FB9] =	sst s10  }
0x32: {  	s10 =	sld [smem:$0x3FB7];
	_ =	sdelay $0x3  }
0x33: {  	p0 =	seq.s32 s10, $0x1;
	s10 =	sld [smem:$0x3FB9];
	_ =	sdelay $0x3  }
0x34: {  	[smem:$0x3FB9] =	sst s10  }
0x35: {  	s10 =	sld [smem:$0x3FB8];
	_ =	sdelay $0x3  }
0x36: {  	p1 =	seq.s32 s10, $0x1;
	s10 =	sld [smem:$0x3FB9];
	_ =	sdelay $0x3  }
0x37: {  	[smem:$0x3FB9] =	sst s10  }
0x38: {  	s10 =	sld [smem:$0x3FBA]  }
0x39: {  	_ = 	snop;
	(pc) =	sbr.ind lr, $3  }
0x3a: {  	_ = 	snop  }
0x3b: {  	_ = 	snop  }
0x3c: {  	p2 =	seq.s32 s10, $0x1;
	s10 =	sld [smem:$0x3FB9]  }
0x3d: {  	_ =	shalt  }
0x3e: {  	_ =	shalt  }
0x3f: {  	_ =	shalt  }
0x40: {  	_ =	shalt  }
0x41: {  	_ =	shalt  }
0x42: {  	_ =	shalt  }
0x43: {  	_ =	shalt  }
0x44: {  	_ =	shalt  }
0x45: {  	_ =	shalt  }
0x46: {  	_ =	shalt  }
0x47: {  	_ =	shalt  }
0x48: {  	_ =	shalt  }
0x49: {  	_ =	shalt  }
0x4a: {  	_ =	shalt  }
0x4b: {  	_ =	shalt  }
0x4c: {  	_ =	shalt  }
0x4d: {  	_ =	shalt  }
0x4e: {  	_ =	shalt  }
0x4f: {  	_ =	shalt  }
0x50: {  	_ =	shalt  }
0x51: {  	_ =	shalt  }
0x52: {  	_ =	shalt  }
0x53: {  	_ =	shalt  }
0x54: {  	_ =	shalt  }
0x55: {  	_ =	shalt  }
0x56: {  	_ =	shalt  }
0x57: {  	_ =	shalt  }
0x58: {  	_ =	shalt  }
0x59: {  	_ =	shalt  }
0x5a: {  	_ =	shalt  }
0x5b: {  	_ =	shalt  }
0x5c: {  	_ =	shalt  }
0x5d: {  	_ =	shalt  }
0x5e: {  	_ =	shalt  }
0x5f: {  	_ =	shalt  }
0x60: {  	_ =	shalt  }
0x61: {  	_ =	shalt  }
0x62: {  	_ =	shalt  }
0x63: {  	_ =	shalt  }
0x64: {  	_ =	shalt  }
0x65: {  	_ =	shalt  }
0x66: {  	_ =	shalt  }
0x67: {  	_ =	shalt  }
0x68: {  	_ =	shalt  }
0x69: {  	_ =	shalt  }
0x6a: {  	_ =	shalt  }
0x6b: {  	_ =	shalt  }
0x6c: {  	_ =	shalt  }
0x6d: {  	_ =	shalt  }
0x6e: {  	_ =	shalt  }
0x6f: {  	_ =	shalt  }
0x70: {  	_ =	shalt  }
0x71: {  	_ =	shalt  }
0x72: {  	_ =	shalt  }
0x73: {  	_ =	shalt  }
0x74: {  	_ =	shalt  }
0x75: {  	_ =	shalt  }
0x76: {  	_ =	shalt  }
0x77: {  	_ =	shalt  }
0x78: {  	_ =	shalt  }
0x79: {  	_ =	shalt  }
0x7a: {  	_ =	shalt  }
0x7b: {  	_ =	shalt  }
0x7c: {  	_ =	shalt  }
0x7d: {  	_ =	shalt  }
0x7e: {  	_ =	shalt  }
0x7f: {  	_ =	shalt  }
0x80: {  	_ =	shalt  }
0x81: {  	_ =	shalt  }
0x82: {  	_ =	shalt  }
0x83: {  	_ =	shalt  }
0x84: {  	_ =	shalt  }
0x85: {  	_ =	shalt  }
0x86: {  	_ =	shalt  }
0x87: {  	_ =	shalt  }
.Lfunc_end0:
.L_simem_size_0:
called_computation.1_lowered:
.L_overlay_start_0:
0x88: {  	s2 =	sld [smem:$0x3FD9]  }
0x89: {  	s3 =	sld [smem:$0x3FFE];
	_ =	sdelay $0x1  }
0x8a: {  	s1 =	srdreg.scid  }
0x8b: {  	s0 =	sand.u32 $0x1, s1  }
0x8c: {  	s17 =	sshll.u32 s0, $0xA;
	s2 =	sadd.s32 s3, s2  }
0x8d: {  	s2 =	sadd.s32 s2, s17  }
0x8e: {  	[smem:$0x3FC5] =	sst s2  }
0x8f: {  	_ = 	snop  }
0x90: {  	s2 =	sld [smem:$0x3FC7]  }
0x91: {  	s18 =	sld [smem:$0x3FD0];
	(tm) =	ssettm $0x1  }
0x92: {  	s4 =	sld [smem:$0x3FFB];
	_ =	sdelay $0x3  }
0x93: {  	_ =	strace s4  }
0x94: {  	s4 =	sld [smem:$0x3FFC];
	_ =	sdelay $0x3  }
0x95: {  	_ =	strace s4  }
0x96: {  	s4 =	sld [smem:$0x3FFD];
	_ =	sdelay $0x3  }
0x97: {  	_ =	strace s4  }
0x98: {  	_ =	strace $0x8FFFFFFF  }
0x99: {  	s19 =	sld [smem:$0x3FDB];
	_ =	sdelay $0x1  }
0x9a: {  	s5 =	simm.s32 $_scs_section_size  }
0x9b: {  	s6 =	simm.s32 $_size__tile_overlayer_lowered;
	s7 =	simm.s32 $_tile_overlayer_lowered  }
0x9c: {  	s22 =	simm.s32 $0x1BFF;
	s21 =	sshll.u32 s7, $0x1;
	s4 =	sadd.s32 s5, s19  }
0x9d: {  	s8 =	simm.s32 $0x0;
	s20 =	sshll.u32 s6, $0x1;
	s6 =	sadd.s32 s21, s4  }
0x9e: {  	[timem:s8], [sflag:s22] =	dma.local [hbm:s6], s20  }
0x9f: {  	_ =	swait.ge [sflag:s22], s20  }
0xa0: {  	s5 =	ssub.s32 $0x0, s20;
	[sflag:s22] =	ssyncset.done $0x0  }
0xa1: {  	[sflag:s22] =	ssyncadd.s32 s5;
	_ =	sdelay $0x1  }
0xa2: {  	s23 =	simm.s32 $0x1B8B  }
0xa3: {  	_ =	swait.ge [sflag:s23], $0x1  }
0xa4: {  	[sflag:s23] =	ssyncset.done $0x0  }
0xa5: {  	s25 =	simm.s32 $0x1B8E;
	s24 =	sld [smem:$0x3FFE];
	[sflag:s23] =	ssyncadd.s32 $0xFFFFFFFF  }
0xa6: {  	s26 =	simm.s32 $execute0_lowered;
	[smem:$0x3FD2] =	sst s25  }
0xa7: {  	s6 =	sshll.u32 s26, $0x1;
	_ =	strace $0x80000049;
	[dreg:$0x1] =	wrdreg $0xFFFFFFFF  }
0xa8: {  	s28 =	simm.s32 $_size_execute0_lowered;
	s4 =	sadd.s32 s4, s6;
	[dreg:$0x0] =	wrdreg $0x0  }
0xa9: {  	s6 =	sshll.u32 s28, $0x1;
	[dreg:$0x2] =	wrdreg s4  }
0xaa: {  	[dreg:$0x3] =	wrdreg s6  }
0xab: {  	[dreg:$0x4] =	wrdreg $0xC0  }
0xac: {  	_ =	task [dreg:s8], $0x5FFFF  }
0xad: {  	[dreg:$0x1] =	wrdreg $0xFFFFFFFF  }
0xae: {  	[dreg:$0x0] =	wrdreg $0x60  }
0xaf: {  	[dreg:$0x2] =	wrdreg s24  }
0xb0: {  	[dreg:$0x3] =	wrdreg s2  }
0xb1: {  	[dreg:$0x4] =	wrdreg s18  }
0xb2: {  	[dreg:$0x5] =	wrdreg $0x9  }
0xb3: {  	_ =	task.clear_ibuf [dreg:s8], $0x6FFFF;
	_ =	strace $0x90000049  }
0xb4: {  	s29 =	simm.s32 $0x9;
	_ =	strace $0x8000004B  }
0xb5: {  	_ =	swait.ge [sflag:s29], $0x1  }
0xb6: {  	[sflag:s29] =	ssyncadd.s32 $0xFFFFFFFF  }
0xb7: {  	_ =	strace $0x9000004B  }
0xb8: {  	_ =	sfence  }
0xb9: {  	s30 =	sld [smem:$0x0];
	_ =	sdelay $0x2  }
0xba: {  	s31 =	sshll.u32 s1, $0xD;
	s1 =	sshrl.u32 s1, $0x2  }
0xbb: {  	s3 =	sand.u32 $0x4000, s31;
	s1 =	sadd.s32 s1, s30  }
0xbc: {  	s0 =	sor.u32 s3, s0;
	s1 =	sshll.u32 s1, $0x11  }
0xbd: {  	s0 =	sor.u32 s1, s0  }
0xbe: {  	s0 =	sadd.s32 $0x8F2B, s0  }
0xbf: {  	[sflag:s0] =	ssyncadd.remote.s32 $0x1  }
0xc0: {  	_ =	sfence.sel $0xFFFF  }
0xc1: {  	[dreg:$0x0] =	wrdreg $0xFFFFFFFF;
	(pc) =	sbr.abs _section_cstart, $3  }
0xc2: {  	[dreg:$0x1] =	wrdreg $0xFFFFFFFF  }
0xc3: {  	_ =	task.clear_ibuf [dreg:s8], $0x2FFFF;
	_ =	strace $0x9FFFFFFF  }
0xc4: {  	(tm) =	ssettm $0x7FFFFFFF  }
0xc5: {  	_ =	shalt  }
tec
execute0_lowered:
.L_overlay_start_1:
0x0: {  	(tag) =	ssettag $0x1  }
0x1: {  	s0 =	rddreg [dreg:$0x0]  }
0x2: {  	s8 =	rddreg [dreg:$0x2]  }
0x3: {  	s1 =	srdreg.scid;
	s4 =	simm.s32 $0x0;
	s2 =	stileid.u32  }
0x4: {  	s13 =	simm.s32 $0x5;
	s14 =	simm.s32 $0x64;
	s29 =	simm.s32 $0xB60  }
0x5: {  	s30 =	simm.s32 $0x16B00;
	s31 =	simm.s32 $0xBC8;
	s12 =	simm.s32 $0xC98  }
0x6: {  	s15 =	simm.s32 $0x19080;
	s16 =	simm.s32 $0x1;
	s17 =	simm.s32 $0x19D00  }
0x7: {  	s18 =	simm.s32 $0x2;
	s19 =	simm.s32 $0x19F00;
	s20 =	simm.s32 $0x3  }
0x8: {  	s21 =	simm.s32 $0x4;
	s28 =	simm.s32 $0x0;
	s1 =	sand.u32 $0x1, s1  }
0x9: {  	[smem:$0x7FF] =	sst s4;
	s2 =	sshll.u32 s2, $0xA;
	s5 =	sadd.s32 $0x3D1400, s0  }
0xa: {  	s6 =	sadd.s32 $0xA00, s0;
	s3 =	sshll.u32 s1, $0x9;
	s1 =	ssub.s32 $0x2, s1  }
0xb: {  	_ =	strace $0x8000004A;
	s2 =	sor.u32 s3, s2;
	s23 =	sshrl.u32 s1, $0x1  }
0xc: {  	s7 =	smul.u32 $0xD, s2;
	s24 =	ssub.s32 s1, s23;
	s25 =	sshll.u32 s2, $0x2  }
0xd: {  	s9 =	sor.u32 $0x20, s2;
	s11 =	sor.u32 $0x10, s2;
	s2 =	simm.s32 $0xC30  }
0xe: {  	s1 =	simm.s32 $0x18400;
	s8 =	sadd.s32 s8, s25;
	s0 =	smax.u32 s24, $0x1  }
0xf: {  	s26 =	sadd.s32 s5, s7;
	[dreg:$0x5] =	wrdreg s0;
	s0 =	simm.s32 $0x17780  }
0x10: {  	s7 =	simm.s32 $0x0;
	[dreg:$0x4] =	wrdreg s26;
	s26 =	simm.s32 $0x680  }
.LBB2_1:
0x11: {  	[dreg:$0x6] =	wrdreg s7  }
0x12: {  	s3 =	rddreg [dreg:$0x1];
	s23 =	simm.s32 $0x1A100  }
0x13: {  	[tilespmem:s23], [sflag:$0x5] =	stream.linear.gather [hbm4b:s3+s4], $0x20, $0x38;
	[tilespmem:$0x1A120] =	vst v63  }
0x14: {  	_ =	swait.ge [sflag:s13], $0x20  }
0x15: {  	[sflag:s13] =	ssyncset.done $0x0  }
0x16: {  	[sflag:s13] =	ssyncadd.s32 $0xFFFFFFE0  }
0x17: {  	s24 =	rddreg [dreg:$0x4];
	v0 =	vld [tilespmem:$0x1A100]  }
0x18: {  	v1 =	vld [tilespmem:$0x1A110];
	[tilespmem:s4], [sflag:$0x5] =	stream.linear.gather [hbm4b:s24+s4], $0x680, $0x38  }
0x19: {  	_ =	swait.ge [sflag:s13], $0x680  }
0x1a: {  	[sflag:s13] =	ssyncset.done $0x0  }
0x1b: {  	s25 =	simm.s32 $0xD00;
	[sflag:s13] =	ssyncadd.s32 $0xFFFFF980  }
0x1c: {  	[tilespmem:s25], [sflag:$0x1] =	stream.indirect.gather [hbm4b:s6+s14], $0x20, s4, s14, $0xb8;
	[tilespmem:$0x1A120] =	vst v63  }
0x1d: {  	s7 =	simm.s32 $0x68;
	s10 =	simm.s32 $0x1980  }
0x1e: {  	[tilespmem:s10], [sflag:$0x1] =	stream.indirect.gather [hbm4b:s6+s14], $0x20, s7, s14, $0xb8;
	[tilespmem:$0x1A120] =	vst v63  }
0x1f: {  	s22 =	simm.s32 $0xD0;
	s23 =	simm.s32 $0x2600  }
0x20: {  	[tilespmem:s23], [sflag:$0x1] =	stream.indirect.gather [hbm4b:s6+s14], $0x20, s22, s14, $0xb8;
	[tilespmem:$0x1A120] =	vst v63  }
0x21: {  	s24 =	simm.s32 $0x138;
	s25 =	simm.s32 $0x3280  }
0x22: {  	[tilespmem:s25], [sflag:$0x1] =	stream.indirect.gather [hbm4b:s6+s14], $0x20, s24, s14, $0xb8;
	[tilespmem:$0x1A120] =	vst v63  }
0x23: {  	s7 =	simm.s32 $0x1A0;
	s10 =	simm.s32 $0x3F00  }
0x24: {  	[tilespmem:s10], [sflag:$0x1] =	stream.indirect.gather [hbm4b:s6+s14], $0x20, s7, s14, $0xb8;
	[tilespmem:$0x1A120] =	vst v63  }
0x25: {  	s22 =	simm.s32 $0x208;
	s23 =	simm.s32 $0x4B80  }
0x26: {  	[tilespmem:s23], [sflag:$0x1] =	stream.indirect.gather [hbm4b:s6+s14], $0x20, s22, s14, $0xb8;
	[tilespmem:$0x1A120] =	vst v63  }
0x27: {  	s24 =	simm.s32 $0x270;
	s25 =	simm.s32 $0x5800  }
0x28: {  	[tilespmem:s25], [sflag:$0x1] =	stream.indirect.gather [hbm4b:s6+s14], $0x20, s24, s14, $0xb8;
	[tilespmem:$0x1A120] =	vst v63  }
0x29: {  	s7 =	simm.s32 $0x2D8;
	s10 =	simm.s32 $0x6480  }
0x2a: {  	[tilespmem:s10], [sflag:$0x1] =	stream.indirect.gather [hbm4b:s6+s14], $0x20, s7, s14, $0xb8;
	[tilespmem:$0x1A120] =	vst v63  }
0x2b: {  	s22 =	simm.s32 $0x340;
	s23 =	simm.s32 $0x7100  }
0x2c: {  	[tilespmem:s23], [sflag:$0x1] =	stream.indirect.gather [hbm4b:s6+s14], $0x20, s22, s14, $0xb8;
	[tilespmem:$0x1A120] =	vst v63  }
0x2d: {  	s24 =	simm.s32 $0x3A8;
	s25 =	simm.s32 $0x7D80  }
0x2e: {  	[tilespmem:s25], [sflag:$0x1] =	stream.indirect.gather [hbm4b:s6+s14], $0x20, s24, s14, $0xb8;
	[tilespmem:$0x1A120] =	vst v63  }
0x2f: {  	s7 =	simm.s32 $0x410;
	s10 =	simm.s32 $0x8A00  }
0x30: {  	[tilespmem:s10], [sflag:$0x1] =	stream.indirect.gather [hbm4b:s6+s14], $0x20, s7, s14, $0xb8;
	[tilespmem:$0x1A120] =	vst v63  }
0x31: {  	s22 =	simm.s32 $0x478;
	s23 =	simm.s32 $0x9680  }
0x32: {  	[tilespmem:s23], [sflag:$0x1] =	stream.indirect.gather [hbm4b:s6+s14], $0x20, s22, s14, $0xb8;
	[tilespmem:$0x1A120] =	vst v63  }
0x33: {  	s24 =	simm.s32 $0x4E0;
	s25 =	simm.s32 $0xA300  }
0x34: {  	[tilespmem:s25], [sflag:$0x1] =	stream.indirect.gather [hbm4b:s6+s14], $0x20, s24, s14, $0xb8;
	[tilespmem:$0x1A120] =	vst v63  }
0x35: {  	s7 =	simm.s32 $0x548;
	s10 =	simm.s32 $0xAF80  }
0x36: {  	[tilespmem:s10], [sflag:$0x1] =	stream.indirect.gather [hbm4b:s6+s14], $0x20, s7, s14, $0xb8;
	[tilespmem:$0x1A120] =	vst v63  }
0x37: {  	s22 =	simm.s32 $0x5B0;
	s23 =	simm.s32 $0xBC00  }
0x38: {  	[tilespmem:s23], [sflag:$0x1] =	stream.indirect.gather [hbm4b:s6+s14], $0x20, s22, s14, $0xb8;
	[tilespmem:$0x1A120] =	vst v63  }
0x39: {  	s24 =	simm.s32 $0x618;
	s25 =	simm.s32 $0xC880;
	s23 =	simm.s32 $0x0  }
0x3a: {  	[tilespmem:s25], [sflag:$0x1] =	stream.indirect.gather [hbm4b:s6+s14], $0x20, s24, s14, $0xb8;
	[tilespmem:$0x1A120] =	vst v63  }
.LBB2_2:
0x3b: {  	s24 =	sshll.u32 s23, $0x5  }
0x3c: {  	s22 =	sor.u32 s11, s24  }
0x3d: {  	s3 =	smul.u32 $0xD, s22;
	_ =	sdelay $0x1  }
0x3e: {  	s25 =	simm.s32 $0x0;
	s3 =	sadd.s32 s5, s3  }
0x3f: {  	[tilespmem:s26], [sflag:$0x5] =	stream.linear.gather [hbm4b:s3+s25], $0x680, $0x38;
	[tilespmem:$0x1A120] =	vst v63  }
0x40: {  	_ =	swait.ge [sflag:s13], $0x680  }
0x41: {  	[sflag:s13] =	ssyncset.done $0x0  }
0x42: {  	s7 =	simm.s32 $0xD500;
	[sflag:s13] =	ssyncadd.s32 $0xFFFFF980  }
0x43: {  	[tilespmem:s7], [sflag:$0x2] =	stream.indirect.gather [hbm4b:s6+s14], $0x20, s26, s14, $0xb8;
	[tilespmem:$0x1A120] =	vst v63  }
0x44: {  	s10 =	simm.s32 $0x6E8;
	s7 =	simm.s32 $0xE180  }
0x45: {  	[tilespmem:s7], [sflag:$0x2] =	stream.indirect.gather [hbm4b:s6+s14], $0x20, s10, s14, $0xb8;
	[tilespmem:$0x1A120] =	vst v63  }
0x46: {  	s7 =	simm.s32 $0x750;
	s10 =	simm.s32 $0xEE00  }
0x47: {  	[tilespmem:s10], [sflag:$0x2] =	stream.indirect.gather [hbm4b:s6+s14], $0x20, s7, s14, $0xb8;
	[tilespmem:$0x1A120] =	vst v63  }
0x48: {  	s7 =	simm.s32 $0x7B8;
	s10 =	simm.s32 $0xFA80  }
0x49: {  	[tilespmem:s10], [sflag:$0x2] =	stream.indirect.gather [hbm4b:s6+s14], $0x20, s7, s14, $0xb8;
	[tilespmem:$0x1A120] =	vst v63  }
0x4a: {  	s7 =	simm.s32 $0x820;
	s10 =	simm.s32 $0x10700  }
0x4b: {  	[tilespmem:s10], [sflag:$0x2] =	stream.indirect.gather [hbm4b:s6+s14], $0x20, s7, s14, $0xb8;
	[tilespmem:$0x1A120] =	vst v63  }
0x4c: {  	s7 =	simm.s32 $0x888;
	s10 =	simm.s32 $0x11380  }
0x4d: {  	[tilespmem:s10], [sflag:$0x2] =	stream.indirect.gather [hbm4b:s6+s14], $0x20, s7, s14, $0xb8;
	[tilespmem:$0x1A120] =	vst v63  }
0x4e: {  	s7 =	simm.s32 $0x8F0;
	s10 =	simm.s32 $0x12000  }
0x4f: {  	[tilespmem:s10], [sflag:$0x2] =	stream.indirect.gather [hbm4b:s6+s14], $0x20, s7, s14, $0xb8;
	[tilespmem:$0x1A120] =	vst v63  }
0x50: {  	s7 =	simm.s32 $0x958;
	s10 =	simm.s32 $0x12C80  }
0x51: {  	[tilespmem:s10], [sflag:$0x2] =	stream.indirect.gather [hbm4b:s6+s14], $0x20, s7, s14, $0xb8;
	[tilespmem:$0x1A120] =	vst v63  }
0x52: {  	s7 =	simm.s32 $0x9C0;
	s10 =	simm.s32 $0x13900  }
0x53: {  	[tilespmem:s10], [sflag:$0x2] =	stream.indirect.gather [hbm4b:s6+s14], $0x20, s7, s14, $0xb8;
	[tilespmem:$0x1A120] =	vst v63  }
0x54: {  	s7 =	simm.s32 $0xA28;
	s10 =	simm.s32 $0x14580  }
0x55: {  	[tilespmem:s10], [sflag:$0x2] =	stream.indirect.gather [hbm4b:s6+s14], $0x20, s7, s14, $0xb8;
	[tilespmem:$0x1A120] =	vst v63  }
0x56: {  	s7 =	simm.s32 $0xA90;
	s10 =	simm.s32 $0x15200  }
0x57: {  	[tilespmem:s10], [sflag:$0x2] =	stream.indirect.gather [hbm4b:s6+s14], $0x20, s7, s14, $0xb8;
	[tilespmem:$0x1A120] =	vst v63  }
0x58: {  	s7 =	simm.s32 $0xAF8;
	s10 =	simm.s32 $0x15E80  }
0x59: {  	[tilespmem:s10], [sflag:$0x2] =	stream.indirect.gather [hbm4b:s6+s14], $0x20, s7, s14, $0xb8;
	[tilespmem:$0x1A120] =	vst v63  }
0x5a: {  	_ = 	snop  }
0x5b: {  	[tilespmem:s30], [sflag:$0x2] =	stream.indirect.gather [hbm4b:s6+s14], $0x20, s29, s14, $0xb8;
	[tilespmem:$0x1A120] =	vst v63  }
0x5c: {  	_ = 	snop  }
0x5d: {  	[tilespmem:s0], [sflag:$0x2] =	stream.indirect.gather [hbm4b:s6+s14], $0x20, s31, s14, $0xb8;
	[tilespmem:$0x1A120] =	vst v63  }
0x5e: {  	_ = 	snop  }
0x5f: {  	[tilespmem:s1], [sflag:$0x2] =	stream.indirect.gather [hbm4b:s6+s14], $0x20, s2, s14, $0xb8;
	[tilespmem:$0x1A120] =	vst v63  }
0x60: {  	_ = 	snop  }
0x61: {  	[tilespmem:s15], [sflag:$0x2] =	stream.indirect.gather [hbm4b:s6+s14], $0x20, s12, s14, $0xb8;
	[tilespmem:$0x1A120] =	vst v63  }
0x62: {  	_ =	swait.ge [sflag:s16], $0xC800  }
0x63: {  	[sflag:s16] =	ssyncset.done $0x0  }
0x64: {  	s7 =	simm.s32 $0xD40;
	[sflag:s16] =	ssyncadd.s32 $0xFFFF3800  }
.LBB2_3:
0x65: {  	v2 =	vmov s7;
	_ =	sdelay $0x4  }
0x66: {  	v3 =	vld.idx.msk [tilespmem:v2+s28+$0x30 ss:$0x1], $0xffff  }
0x67: {  	v4 =	vld.idx.msk [tilespmem:v2+s28+$0xFFFFFFC0 ss:$0x1], $0xffff  }
0x68: {  	v6 =	vld.idx.msk [tilespmem:v2+s28+$0xFFFFFFD0 ss:$0x1], $0xffff  }
0x69: {  	v7 =	vld.idx.msk [tilespmem:v2+s28+$0xFFFFFFE0 ss:$0x1], $0xffff  }
0x6a: {  	v8 =	vld.idx.msk [tilespmem:v2+s28+$0xFFFFFFF0 ss:$0x1], $0xffff  }
0x6b: {  	v5 =	vimm.f32 $0.0e+00;
	v12 =	vimm.f32 $0.0e+00;
	v9 =	vld.idx.msk [tilespmem:v2+s28+$0x0 ss:$0x1], $0xffff  }
0x6c: {  	v11 =	vimm.f32 $0.0e+00;
	v15 =	vimm.f32 $0.0e+00;
	v13 =	vimm.f32 $0.0e+00;
	v10 =	vld.idx.msk [tilespmem:v2+s28+$0x10 ss:$0x1], $0xffff  }
0x6d: {  	s10 =	simm.s32 $0x80;
	s3 =	simm.s32 $0x400;
	v14 =	vimm.f32 $0.0e+00;
	v16 =	vld.idx.msk [tilespmem:v2+s28+$0x20 ss:$0x1], $0xffff;
	v3 =	vadd.f32 v3, v5;
	v4 =	vadd.f32 v4, v5  }
.LBB2_4:
0x6e: {  	p0 =	sne.s32 s3, $0x3000;
	v17 =	vld.idx.msk [tilespmem:v2+s10+$0x30 ss:$0x1], $0xffff;
	v5 =	vadd.f32 v6, v5  }
0x6f: {  	v12 =	vadd.f32 v7, v12;
	v18 =	vld.idx.msk [tilespmem:v2+s10+$0xFFFFFFC0 ss:$0x1], $0xffff  }
0x70: {  	v11 =	vadd.f32 v8, v11;
	v6 =	vld.idx.msk [tilespmem:v2+s10+$0xFFFFFFD0 ss:$0x1], $0xffff  }
.Ltmp0:
0x71: {  	v15 =	vadd.f32 v9, v15;
	v7 =	vld.idx.msk [tilespmem:v2+s10+$0xFFFFFFE0 ss:$0x1], $0xffff;
	(pc) =	sbr.rel @p0 .LBB2_4-.Ltmp0, $4  }
0x72: {  	v13 =	vadd.f32 v10, v13;
	v8 =	vld.idx.msk [tilespmem:v2+s10+$0xFFFFFFF0 ss:$0x1], $0xffff  }
0x73: {  	v14 =	vadd.f32 v16, v14;
	v9 =	vld.idx.msk [tilespmem:v2+s10+$0x0 ss:$0x1], $0xffff  }
0x74: {  	v3 =	vadd.f32 v17, v3;
	v10 =	vld.idx.msk [tilespmem:v2+s10+$0x10 ss:$0x1], $0xffff  }
0x75: {  	v4 =	vadd.f32 v18, v4;
	v16 =	vld.idx.msk [tilespmem:v2+s10+$0x20 ss:$0x1], $0xffff;
	s10 =	sshra.s32 s3, $0x2;
	s3 =	sadd.s32 $0x200, s3  }
0x76: {  	_ =	sdelay $0x3  }
0x77: {  	v17 =	vld.idx.msk [tilespmem:v2+s10+$0x30 ss:$0x1], $0xffff  }
0x78: {  	v18 =	vld.idx.msk [tilespmem:v2+s10+$0xFFFFFFC0 ss:$0x1], $0xffff  }
0x79: {  	v19 =	vld.idx.msk [tilespmem:v2+s10+$0xFFFFFFD0 ss:$0x1], $0xffff  }
0x7a: {  	v20 =	vld.idx.msk [tilespmem:v2+s10+$0xFFFFFFE0 ss:$0x1], $0xffff  }
0x7b: {  	v21 =	vld.idx.msk [tilespmem:v2+s10+$0xFFFFFFF0 ss:$0x1], $0xffff  }
0x7c: {  	v22 =	vld.idx.msk [tilespmem:v2+s10+$0x0 ss:$0x1], $0xffff  }
0x7d: {  	v5 =	vadd.f32 v6, v5;
	v57 =	vadd.f32 v7, v12;
	v58 =	vld.idx.msk [tilespmem:v2+s10+$0x20 ss:$0x1], $0xffff  }
0x7e: {  	v2 =	vld.idx.msk [tilespmem:v2+s10+$0x10 ss:$0x1], $0xffff;
	v8 =	vadd.f32 v8, v11;
	v9 =	vadd.f32 v9, v15  }
0x7f: {  	v10 =	vadd.f32 v10, v13;
	v59 =	vadd.f32 v16, v14  }
0x80: {  	v3 =	vadd.f32 v17, v3;
	v4 =	vadd.f32 v18, v4  }
0x81: {  	v5 =	vadd.f32 v19, v5;
	v6 =	vadd.f32 v20, v57  }
0x82: {  	v9 =	vadd.f32 v22, v9;
	v7 =	vadd.f32 v58, v59  }
0x83: {  	v8 =	vadd.f32 v21, v8;
	v2 =	vadd.f32 v2, v10  }
0x84: {  	v4 =	vadd.f32 v6, v4;
	v60 =	vadd.f32 v7, v9  }
0x85: {  	v5 =	vadd.f32 v8, v5;
	v2 =	vadd.f32 v3, v2  }
0x86: {  	v3 =	vadd.f32 v60, v4  }
0x87: {  	v2 =	vadd.f32 v2, v5  }
0x88: {  	v3 =	vadd.f32 v3, v0  }
0x89: {  	v2 =	vadd.f32 v2, v1  }
0x8a: {  	v3 =	vadd.f32 v3, v3  }
0x8b: {  	v2 =	vadd.f32 v2, v2  }
0x8c: {  	v3 =	vmul.f32 $1.442695020e+00, v3  }
0x8d: {  	v2 =	vmul.f32 $1.442695020e+00, v2  }
0x8e: {  	(erf) = vpow2.f32 v3  }
0x8f: {  	(erf) = vpow2.f32 v2;
	_ =	sdelay $0x7  }
0x90: {  	v2 =	vpop (erf)  }
0x91: {  	v3 =	vpop (erf);
	v61 =	vadd.f32 $1.000000000e+00, v2  }
0x92: {  	v62 =	vadd.f32 $1.000000000e+00, v3  }
0x93: {  	(erf) = vrcp.f32 v61  }
0x94: {  	(erf) = vrcp.f32 v62;
	_ =	sdelay $0x5  }
0x95: {  	s3 =	sshll.u32 s25, $0x5;
	s25 =	sadd.s32 $0x1, s25  }
0x96: {  	p0 =	sne.s32 s25, $0x10;
	v2 =	vadd.f32 $-1.000000000e+00, v2  }
.Ltmp1:
0x97: {  	v3 =	vadd.f32 $-1.000000000e+00, v3;
	v4 =	vpop (erf);
	(pc) =	sbr.rel @p0 .LBB2_3-.Ltmp1, $4  }
0x98: {  	v2 =	vmul.f32 v4, v2;
	v63 =	vpop (erf)  }
0x99: {  	s3 =	sand.u32 $0x3FFFFFE0, s3;
	v3 =	vmul.f32 v63, v3  }
0x9a: {  	[tilespmem:s3+$0x19D00] =	vst v2  }
0x9b: {  	s7 =	sadd.s32 $0xC80, s7;
	[tilespmem:s3+$0x19D10] =	vst v3  }
0x9c: {  	p0 =	seq.s32 s23, $0xF  }
0x9d: {  	s3 =	sshll.u32 s23, $0x7;
	s7 =	sadd.s32 @!p0 s24, s9  }
0x9e: {  	s3 =	sadd.s32 s3, s8;
	s7 =	smul.u32 @!p0 $0xD, s7  }
0x9f: {  	[hbm4b:s3+s4] =	stream.linear.scatter [tilespmem:s17], [sflag:$0x3], $0x200, $0x38;
	[tilespmem:$0x1A120] =	vst v63  }
0xa0: {  	s3 =	sadd.s32 @!p0 s5, s7;
	s7 =	simm.s32 @!p0 $0x0  }
0xa1: {  	[tilespmem:s7], [sflag:$0x5] =	stream.linear.gather @!p0 [hbm4b:s3+s7], $0x680, $0x38;
	[tilespmem:$0x1A120] =	vst v63  }
0xa2: {  	s3 =	simm.s32 @!p0 $0x5  }
0xa3: {  	_ =	swait.ge @!p0 [sflag:s3], $0x680  }
0xa4: {  	[sflag:s3] =	ssyncset.done @!p0 $0x0  }
0xa5: {  	s10 =	simm.s32 @!p0 $0xD00;
	[sflag:s3] =	ssyncadd.s32 @!p0 $0xFFFFF980;
	s3 =	simm.s32 @!p0 $0x64  }
0xa6: {  	[tilespmem:s10], [sflag:$0x1] =	stream.indirect.gather @!p0 [hbm4b:s6+s3], $0x20, s7, s3, $0xb8;
	[tilespmem:$0x1A120] =	vst v63  }
0xa7: {  	s7 =	simm.s32 @!p0 $0x68;
	s10 =	simm.s32 @!p0 $0x1980  }
0xa8: {  	[tilespmem:s10], [sflag:$0x1] =	stream.indirect.gather @!p0 [hbm4b:s6+s3], $0x20, s7, s3, $0xb8;
	[tilespmem:$0x1A120] =	vst v63  }
0xa9: {  	s7 =	simm.s32 @!p0 $0xD0;
	s10 =	simm.s32 @!p0 $0x2600  }
0xaa: {  	[tilespmem:s10], [sflag:$0x1] =	stream.indirect.gather @!p0 [hbm4b:s6+s3], $0x20, s7, s3, $0xb8;
	[tilespmem:$0x1A120] =	vst v63  }
0xab: {  	s7 =	simm.s32 @!p0 $0x138;
	s10 =	simm.s32 @!p0 $0x3280  }
0xac: {  	[tilespmem:s10], [sflag:$0x1] =	stream.indirect.gather @!p0 [hbm4b:s6+s3], $0x20, s7, s3, $0xb8;
	[tilespmem:$0x1A120] =	vst v63  }
0xad: {  	s7 =	simm.s32 @!p0 $0x1A0;
	s10 =	simm.s32 @!p0 $0x3F00  }
0xae: {  	[tilespmem:s10], [sflag:$0x1] =	stream.indirect.gather @!p0 [hbm4b:s6+s3], $0x20, s7, s3, $0xb8;
	[tilespmem:$0x1A120] =	vst v63  }
0xaf: {  	s7 =	simm.s32 @!p0 $0x208;
	s10 =	simm.s32 @!p0 $0x4B80  }
0xb0: {  	[tilespmem:s10], [sflag:$0x1] =	stream.indirect.gather @!p0 [hbm4b:s6+s3], $0x20, s7, s3, $0xb8;
	[tilespmem:$0x1A120] =	vst v63  }
0xb1: {  	s7 =	simm.s32 @!p0 $0x270;
	s10 =	simm.s32 @!p0 $0x5800  }
0xb2: {  	[tilespmem:s10], [sflag:$0x1] =	stream.indirect.gather @!p0 [hbm4b:s6+s3], $0x20, s7, s3, $0xb8;
	[tilespmem:$0x1A120] =	vst v63  }
0xb3: {  	s7 =	simm.s32 @!p0 $0x2D8;
	s10 =	simm.s32 @!p0 $0x6480  }
0xb4: {  	[tilespmem:s10], [sflag:$0x1] =	stream.indirect.gather @!p0 [hbm4b:s6+s3], $0x20, s7, s3, $0xb8;
	[tilespmem:$0x1A120] =	vst v63  }
0xb5: {  	s7 =	simm.s32 @!p0 $0x340;
	s10 =	simm.s32 @!p0 $0x7100  }
0xb6: {  	[tilespmem:s10], [sflag:$0x1] =	stream.indirect.gather @!p0 [hbm4b:s6+s3], $0x20, s7, s3, $0xb8;
	[tilespmem:$0x1A120] =	vst v63  }
0xb7: {  	s7 =	simm.s32 @!p0 $0x3A8;
	s10 =	simm.s32 @!p0 $0x7D80  }
0xb8: {  	[tilespmem:s10], [sflag:$0x1] =	stream.indirect.gather @!p0 [hbm4b:s6+s3], $0x20, s7, s3, $0xb8;
	[tilespmem:$0x1A120] =	vst v63  }
0xb9: {  	s7 =	simm.s32 @!p0 $0x410;
	s10 =	simm.s32 @!p0 $0x8A00  }
0xba: {  	[tilespmem:s10], [sflag:$0x1] =	stream.indirect.gather @!p0 [hbm4b:s6+s3], $0x20, s7, s3, $0xb8;
	[tilespmem:$0x1A120] =	vst v63  }
0xbb: {  	s7 =	simm.s32 @!p0 $0x478;
	s10 =	simm.s32 @!p0 $0x9680  }
0xbc: {  	[tilespmem:s10], [sflag:$0x1] =	stream.indirect.gather @!p0 [hbm4b:s6+s3], $0x20, s7, s3, $0xb8;
	[tilespmem:$0x1A120] =	vst v63  }
0xbd: {  	s7 =	simm.s32 @!p0 $0x4E0;
	s10 =	simm.s32 @!p0 $0xA300  }
0xbe: {  	[tilespmem:s10], [sflag:$0x1] =	stream.indirect.gather @!p0 [hbm4b:s6+s3], $0x20, s7, s3, $0xb8;
	[tilespmem:$0x1A120] =	vst v63  }
0xbf: {  	s7 =	simm.s32 @!p0 $0x548;
	s10 =	simm.s32 @!p0 $0xAF80  }
0xc0: {  	[tilespmem:s10], [sflag:$0x1] =	stream.indirect.gather @!p0 [hbm4b:s6+s3], $0x20, s7, s3, $0xb8;
	[tilespmem:$0x1A120] =	vst v63  }
0xc1: {  	s7 =	simm.s32 @!p0 $0x5B0;
	s10 =	simm.s32 @!p0 $0xBC00  }
0xc2: {  	[tilespmem:s10], [sflag:$0x1] =	stream.indirect.gather @!p0 [hbm4b:s6+s3], $0x20, s7, s3, $0xb8;
	[tilespmem:$0x1A120] =	vst v63  }
0xc3: {  	s7 =	simm.s32 @!p0 $0x618;
	s10 =	simm.s32 @!p0 $0xC880  }
0xc4: {  	[tilespmem:s10], [sflag:$0x1] =	stream.indirect.gather @!p0 [hbm4b:s6+s3], $0x20, s7, s3, $0xb8;
	[tilespmem:$0x1A120] =	vst v63  }
0xc5: {  	_ =	swait.ge [sflag:s18], $0xC800  }
0xc6: {  	s23 =	sadd.s32 $0x1, s23;
	[sflag:s18] =	ssyncset.done $0x0  }
0xc7: {  	s24 =	simm.s32 $0x0;
	s7 =	simm.s32 $0xD540;
	[sflag:s18] =	ssyncadd.s32 $0xFFFF3800  }
.LBB2_7:
0xc8: {  	v2 =	vmov s7;
	_ =	sdelay $0x3  }
0xc9: {  	s25 =	simm.s32 $0x0  }
0xca: {  	v3 =	vld.idx.msk [tilespmem:v2+s25+$0x30 ss:$0x1], $0xffff  }
0xcb: {  	v4 =	vld.idx.msk [tilespmem:v2+s25+$0xFFFFFFC0 ss:$0x1], $0xffff  }
0xcc: {  	v6 =	vld.idx.msk [tilespmem:v2+s25+$0xFFFFFFD0 ss:$0x1], $0xffff  }
0xcd: {  	v7 =	vld.idx.msk [tilespmem:v2+s25+$0xFFFFFFE0 ss:$0x1], $0xffff  }
0xce: {  	v8 =	vld.idx.msk [tilespmem:v2+s25+$0xFFFFFFF0 ss:$0x1], $0xffff  }
0xcf: {  	v5 =	vimm.f32 $0.0e+00;
	v12 =	vimm.f32 $0.0e+00;
	v9 =	vld.idx.msk [tilespmem:v2+s25+$0x0 ss:$0x1], $0xffff  }
0xd0: {  	v11 =	vimm.f32 $0.0e+00;
	v15 =	vimm.f32 $0.0e+00;
	v13 =	vimm.f32 $0.0e+00;
	v10 =	vld.idx.msk [tilespmem:v2+s25+$0x10 ss:$0x1], $0xffff  }
0xd1: {  	s10 =	simm.s32 $0x80;
	s3 =	simm.s32 $0x400;
	v14 =	vimm.f32 $0.0e+00;
	v16 =	vld.idx.msk [tilespmem:v2+s25+$0x20 ss:$0x1], $0xffff;
	v3 =	vadd.f32 v3, v5;
	v4 =	vadd.f32 v4, v5  }
.LBB2_8:
0xd2: {  	p0 =	sne.s32 s3, $0x3000;
	v17 =	vld.idx.msk [tilespmem:v2+s10+$0x30 ss:$0x1], $0xffff;
	v5 =	vadd.f32 v6, v5  }
0xd3: {  	v12 =	vadd.f32 v7, v12;
	v18 =	vld.idx.msk [tilespmem:v2+s10+$0xFFFFFFC0 ss:$0x1], $0xffff  }
0xd4: {  	v11 =	vadd.f32 v8, v11;
	v6 =	vld.idx.msk [tilespmem:v2+s10+$0xFFFFFFD0 ss:$0x1], $0xffff  }
.Ltmp2:
0xd5: {  	v15 =	vadd.f32 v9, v15;
	v7 =	vld.idx.msk [tilespmem:v2+s10+$0xFFFFFFE0 ss:$0x1], $0xffff;
	(pc) =	sbr.rel @p0 .LBB2_8-.Ltmp2, $4  }
0xd6: {  	v13 =	vadd.f32 v10, v13;
	v8 =	vld.idx.msk [tilespmem:v2+s10+$0xFFFFFFF0 ss:$0x1], $0xffff  }
0xd7: {  	v14 =	vadd.f32 v16, v14;
	v9 =	vld.idx.msk [tilespmem:v2+s10+$0x0 ss:$0x1], $0xffff  }
0xd8: {  	v3 =	vadd.f32 v17, v3;
	v10 =	vld.idx.msk [tilespmem:v2+s10+$0x10 ss:$0x1], $0xffff  }
0xd9: {  	v4 =	vadd.f32 v18, v4;
	v16 =	vld.idx.msk [tilespmem:v2+s10+$0x20 ss:$0x1], $0xffff;
	s10 =	sshra.s32 s3, $0x2;
	s3 =	sadd.s32 $0x200, s3  }
0xda: {  	_ =	sdelay $0x3  }
0xdb: {  	v17 =	vld.idx.msk [tilespmem:v2+s10+$0x30 ss:$0x1], $0xffff  }
0xdc: {  	v18 =	vld.idx.msk [tilespmem:v2+s10+$0xFFFFFFC0 ss:$0x1], $0xffff  }
0xdd: {  	v19 =	vld.idx.msk [tilespmem:v2+s10+$0xFFFFFFD0 ss:$0x1], $0xffff  }
0xde: {  	v20 =	vld.idx.msk [tilespmem:v2+s10+$0xFFFFFFE0 ss:$0x1], $0xffff  }
0xdf: {  	v21 =	vld.idx.msk [tilespmem:v2+s10+$0xFFFFFFF0 ss:$0x1], $0xffff  }
0xe0: {  	v22 =	vld.idx.msk [tilespmem:v2+s10+$0x0 ss:$0x1], $0xffff  }
0xe1: {  	v5 =	vadd.f32 v6, v5;
	v57 =	vadd.f32 v7, v12;
	v58 =	vld.idx.msk [tilespmem:v2+s10+$0x20 ss:$0x1], $0xffff  }
0xe2: {  	v2 =	vld.idx.msk [tilespmem:v2+s10+$0x10 ss:$0x1], $0xffff;
	v8 =	vadd.f32 v8, v11;
	v9 =	vadd.f32 v9, v15  }
0xe3: {  	v10 =	vadd.f32 v10, v13;
	v59 =	vadd.f32 v16, v14  }
0xe4: {  	v3 =	vadd.f32 v17, v3;
	v4 =	vadd.f32 v18, v4  }
0xe5: {  	v5 =	vadd.f32 v19, v5;
	v6 =	vadd.f32 v20, v57  }
0xe6: {  	v9 =	vadd.f32 v22, v9;
	v7 =	vadd.f32 v58, v59  }
0xe7: {  	v8 =	vadd.f32 v21, v8;
	v2 =	vadd.f32 v2, v10  }
0xe8: {  	v4 =	vadd.f32 v6, v4;
	v60 =	vadd.f32 v7, v9  }
0xe9: {  	v5 =	vadd.f32 v8, v5;
	v2 =	vadd.f32 v3, v2  }
0xea: {  	v3 =	vadd.f32 v60, v4  }
0xeb: {  	v2 =	vadd.f32 v2, v5  }
0xec: {  	v3 =	vadd.f32 v3, v0  }
0xed: {  	v2 =	vadd.f32 v2, v1  }
0xee: {  	v3 =	vadd.f32 v3, v3  }
0xef: {  	v2 =	vadd.f32 v2, v2  }
0xf0: {  	v3 =	vmul.f32 $1.442695020e+00, v3  }
0xf1: {  	v2 =	vmul.f32 $1.442695020e+00, v2  }
0xf2: {  	(erf) = vpow2.f32 v3  }
0xf3: {  	(erf) = vpow2.f32 v2;
	_ =	sdelay $0x7  }
0xf4: {  	v2 =	vpop (erf)  }
0xf5: {  	v3 =	vpop (erf);
	v61 =	vadd.f32 $1.000000000e+00, v2  }
0xf6: {  	v62 =	vadd.f32 $1.000000000e+00, v3  }
0xf7: {  	(erf) = vrcp.f32 v61  }
0xf8: {  	(erf) = vrcp.f32 v62;
	_ =	sdelay $0x5  }
0xf9: {  	s3 =	sshll.u32 s24, $0x5;
	s24 =	sadd.s32 $0x1, s24  }
0xfa: {  	p0 =	sne.s32 s24, $0x10;
	v2 =	vadd.f32 $-1.000000000e+00, v2  }
.Ltmp3:
0xfb: {  	v3 =	vadd.f32 $-1.000000000e+00, v3;
	v4 =	vpop (erf);
	(pc) =	sbr.rel @p0 .LBB2_7-.Ltmp3, $4  }
0xfc: {  	v2 =	vmul.f32 v4, v2;
	v63 =	vpop (erf)  }
0xfd: {  	s3 =	sand.u32 $0x3FFFFFE0, s3;
	v3 =	vmul.f32 v63, v3  }
0xfe: {  	[tilespmem:s3+$0x19F00] =	vst v2  }
0xff: {  	s7 =	sadd.s32 $0xC80, s7;
	[tilespmem:s3+$0x19F10] =	vst v3  }
0x100: {  	s3 =	sshll.u32 s22, $0x2;
	s7 =	rddreg [dreg:$0x2]  }
0x101: {  	s3 =	sadd.s32 s7, s3  }
0x102: {  	[hbm4b:s3+s4] =	stream.linear.scatter [tilespmem:s19], [sflag:$0x4], $0x200, $0x38;
	[tilespmem:$0x1A120] =	vst v63  }
0x103: {  	p0 =	sne.s32 s23, $0x10;
	_ =	swait.ge [sflag:s20], $0x200  }
.Ltmp4:
0x104: {  	[sflag:s20] =	ssyncset.done $0x0;
	(pc) =	sbr.rel @p0 .LBB2_2-.Ltmp4, $4  }
0x105: {  	[sflag:s20] =	ssyncadd.s32 $0xFFFFFE00  }
0x106: {  	_ =	swait.ge [sflag:s21], $0x200  }
0x107: {  	[sflag:s21] =	ssyncset.done $0x0  }
0x108: {  	[sflag:s21] =	ssyncadd.s32 $0xFFFFFE00  }
0x109: {  	s7 =	rddreg [dreg:$0x6]  }
0x10a: {  	s3 =	rddreg [dreg:$0x5];
	s7 =	sadd.s32 $0x1, s7  }
0x10b: {  	p0 =	sne.s32 s7, s3  }
.Ltmp5:
0x10c: {  	_ = 	snop;
	(pc) =	sbr.rel @p0 .LBB2_1-.Ltmp5, $1  }
0x10d: {  	_ =	sdelay $0x3  }
0x10e: {  	_ =	sfence.sel $0x180000  }
0x10f: {  	[bflag:$0x0] =	sbarrier.arrive $0xFFFF  }
0x110: {  	_ =	strace $0x9000004A  }
0x111: {  	s0 =	stileid.u32;
	[bflag:$0x2] =	sbarrier.arrive $0xFFFF  }
0x112: {  	p0 =	sne.s32 s0, $0x0;
	s0 =	rddreg [dreg:$0x3]  }
0x113: {  	s0 =	sadd.s32 @!p0 $0x100000, s0  }
0x114: {  	[sflag:s0] =	ssyncadd.tile.s32 @!p0 $0x1;
	_ =	shalt  }
.Lfunc_end2:
_tile_overlayer_lowered:
.L_overlay_start_2:
0x115: {  	(tag) =	ssettag $0x2  }
0x116: {  	s0 =	rddreg [dreg:$0x0];
	s2 =	stileid.u32  }
0x117: {  	s1 =	rddreg [dreg:$0x1];
	p0 =	sne.s32 s2, $0x0  }
0x118: {  	s3 =	rddreg [dreg:$0x2];
	[bflag:$0x3] =	sbarrier.arrive $0xFFFF;
	s2 =	simm.s32 @!p0 $0x1C05  }
0x119: {  	[timem:s3], [sflag:s2] =	dma.local @!p0 [hbm:s0], s1  }
0x11a: {  	s0 =	simm.s32 @!p0 $0x5  }
0x11b: {  	_ =	swait.ge @!p0 [sflag:s0], s1  }
0x11c: {  	s1 =	ssub.s32 @!p0 $0x0, s1;
	[sflag:s0] =	ssyncset.done @!p0 $0x0  }
0x11d: {  	[sflag:s0] =	ssyncadd.s32 @!p0 s1  }
0x11e: {  	[bflag:$0x3] =	sbarrier.arrive $0xFFFF  }
0x11f: {  	_ =	shalt  }

</sc_bundles>
